<compile_context>
chip_gen: v7x
topology: tpu7x:2x2x1
jax: 0.10.2.dev20260603
libtpu: 0.0.44.dev20260713+nightly
codegen_flags: <defaults>
</compile_context>

<pallas_src>
import functools

import jax
import jax.numpy as jnp
from jax import lax
from jax.experimental import pallas as pl
from jax.experimental.pallas import tpu as pltpu
from jax.experimental.pallas import tpu_sc as plsc

B = 16384
F = 64
NC = 2
NS = 16
NW = NC * NS
L = 16
BLK = 128
DEPTH = 8
CHUNK = 64

_i32 = jnp.int32


def _band(a, b):
    return lax.bitwise_and(a, _i32(b))


def _gather_kernel(sidx, slotinfo, dlist, tbl_t, n_total):
    mesh = plsc.VectorSubcoreMesh(core_axis_name="c", subcore_axis_name="s")
    cp = pltpu.CompilerParams(
        needs_layout_passes=False,
        use_tc_tiling_on_sc=True,
        disable_bounds_checks=True,
    )
    n = n_total // NW
    out_type = jax.ShapeDtypeStruct((n_total * F,), jnp.float32)

    @functools.partial(
        pl.kernel,
        out_type=out_type,
        mesh=mesh,
        compiler_params=cp,
        scratch_types=[
            pltpu.VMEM((n,), _i32),
            pltpu.VMEM((n,), _i32),
            pltpu.VMEM((n + 16,), _i32),
            pltpu.VMEM((DEPTH, F, BLK), jnp.float32),
            pltpu.VMEM((2, CHUNK * F), jnp.float32),
            pltpu.SemaphoreType.DMA,
            pltpu.SemaphoreType.DMA,
        ],
    )
    def k(sidx_hbm, slotinfo_hbm, dlist_hbm, tbl, gout,
          sidx_v, slot_v, dl_v, arena, staging, sem, sem_out):
        wid = lax.axis_index("s") * NC + lax.axis_index("c")
        lane = lax.iota(_i32, L)
        zero16 = jnp.zeros((L,), _i32)
        base = wid * n

        def extract(vec_ref, r):
            off = pl.multiple_of((r // L) * L, L)
            chunk = vec_ref[pl.ds(off, L)]
            return jnp.sum(jnp.where(lane == (r % L), chunk, zero16))

        pltpu.sync_copy(sidx_hbm.at[pl.ds(base, n)], sidx_v)
        pltpu.sync_copy(slotinfo_hbm.at[pl.ds(base, n)], slot_v)
        s0 = lax.shift_right_logical(extract(slot_v, 0), 1)
        slast = lax.shift_right_logical(extract(slot_v, n - 1), 1)
        s0a = pl.multiple_of(
            lax.shift_left(lax.shift_right_logical(s0, 3), 3), 8)
        pltpu.sync_copy(dlist_hbm.at[pl.ds(s0a, n + 8)],
                        dl_v.at[pl.ds(0, n + 8)])

        def issue(s):
            b = extract(dl_v, s - s0a)
            off = pl.multiple_of(b * BLK, BLK)
            pltpu.async_copy(tbl.at[:, pl.ds(off, BLK)],
                             arena.at[_band(s, DEPTH - 1)], sem)

        for kk in range(DEPTH - 1):
            @pl.when(s0 + kk <= slast)
            def _():
                issue(s0 + kk)

        @pl.loop(0, n)
        def _(r):
            rr = _band(r, CHUNK - 1)
            ck = lax.shift_right_logical(r, 6)
            p = _band(ck, 1)

            @pl.when(jnp.logical_and(rr == 0, ck >= 2))
            def _():
                pltpu.make_async_copy(
                    gout.at[pl.ds(0, CHUNK * F)], staging.at[p],
                    sem_out).wait()

            info = extract(slot_v, r)
            s = lax.shift_right_logical(info, 1)
            isn = _band(info, 1)
            d = _band(s, DEPTH - 1)

            @pl.when(jnp.logical_or(isn == 1, r == 0))
            def _():
                pltpu.make_async_copy(
                    tbl.at[:, pl.ds(0, BLK)], arena.at[d], sem).wait()
                s2 = s + DEPTH - 1

                @pl.when(s2 <= slast)
                def _():
                    issue(s2)

            c = _band(extract(sidx_v, r), BLK - 1)
            csp = jnp.full((L,), c, _i32)
            dsp = jnp.full((L,), d, _i32)
            for g in range(4):
                v = plsc.load_gather(arena, [dsp, lane + g * L, csp])
                soff = pl.multiple_of(rr * F + g * L, L)
                staging[p, pl.ds(soff, L)] = v

            @pl.when(rr == CHUNK - 1)
            def _():
                goff = pl.multiple_of(
                    (base + r - (CHUNK - 1)) * F, CHUNK * F)
                pltpu.async_copy(
                    staging.at[p], gout.at[pl.ds(goff, CHUNK * F)],
                    sem_out)

        for _unused in range(2):
            pltpu.make_async_copy(
                gout.at[pl.ds(0, CHUNK * F)], staging.at[0],
                sem_out).wait()

    return k(sidx, slotinfo, dlist, tbl_t)


def _dot_kernel(rk_u, rk_i, rk_j, gu, gi):
    mesh = plsc.VectorSubcoreMesh(core_axis_name="c", subcore_axis_name="s")
    cp = pltpu.CompilerParams(
        needs_layout_passes=False, use_tc_tiling_on_sc=False)
    BPW = B // NW
    out_type = (
        jax.ShapeDtypeStruct((B,), jnp.float32),
        jax.ShapeDtypeStruct((B,), jnp.float32),
    )

    @functools.partial(
        pl.kernel,
        out_type=out_type,
        mesh=mesh,
        compiler_params=cp,
        scratch_types=[
            pltpu.VMEM((BPW,), _i32),
            pltpu.VMEM((BPW,), _i32),
            pltpu.VMEM((BPW,), _i32),
            pltpu.VMEM((BPW, F), jnp.float32),
            pltpu.VMEM((BPW, F), jnp.float32),
            pltpu.VMEM((BPW, F), jnp.float32),
            pltpu.VMEM((BPW,), jnp.float32),
            pltpu.VMEM((BPW,), jnp.float32),
            pltpu.SemaphoreType.DMA,
            pltpu.SemaphoreType.DMA,
            pltpu.SemaphoreType.DMA,
        ],
    )
    def k(rku_hbm, rki_hbm, rkj_hbm, gu_hbm, gi_hbm, oi_hbm, oj_hbm,
          uidx, iidx, jidx, urows, irows, jrows, oi_v, oj_v, su_, si_, sj_):
        wid = lax.axis_index("s") * NC + lax.axis_index("c")
        base = wid * BPW

        pltpu.sync_copy(rku_hbm.at[pl.ds(base, BPW)], uidx)
        pltpu.sync_copy(rki_hbm.at[pl.ds(base, BPW)], iidx)
        pltpu.sync_copy(rkj_hbm.at[pl.ds(base, BPW)], jidx)

        cu = pltpu.async_copy(gu_hbm.at[uidx], urows, su_)
        ci = pltpu.async_copy(gi_hbm.at[iidx], irows, si_)
        cj = pltpu.async_copy(gi_hbm.at[jidx], jrows, sj_)
        cu.wait()
        ci.wait()
        cj.wait()

        lane = lax.iota(_i32, L)
        m15 = lane == (L - 1)

        @pl.loop(0, BPW)
        def _(r):
            u0 = urows[r, pl.ds(0, L)]
            u1 = urows[r, pl.ds(L, L)]
            u2 = urows[r, pl.ds(2 * L, L)]
            u3 = urows[r, pl.ds(3 * L, L)]
            a0 = irows[r, pl.ds(0, L)]
            a1 = irows[r, pl.ds(L, L)]
            a2 = irows[r, pl.ds(2 * L, L)]
            a3 = irows[r, pl.ds(3 * L, L)]
            b0 = jrows[r, pl.ds(0, L)]
            b1 = jrows[r, pl.ds(L, L)]
            b2 = jrows[r, pl.ds(2 * L, L)]
            b3 = jrows[r, pl.ds(3 * L, L)]
            acc_i = u0 * a0 + u1 * a1 + u2 * a2 + u3 * a3
            acc_j = u0 * b0 + u1 * b1 + u2 * b2 + u3 * b3
            rvec = jnp.full((L,), r, _i32)
            plsc.store_scatter(oi_v, [rvec], plsc.cumsum(acc_i), mask=m15)
            plsc.store_scatter(oj_v, [rvec], plsc.cumsum(acc_j), mask=m15)

        pltpu.sync_copy(oi_v, oi_hbm.at[pl.ds(base, BPW)])
        pltpu.sync_copy(oj_v, oj_hbm.at[pl.ds(base, BPW)])

    return k(rk_u, rk_i, rk_j, gu, gi)


def _sorted_stream(idx, wpos):
    n = idx.shape[0]
    iota = lax.iota(_i32, n)
    packed = lax.bitwise_or(
        lax.shift_left(lax.shift_right_logical(idx, 7), wpos), iota)
    sp, carr = lax.sort([packed, lax.bitwise_and(idx, _i32(127))],
                        num_keys=1)
    pos = lax.bitwise_and(sp, _i32((1 << wpos) - 1))
    blocks = lax.shift_right_logical(sp, wpos)
    rank = lax.sort([pos, iota], num_keys=1)[1]
    isnew = jnp.concatenate(
        [jnp.ones((1,), _i32), (jnp.diff(blocks) != 0).astype(_i32)])
    slot = jnp.cumsum(isnew, dtype=_i32) - 1
    slotinfo = slot * 2 + isnew
    ckey = jnp.where(isnew == 1, slot, _i32(n))
    dcomp = lax.sort([ckey, blocks], num_keys=1)[1]
    dlist = jnp.concatenate([dcomp, jnp.zeros((16,), _i32)])
    return carr, slotinfo, dlist, rank


def kernel(user, item_i, item_j, embed_user, embed_item):
    user = user.astype(_i32)
    item_i = item_i.astype(_i32)
    item_j = item_j.astype(_i32)

    carr_u, slotinfo_u, dlist_u, rank_u = _sorted_stream(user, 14)
    gu_flat = _gather_kernel(carr_u, slotinfo_u, dlist_u, embed_user.T, B)

    items = jnp.concatenate([item_i, item_j])
    carr_i, slotinfo_i, dlist_i, rank_it = _sorted_stream(items, 15)
    gi_flat = _gather_kernel(carr_i, slotinfo_i, dlist_i, embed_item.T, 2 * B)

    gu = gu_flat.reshape(B, F)
    gi = gi_flat.reshape(2 * B, F)

    return _dot_kernel(rank_u, rank_it[:B], rank_it[B:], gu, gi)

# --- scband reference (transcript-rebuilt; emitter-appended) ---
"""Pipeline reference for scband-pair-mf-8297876816424 (READ-ONLY COPY).

The authoritative reference and input builder live on the scoring server;
editing this copy changes nothing except your own understanding.
"""

import jax, jax.numpy as jnp
import numpy as np

USER_NUM = 1000000
ITEM_NUM = 1000000
FACTORS = 64
BATCH = 16384

def setup_inputs(seed: int = 0) -> dict:
    key = jax.random.key(seed)
    k1, k2, k3, k4, k5 = jax.random.split(key, 5)
    user = jax.random.randint(k1, (BATCH,), 0, USER_NUM, dtype=jnp.int64) if jax.config.jax_enable_x64 else jax.random.randint(k1, (BATCH,), 0, USER_NUM, dtype=jnp.int32)
    item_i = jax.random.randint(k2, (BATCH,), 0, ITEM_NUM, dtype=user.dtype)
    item_j = jax.random.randint(k3, (BATCH,), 0, ITEM_NUM, dtype=user.dtype)
    embed_user = jax.random.normal(k4, (USER_NUM, FACTORS), dtype=jnp.float32) * 0.01
    embed_item = jax.random.normal(k5, (ITEM_NUM, FACTORS), dtype=jnp.float32) * 0.01
    return {"user": user, "item_i": item_i, "item_j": item_j,
            "embed_user": embed_user, "embed_item": embed_item}

def reference(user, item_i, item_j, embed_user, embed_item):
    # Faithful translation of PairMF.forward
    u = jnp.take(embed_user, user, axis=0)      # embedding lookup [B, F]
    ii = jnp.take(embed_item, item_i, axis=0)   # [B, F]
    ij = jnp.take(embed_item, item_j, axis=0)   # [B, F]
    pred_i = (u * ii).sum(axis=-1)              # [B]
    pred_j = (u * ij).sum(axis=-1)              # [B]
    return (pred_i, pred_j)

if __name__ == "__main__":
    import jax
    _d = setup_inputs()
    print(jax.jit(kernel)(*tuple(_d.values())))

</pallas_src>

<mosaic_0001>
#map = affine_map<(d0, d1) -> (0)>
#map1 = affine_map<(d0, d1) -> (0, 0)>
module attributes {stable_mosaic.version = 14 : i64} {
  func.func @k(%arg0: i32, %arg1: i32, %arg2: memref<32768xi32, #tpu.memory_space<hbm>>, %arg3: memref<32768xi32, #tpu.memory_space<hbm>>, %arg4: memref<32784xi32, #tpu.memory_space<hbm>>, %arg5: memref<64x1000000xf32, #tpu.memory_space<hbm>>, %arg6: memref<2097152xf32, #tpu.memory_space<hbm>>, %arg7: memref<1024xi32, #tpu.memory_space<vmem>>, %arg8: memref<1024xi32, #tpu.memory_space<vmem>>, %arg9: memref<1040xi32, #tpu.memory_space<vmem>>, %arg10: memref<8x64x128xf32, #tpu.memory_space<vmem>>, %arg11: memref<2x4096xf32, #tpu.memory_space<vmem>>, %arg12: memref<!tpu.dma_semaphore, #tpu.memory_space<semaphore_mem>>, %arg13: memref<!tpu.dma_semaphore, #tpu.memory_space<semaphore_mem>>) attributes {dimension_semantics = [#tpu.dimension_semantics<core_parallel>, #tpu.dimension_semantics<subcore_parallel>], iteration_bounds = array<i64: 2, 16>, scalar_prefetch = 0 : i64, scratch_operands = 7 : i64, tpu.core_type = #tpu.core_type<sc_vector_subcore>, window_params = [{transform_indices = #map}, {transform_indices = #map}, {transform_indices = #map}, {transform_indices = #map1}, {transform_indices = #map}]} {
    %mul3A = arith.constant 2 : i32
    %mul3A_0 = arith.muli %arg1, %mul3A : i32
    %add3A = arith.addi %mul3A_0, %arg0 : i32
    %iota3A = tpu.iota {dimensions = array<i32: 0>} : vector<16xi32>
    %broadcast_in_dim3A = arith.constant 0 : i32
    %broadcast_in_dim3A_1 = vector.broadcast %broadcast_in_dim3A : i32 to vector<16xi32>
    %mul3A_2 = arith.constant 1024 : i32
    %mul3A_3 = arith.muli %add3A, %mul3A_2 : i32
    "tpu.region"() ({
      %run_scoped3A = tpu.sem_alloc : memref<!tpu.dma_semaphore, #tpu.memory_space<semaphore_mem>>
      %dma_start3A = tpu.memref_slice %arg2[%mul3A_3] : memref<32768xi32, #tpu.memory_space<hbm>> -> memref<1024xi32, #tpu.memory_space<hbm>>
      %dma_start3A_94 = tpu.memref_slice %arg2[%mul3A_3] : memref<32768xi32, #tpu.memory_space<hbm>> -> memref<1024xi32, #tpu.memory_space<hbm>>
      tpu.enqueue_dma source(%dma_start3A_94 : memref<1024xi32, #tpu.memory_space<hbm>>) target(%arg7 : memref<1024xi32, #tpu.memory_space<vmem>>) target_semaphore(%run_scoped3A : memref<!tpu.dma_semaphore, #tpu.memory_space<semaphore_mem>>)
      %dma_wait3A_95 = tpu.memref_slice %arg2[%mul3A_3] : memref<32768xi32, #tpu.memory_space<hbm>> -> memref<1024xi32, #tpu.memory_space<hbm>>
      %dma_wait3A_96 = tpu.memref_slice %arg2[%mul3A_3] : memref<32768xi32, #tpu.memory_space<hbm>> -> memref<1024xi32, #tpu.memory_space<hbm>>
      tpu.wait_dma2 semaphore(%run_scoped3A : memref<!tpu.dma_semaphore, #tpu.memory_space<semaphore_mem>>) src(%dma_wait3A_96 : memref<1024xi32, #tpu.memory_space<hbm>>) dst(%arg7 : memref<1024xi32, #tpu.memory_space<vmem>>)
      tpu.yield
    }) : () -> ()
    "tpu.region"() ({
      %run_scoped3A = tpu.sem_alloc : memref<!tpu.dma_semaphore, #tpu.memory_space<semaphore_mem>>
      %dma_start3A = tpu.memref_slice %arg3[%mul3A_3] : memref<32768xi32, #tpu.memory_space<hbm>> -> memref<1024xi32, #tpu.memory_space<hbm>>
      %dma_start3A_94 = tpu.memref_slice %arg3[%mul3A_3] : memref<32768xi32, #tpu.memory_space<hbm>> -> memref<1024xi32, #tpu.memory_space<hbm>>
      tpu.enqueue_dma source(%dma_start3A_94 : memref<1024xi32, #tpu.memory_space<hbm>>) target(%arg8 : memref<1024xi32, #tpu.memory_space<vmem>>) target_semaphore(%run_scoped3A : memref<!tpu.dma_semaphore, #tpu.memory_space<semaphore_mem>>)
      %dma_wait3A_95 = tpu.memref_slice %arg3[%mul3A_3] : memref<32768xi32, #tpu.memory_space<hbm>> -> memref<1024xi32, #tpu.memory_space<hbm>>
      %dma_wait3A_96 = tpu.memref_slice %arg3[%mul3A_3] : memref<32768xi32, #tpu.memory_space<hbm>> -> memref<1024xi32, #tpu.memory_space<hbm>>
      tpu.wait_dma2 semaphore(%run_scoped3A : memref<!tpu.dma_semaphore, #tpu.memory_space<semaphore_mem>>) src(%dma_wait3A_96 : memref<1024xi32, #tpu.memory_space<hbm>>) dst(%arg8 : memref<1024xi32, #tpu.memory_space<vmem>>)
      tpu.yield
    }) : () -> ()
    %multiple_of3A = arith.constant 0 : i32
    %multiple_of3A_4 = tpu.assume_multiple %multiple_of3A, 16 : i32
    %get3A = arith.index_cast %multiple_of3A_4 : i32 to index
    %get3A_5 = tpu.vector_load %arg8[%get3A] {strides = array<i32>} : memref<1024xi32, #tpu.memory_space<vmem>>, vector<16xi32>,
    %eq3A = arith.constant 0 : i32
    %eq3A_6 = vector.broadcast %eq3A : i32 to vector<16xi32>
    %eq3A_7 = arith.cmpi eq, %iota3A, %eq3A_6 : vector<16xi32>
    %select_n3A = arith.select %eq3A_7, %get3A_5, %broadcast_in_dim3A_1 : vector<16xi1>, vector<16xi32>
    %reduce_sum3A = arith.constant true
    %reduce_sum3A_8 = vector.broadcast %reduce_sum3A : i1 to vector<16xi1>
    %reduce_sum3A_9 = tpu.scan <sum>, %select_n3A masked %reduce_sum3A_8 : vector<16xi32>, vector<16xi1> -> vector<16xi32>
    %reduce_sum3A_10 = vector.extract %reduce_sum3A_9[15] : i32 from vector<16xi32>
    %shift_right_logical3A = arith.constant 1 : i32
    %shift_right_logical3A_11 = arith.shrui %reduce_sum3A_10, %shift_right_logical3A : i32
    %multiple_of3A_12 = arith.constant 1008 : i32
    %multiple_of3A_13 = tpu.assume_multiple %multiple_of3A_12, 16 : i32
    %get3A_14 = arith.index_cast %multiple_of3A_13 : i32 to index
    %get3A_15 = tpu.vector_load %arg8[%get3A_14] {strides = array<i32>} : memref<1024xi32, #tpu.memory_space<vmem>>, vector<16xi32>,
    %eq3A_16 = arith.constant 15 : i32
    %eq3A_17 = vector.broadcast %eq3A_16 : i32 to vector<16xi32>
    %eq3A_18 = arith.cmpi eq, %iota3A, %eq3A_17 : vector<16xi32>
    %select_n3A_19 = arith.select %eq3A_18, %get3A_15, %broadcast_in_dim3A_1 : vector<16xi1>, vector<16xi32>
    %reduce_sum3A_20 = arith.constant true
    %reduce_sum3A_21 = vector.broadcast %reduce_sum3A_20 : i1 to vector<16xi1>
    %reduce_sum3A_22 = tpu.scan <sum>, %select_n3A_19 masked %reduce_sum3A_21 : vector<16xi32>, vector<16xi1> -> vector<16xi32>
    %reduce_sum3A_23 = vector.extract %reduce_sum3A_22[15] : i32 from vector<16xi32>
    %shift_right_logical3A_24 = arith.constant 1 : i32
    %shift_right_logical3A_25 = arith.shrui %reduce_sum3A_23, %shift_right_logical3A_24 : i32
    %shift_right_logical3A_26 = arith.constant 3 : i32
    %shift_right_logical3A_27 = arith.shrui %shift_right_logical3A_11, %shift_right_logical3A_26 : i32
    %shift_left3A = arith.constant 3 : i32
    %shift_left3A_28 = arith.shli %shift_right_logical3A_27, %shift_left3A : i32
    %multiple_of3A_29 = tpu.assume_multiple %shift_left3A_28, 8 : i32
    "tpu.region"() ({
      %run_scoped3A = tpu.sem_alloc : memref<!tpu.dma_semaphore, #tpu.memory_space<semaphore_mem>>
      %dma_start3A = arith.constant 0 : i32
      %dma_start3A_94 = tpu.memref_slice %arg9[%dma_start3A] : memref<1040xi32, #tpu.memory_space<vmem>> -> memref<1032xi32, #tpu.memory_space<vmem>>
      %dma_start3A_95 = tpu.memref_slice %arg4[%multiple_of3A_29] : memref<32784xi32, #tpu.memory_space<hbm>> -> memref<1032xi32, #tpu.memory_space<hbm>>
      %dma_start3A_96 = arith.constant 0 : i32
      %dma_start3A_97 = tpu.memref_slice %arg9[%dma_start3A_96] : memref<1040xi32, #tpu.memory_space<vmem>> -> memref<1032xi32, #tpu.memory_space<vmem>>
      %dma_start3A_98 = tpu.memref_slice %arg4[%multiple_of3A_29] : memref<32784xi32, #tpu.memory_space<hbm>> -> memref<1032xi32, #tpu.memory_space<hbm>>
      tpu.enqueue_dma source(%dma_start3A_98 : memref<1032xi32, #tpu.memory_space<hbm>>) target(%dma_start3A_97 : memref<1032xi32, #tpu.memory_space<vmem>>) target_semaphore(%run_scoped3A : memref<!tpu.dma_semaphore, #tpu.memory_space<semaphore_mem>>)
      %dma_wait3A_99 = arith.constant 0 : i32
      %dma_wait3A_100 = tpu.memref_slice %arg9[%dma_wait3A_99] : memref<1040xi32, #tpu.memory_space<vmem>> -> memref<1032xi32, #tpu.memory_space<vmem>>
      %dma_wait3A_101 = tpu.memref_slice %arg4[%multiple_of3A_29] : memref<32784xi32, #tpu.memory_space<hbm>> -> memref<1032xi32, #tpu.memory_space<hbm>>
      %dma_wait3A_102 = arith.constant 0 : i32
      %dma_wait3A_103 = tpu.memref_slice %arg9[%dma_wait3A_102] : memref<1040xi32, #tpu.memory_space<vmem>> -> memref<1032xi32, #tpu.memory_space<vmem>>
      %dma_wait3A_104 = tpu.memref_slice %arg4[%multiple_of3A_29] : memref<32784xi32, #tpu.memory_space<hbm>> -> memref<1032xi32, #tpu.memory_space<hbm>>
      tpu.wait_dma2 semaphore(%run_scoped3A : memref<!tpu.dma_semaphore, #tpu.memory_space<semaphore_mem>>) src(%dma_wait3A_104 : memref<1032xi32, #tpu.memory_space<hbm>>) dst(%dma_wait3A_103 : memref<1032xi32, #tpu.memory_space<vmem>>)
      tpu.yield
    }) : () -> ()
    %add3A_30 = arith.constant 0 : i32
    %add3A_31 = arith.addi %shift_right_logical3A_11, %add3A_30 : i32
    %le3A = arith.cmpi sle, %add3A_31, %shift_right_logical3A_25 : i32
    %convert_element_type3A = arith.extui %le3A : i1 to i32
    %cond3A = arith.constant 0 : i32
    %cond3A_32 = arith.cmpi ne, %convert_element_type3A, %cond3A : i32
    scf.if %cond3A_32 {
      %add3A_94 = arith.constant 0 : i32
      %add3A_95 = arith.addi %shift_right_logical3A_11, %add3A_94 : i32
      %sub3A = arith.subi %add3A_95, %multiple_of3A_29 : i32
      %jit3A = arith.constant 16 : i32
      %div3A = arith.divsi %sub3A, %jit3A : i32
      %sign3A = arith.constant 0 : i32
      %sign3A_96 = arith.cmpi sgt, %sub3A, %sign3A : i32
      %sign3A_97 = arith.extui %sign3A_96 : i1 to i32
      %sign3A_98 = arith.constant 0 : i32
      %sign3A_99 = arith.cmpi slt, %sub3A, %sign3A_98 : i32
      %sign3A_100 = arith.extui %sign3A_99 : i1 to i32
      %sign3A_101 = arith.subi %sign3A_97, %sign3A_100 : i32
      %sign3A_102 = arith.constant 0 : i32
      %sign3A_103 = arith.cmpi sgt, %jit3A, %sign3A_102 : i32
      %sign3A_104 = arith.extui %sign3A_103 : i1 to i32
      %sign3A_105 = arith.constant 0 : i32
      %sign3A_106 = arith.cmpi slt, %jit3A, %sign3A_105 : i32
      %sign3A_107 = arith.extui %sign3A_106 : i1 to i32
      %sign3A_108 = arith.subi %sign3A_104, %sign3A_107 : i32
      %ne3A = arith.cmpi ne, %sign3A_101, %sign3A_108 : i32
      %rem3A = arith.remsi %sub3A, %jit3A : i32
      %ne3A_109 = arith.constant 0 : i32
      %ne3A_110 = arith.cmpi ne, %rem3A, %ne3A_109 : i32
      %and3A = arith.andi %ne3A, %ne3A_110 : i1
      %sub3A_111 = arith.constant 1 : i32
      %sub3A_112 = arith.subi %div3A, %sub3A_111 : i32
      %select_n3A_113 = arith.select %and3A, %sub3A_112, %div3A : i32
      %mul3A_114 = arith.constant 16 : i32
      %mul3A_115 = arith.muli %select_n3A_113, %mul3A_114 : i32
      %multiple_of3A_116 = tpu.assume_multiple %mul3A_115, 16 : i32
      %get3A_117 = arith.index_cast %multiple_of3A_116 : i32 to index
      %get3A_118 = tpu.vector_load %arg9[%get3A_117] {strides = array<i32>} : memref<1040xi32, #tpu.memory_space<vmem>>, vector<16xi32>,
      %jit3A_119 = arith.constant 16 : i32
      %eq3A_120 = arith.constant 0 : i32
      %eq3A_121 = arith.cmpi eq, %jit3A_119, %eq3A_120 : i32
      %jit3A_122 = arith.constant 1 : i32
      %select_n3A_123 = arith.select %eq3A_121, %jit3A_122, %jit3A_119 : i32
      %rem3A_124 = arith.remsi %sub3A, %select_n3A_123 : i32
      %ne3A_125 = arith.constant 0 : i32
      %ne3A_126 = arith.cmpi ne, %rem3A_124, %ne3A_125 : i32
      %lt3A = arith.constant 0 : i32
      %lt3A_127 = arith.cmpi slt, %rem3A_124, %lt3A : i32
      %lt3A_128 = arith.constant 0 : i32
      %lt3A_129 = arith.cmpi slt, %select_n3A_123, %lt3A_128 : i32
      %ne3A_130 = arith.xori %lt3A_127, %lt3A_129 : i1
      %and3A_131 = arith.andi %ne3A_130, %ne3A_126 : i1
      %add3A_132 = arith.addi %rem3A_124, %select_n3A_123 : i32
      %select_n3A_133 = arith.select %and3A_131, %add3A_132, %rem3A_124 : i32
      %eq3A_134 = vector.broadcast %select_n3A_133 : i32 to vector<16xi32>
      %eq3A_135 = arith.cmpi eq, %iota3A, %eq3A_134 : vector<16xi32>
      %select_n3A_136 = arith.select %eq3A_135, %get3A_118, %broadcast_in_dim3A_1 : vector<16xi1>, vector<16xi32>
      %reduce_sum3A_137 = arith.constant true
      %reduce_sum3A_138 = vector.broadcast %reduce_sum3A_137 : i1 to vector<16xi1>
      %reduce_sum3A_139 = tpu.scan <sum>, %select_n3A_136 masked %reduce_sum3A_138 : vector<16xi32>, vector<16xi1> -> vector<16xi32>
      %reduce_sum3A_140 = vector.extract %reduce_sum3A_139[15] : i32 from vector<16xi32>
      %mul3A_141 = arith.constant 128 : i32
      %mul3A_142 = arith.muli %reduce_sum3A_140, %mul3A_141 : i32
      %multiple_of3A_143 = tpu.assume_multiple %mul3A_142, 128 : i32
      %and3A_144 = arith.constant 7 : i32
      %and3A_145 = arith.andi %add3A_95, %and3A_144 : i32
      %dma_start3A = arith.constant 0 : i32
      %dma_start3A_146 = arith.constant 0 : i32
      %dma_start3A_147 = tpu.memref_slice %arg10[%and3A_145, %dma_start3A, %dma_start3A_146] : memref<8x64x128xf32, #tpu.memory_space<vmem>> -> memref<1x64x128xf32, #tpu.memory_space<vmem>>
      %dma_start3A_148 = tpu.memref_squeeze %dma_start3A_147 : memref<1x64x128xf32, #tpu.memory_space<vmem>> -> memref<64x128xf32, #tpu.memory_space<vmem>>
      %dma_start3A_149 = arith.constant 0 : i32
      %dma_start3A_150 = tpu.memref_slice %arg5[%dma_start3A_149, %multiple_of3A_143] : memref<64x1000000xf32, #tpu.memory_space<hbm>> -> memref<64x128xf32, #tpu.memory_space<hbm>>
      %dma_start3A_151 = arith.constant 0 : i32
      %dma_start3A_152 = arith.constant 0 : i32
      %dma_start3A_153 = tpu.memref_slice %arg10[%and3A_145, %dma_start3A_151, %dma_start3A_152] : memref<8x64x128xf32, #tpu.memory_space<vmem>> -> memref<1x64x128xf32, #tpu.memory_space<vmem>>
      %dma_start3A_154 = tpu.memref_squeeze %dma_start3A_153 : memref<1x64x128xf32, #tpu.memory_space<vmem>> -> memref<64x128xf32, #tpu.memory_space<vmem>>
      %dma_start3A_155 = arith.constant 0 : i32
      %dma_start3A_156 = tpu.memref_slice %arg5[%dma_start3A_155, %multiple_of3A_143] : memref<64x1000000xf32, #tpu.memory_space<hbm>> -> memref<64x128xf32, #tpu.memory_space<hbm>>
      tpu.enqueue_dma source(%dma_start3A_156 : memref<64x128xf32, #tpu.memory_space<hbm>>) target(%dma_start3A_154 : memref<64x128xf32, #tpu.memory_space<vmem>>) target_semaphore(%arg12 : memref<!tpu.dma_semaphore, #tpu.memory_space<semaphore_mem>>)
    } else {
    }
    %add3A_33 = arith.constant 1 : i32
    %add3A_34 = arith.addi %shift_right_logical3A_11, %add3A_33 : i32
    %le3A_35 = arith.cmpi sle, %add3A_34, %shift_right_logical3A_25 : i32
    %convert_element_type3A_36 = arith.extui %le3A_35 : i1 to i32
    %cond3A_37 = arith.constant 0 : i32
    %cond3A_38 = arith.cmpi ne, %convert_element_type3A_36, %cond3A_37 : i32
    scf.if %cond3A_38 {
      %add3A_94 = arith.constant 1 : i32
      %add3A_95 = arith.addi %shift_right_logical3A_11, %add3A_94 : i32
      %sub3A = arith.subi %add3A_95, %multiple_of3A_29 : i32
      %jit3A = arith.constant 16 : i32
      %div3A = arith.divsi %sub3A, %jit3A : i32
      %sign3A = arith.constant 0 : i32
      %sign3A_96 = arith.cmpi sgt, %sub3A, %sign3A : i32
      %sign3A_97 = arith.extui %sign3A_96 : i1 to i32
      %sign3A_98 = arith.constant 0 : i32
      %sign3A_99 = arith.cmpi slt, %sub3A, %sign3A_98 : i32
      %sign3A_100 = arith.extui %sign3A_99 : i1 to i32
      %sign3A_101 = arith.subi %sign3A_97, %sign3A_100 : i32
      %sign3A_102 = arith.constant 0 : i32
      %sign3A_103 = arith.cmpi sgt, %jit3A, %sign3A_102 : i32
      %sign3A_104 = arith.extui %sign3A_103 : i1 to i32
      %sign3A_105 = arith.constant 0 : i32
      %sign3A_106 = arith.cmpi slt, %jit3A, %sign3A_105 : i32
      %sign3A_107 = arith.extui %sign3A_106 : i1 to i32
      %sign3A_108 = arith.subi %sign3A_104, %sign3A_107 : i32
      %ne3A = arith.cmpi ne, %sign3A_101, %sign3A_108 : i32
      %rem3A = arith.remsi %sub3A, %jit3A : i32
      %ne3A_109 = arith.constant 0 : i32
      %ne3A_110 = arith.cmpi ne, %rem3A, %ne3A_109 : i32
      %and3A = arith.andi %ne3A, %ne3A_110 : i1
      %sub3A_111 = arith.constant 1 : i32
      %sub3A_112 = arith.subi %div3A, %sub3A_111 : i32
      %select_n3A_113 = arith.select %and3A, %sub3A_112, %div3A : i32
      %mul3A_114 = arith.constant 16 : i32
      %mul3A_115 = arith.muli %select_n3A_113, %mul3A_114 : i32
      %multiple_of3A_116 = tpu.assume_multiple %mul3A_115, 16 : i32
      %get3A_117 = arith.index_cast %multiple_of3A_116 : i32 to index
      %get3A_118 = tpu.vector_load %arg9[%get3A_117] {strides = array<i32>} : memref<1040xi32, #tpu.memory_space<vmem>>, vector<16xi32>,
      %jit3A_119 = arith.constant 16 : i32
      %eq3A_120 = arith.constant 0 : i32
      %eq3A_121 = arith.cmpi eq, %jit3A_119, %eq3A_120 : i32
      %jit3A_122 = arith.constant 1 : i32
      %select_n3A_123 = arith.select %eq3A_121, %jit3A_122, %jit3A_119 : i32
      %rem3A_124 = arith.remsi %sub3A, %select_n3A_123 : i32
      %ne3A_125 = arith.constant 0 : i32
      %ne3A_126 = arith.cmpi ne, %rem3A_124, %ne3A_125 : i32
      %lt3A = arith.constant 0 : i32
      %lt3A_127 = arith.cmpi slt, %rem3A_124, %lt3A : i32
      %lt3A_128 = arith.constant 0 : i32
      %lt3A_129 = arith.cmpi slt, %select_n3A_123, %lt3A_128 : i32
      %ne3A_130 = arith.xori %lt3A_127, %lt3A_129 : i1
      %and3A_131 = arith.andi %ne3A_130, %ne3A_126 : i1
      %add3A_132 = arith.addi %rem3A_124, %select_n3A_123 : i32
      %select_n3A_133 = arith.select %and3A_131, %add3A_132, %rem3A_124 : i32
      %eq3A_134 = vector.broadcast %select_n3A_133 : i32 to vector<16xi32>
      %eq3A_135 = arith.cmpi eq, %iota3A, %eq3A_134 : vector<16xi32>
      %select_n3A_136 = arith.select %eq3A_135, %get3A_118, %broadcast_in_dim3A_1 : vector<16xi1>, vector<16xi32>
      %reduce_sum3A_137 = arith.constant true
      %reduce_sum3A_138 = vector.broadcast %reduce_sum3A_137 : i1 to vector<16xi1>
      %reduce_sum3A_139 = tpu.scan <sum>, %select_n3A_136 masked %reduce_sum3A_138 : vector<16xi32>, vector<16xi1> -> vector<16xi32>
      %reduce_sum3A_140 = vector.extract %reduce_sum3A_139[15] : i32 from vector<16xi32>
      %mul3A_141 = arith.constant 128 : i32
      %mul3A_142 = arith.muli %reduce_sum3A_140, %mul3A_141 : i32
      %multiple_of3A_143 = tpu.assume_multiple %mul3A_142, 128 : i32
      %and3A_144 = arith.constant 7 : i32
      %and3A_145 = arith.andi %add3A_95, %and3A_144 : i32
      %dma_start3A = arith.constant 0 : i32
      %dma_start3A_146 = arith.constant 0 : i32
      %dma_start3A_147 = tpu.memref_slice %arg10[%and3A_145, %dma_start3A, %dma_start3A_146] : memref<8x64x128xf32, #tpu.memory_space<vmem>> -> memref<1x64x128xf32, #tpu.memory_space<vmem>>
      %dma_start3A_148 = tpu.memref_squeeze %dma_start3A_147 : memref<1x64x128xf32, #tpu.memory_space<vmem>> -> memref<64x128xf32, #tpu.memory_space<vmem>>
      %dma_start3A_149 = arith.constant 0 : i32
      %dma_start3A_150 = tpu.memref_slice %arg5[%dma_start3A_149, %multiple_of3A_143] : memref<64x1000000xf32, #tpu.memory_space<hbm>> -> memref<64x128xf32, #tpu.memory_space<hbm>>
      %dma_start3A_151 = arith.constant 0 : i32
      %dma_start3A_152 = arith.constant 0 : i32
      %dma_start3A_153 = tpu.memref_slice %arg10[%and3A_145, %dma_start3A_151, %dma_start3A_152] : memref<8x64x128xf32, #tpu.memory_space<vmem>> -> memref<1x64x128xf32, #tpu.memory_space<vmem>>
      %dma_start3A_154 = tpu.memref_squeeze %dma_start3A_153 : memref<1x64x128xf32, #tpu.memory_space<vmem>> -> memref<64x128xf32, #tpu.memory_space<vmem>>
      %dma_start3A_155 = arith.constant 0 : i32
      %dma_start3A_156 = tpu.memref_slice %arg5[%dma_start3A_155, %multiple_of3A_143] : memref<64x1000000xf32, #tpu.memory_space<hbm>> -> memref<64x128xf32, #tpu.memory_space<hbm>>
      tpu.enqueue_dma source(%dma_start3A_156 : memref<64x128xf32, #tpu.memory_space<hbm>>) target(%dma_start3A_154 : memref<64x128xf32, #tpu.memory_space<vmem>>) target_semaphore(%arg12 : memref<!tpu.dma_semaphore, #tpu.memory_space<semaphore_mem>>)
    } else {
    }
    %add3A_39 = arith.constant 2 : i32
    %add3A_40 = arith.addi %shift_right_logical3A_11, %add3A_39 : i32
    %le3A_41 = arith.cmpi sle, %add3A_40, %shift_right_logical3A_25 : i32
    %convert_element_type3A_42 = arith.extui %le3A_41 : i1 to i32
    %cond3A_43 = arith.constant 0 : i32
    %cond3A_44 = arith.cmpi ne, %convert_element_type3A_42, %cond3A_43 : i32
    scf.if %cond3A_44 {
      %add3A_94 = arith.constant 2 : i32
      %add3A_95 = arith.addi %shift_right_logical3A_11, %add3A_94 : i32
      %sub3A = arith.subi %add3A_95, %multiple_of3A_29 : i32
      %jit3A = arith.constant 16 : i32
      %div3A = arith.divsi %sub3A, %jit3A : i32
      %sign3A = arith.constant 0 : i32
      %sign3A_96 = arith.cmpi sgt, %sub3A, %sign3A : i32
      %sign3A_97 = arith.extui %sign3A_96 : i1 to i32
      %sign3A_98 = arith.constant 0 : i32
      %sign3A_99 = arith.cmpi slt, %sub3A, %sign3A_98 : i32
      %sign3A_100 = arith.extui %sign3A_99 : i1 to i32
      %sign3A_101 = arith.subi %sign3A_97, %sign3A_100 : i32
      %sign3A_102 = arith.constant 0 : i32
      %sign3A_103 = arith.cmpi sgt, %jit3A, %sign3A_102 : i32
      %sign3A_104 = arith.extui %sign3A_103 : i1 to i32
      %sign3A_105 = arith.constant 0 : i32
      %sign3A_106 = arith.cmpi slt, %jit3A, %sign3A_105 : i32
      %sign3A_107 = arith.extui %sign3A_106 : i1 to i32
      %sign3A_108 = arith.subi %sign3A_104, %sign3A_107 : i32
      %ne3A = arith.cmpi ne, %sign3A_101, %sign3A_108 : i32
      %rem3A = arith.remsi %sub3A, %jit3A : i32
      %ne3A_109 = arith.constant 0 : i32
      %ne3A_110 = arith.cmpi ne, %rem3A, %ne3A_109 : i32
      %and3A = arith.andi %ne3A, %ne3A_110 : i1
      %sub3A_111 = arith.constant 1 : i32
      %sub3A_112 = arith.subi %div3A, %sub3A_111 : i32
      %select_n3A_113 = arith.select %and3A, %sub3A_112, %div3A : i32
      %mul3A_114 = arith.constant 16 : i32
      %mul3A_115 = arith.muli %select_n3A_113, %mul3A_114 : i32
      %multiple_of3A_116 = tpu.assume_multiple %mul3A_115, 16 : i32
      %get3A_117 = arith.index_cast %multiple_of3A_116 : i32 to index
      %get3A_118 = tpu.vector_load %arg9[%get3A_117] {strides = array<i32>} : memref<1040xi32, #tpu.memory_space<vmem>>, vector<16xi32>,
      %jit3A_119 = arith.constant 16 : i32
      %eq3A_120 = arith.constant 0 : i32
      %eq3A_121 = arith.cmpi eq, %jit3A_119, %eq3A_120 : i32
      %jit3A_122 = arith.constant 1 : i32
      %select_n3A_123 = arith.select %eq3A_121, %jit3A_122, %jit3A_119 : i32
      %rem3A_124 = arith.remsi %sub3A, %select_n3A_123 : i32
      %ne3A_125 = arith.constant 0 : i32
      %ne3A_126 = arith.cmpi ne, %rem3A_124, %ne3A_125 : i32
      %lt3A = arith.constant 0 : i32
      %lt3A_127 = arith.cmpi slt, %rem3A_124, %lt3A : i32
      %lt3A_128 = arith.constant 0 : i32
      %lt3A_129 = arith.cmpi slt, %select_n3A_123, %lt3A_128 : i32
      %ne3A_130 = arith.xori %lt3A_127, %lt3A_129 : i1
      %and3A_131 = arith.andi %ne3A_130, %ne3A_126 : i1
      %add3A_132 = arith.addi %rem3A_124, %select_n3A_123 : i32
      %select_n3A_133 = arith.select %and3A_131, %add3A_132, %rem3A_124 : i32
      %eq3A_134 = vector.broadcast %select_n3A_133 : i32 to vector<16xi32>
      %eq3A_135 = arith.cmpi eq, %iota3A, %eq3A_134 : vector<16xi32>
      %select_n3A_136 = arith.select %eq3A_135, %get3A_118, %broadcast_in_dim3A_1 : vector<16xi1>, vector<16xi32>
      %reduce_sum3A_137 = arith.constant true
      %reduce_sum3A_138 = vector.broadcast %reduce_sum3A_137 : i1 to vector<16xi1>
      %reduce_sum3A_139 = tpu.scan <sum>, %select_n3A_136 masked %reduce_sum3A_138 : vector<16xi32>, vector<16xi1> -> vector<16xi32>
      %reduce_sum3A_140 = vector.extract %reduce_sum3A_139[15] : i32 from vector<16xi32>
      %mul3A_141 = arith.constant 128 : i32
      %mul3A_142 = arith.muli %reduce_sum3A_140, %mul3A_141 : i32
      %multiple_of3A_143 = tpu.assume_multiple %mul3A_142, 128 : i32
      %and3A_144 = arith.constant 7 : i32
      %and3A_145 = arith.andi %add3A_95, %and3A_144 : i32
      %dma_start3A = arith.constant 0 : i32
      %dma_start3A_146 = arith.constant 0 : i32
      %dma_start3A_147 = tpu.memref_slice %arg10[%and3A_145, %dma_start3A, %dma_start3A_146] : memref<8x64x128xf32, #tpu.memory_space<vmem>> -> memref<1x64x128xf32, #tpu.memory_space<vmem>>
      %dma_start3A_148 = tpu.memref_squeeze %dma_start3A_147 : memref<1x64x128xf32, #tpu.memory_space<vmem>> -> memref<64x128xf32, #tpu.memory_space<vmem>>
      %dma_start3A_149 = arith.constant 0 : i32
      %dma_start3A_150 = tpu.memref_slice %arg5[%dma_start3A_149, %multiple_of3A_143] : memref<64x1000000xf32, #tpu.memory_space<hbm>> -> memref<64x128xf32, #tpu.memory_space<hbm>>
      %dma_start3A_151 = arith.constant 0 : i32
      %dma_start3A_152 = arith.constant 0 : i32
      %dma_start3A_153 = tpu.memref_slice %arg10[%and3A_145, %dma_start3A_151, %dma_start3A_152] : memref<8x64x128xf32, #tpu.memory_space<vmem>> -> memref<1x64x128xf32, #tpu.memory_space<vmem>>
      %dma_start3A_154 = tpu.memref_squeeze %dma_start3A_153 : memref<1x64x128xf32, #tpu.memory_space<vmem>> -> memref<64x128xf32, #tpu.memory_space<vmem>>
      %dma_start3A_155 = arith.constant 0 : i32
      %dma_start3A_156 = tpu.memref_slice %arg5[%dma_start3A_155, %multiple_of3A_143] : memref<64x1000000xf32, #tpu.memory_space<hbm>> -> memref<64x128xf32, #tpu.memory_space<hbm>>
      tpu.enqueue_dma source(%dma_start3A_156 : memref<64x128xf32, #tpu.memory_space<hbm>>) target(%dma_start3A_154 : memref<64x128xf32, #tpu.memory_space<vmem>>) target_semaphore(%arg12 : memref<!tpu.dma_semaphore, #tpu.memory_space<semaphore_mem>>)
    } else {
    }
    %add3A_45 = arith.constant 3 : i32
    %add3A_46 = arith.addi %shift_right_logical3A_11, %add3A_45 : i32
    %le3A_47 = arith.cmpi sle, %add3A_46, %shift_right_logical3A_25 : i32
    %convert_element_type3A_48 = arith.extui %le3A_47 : i1 to i32
    %cond3A_49 = arith.constant 0 : i32
    %cond3A_50 = arith.cmpi ne, %convert_element_type3A_48, %cond3A_49 : i32
    scf.if %cond3A_50 {
      %add3A_94 = arith.constant 3 : i32
      %add3A_95 = arith.addi %shift_right_logical3A_11, %add3A_94 : i32
      %sub3A = arith.subi %add3A_95, %multiple_of3A_29 : i32
      %jit3A = arith.constant 16 : i32
      %div3A = arith.divsi %sub3A, %jit3A : i32
      %sign3A = arith.constant 0 : i32
      %sign3A_96 = arith.cmpi sgt, %sub3A, %sign3A : i32
      %sign3A_97 = arith.extui %sign3A_96 : i1 to i32
      %sign3A_98 = arith.constant 0 : i32
      %sign3A_99 = arith.cmpi slt, %sub3A, %sign3A_98 : i32
      %sign3A_100 = arith.extui %sign3A_99 : i1 to i32
      %sign3A_101 = arith.subi %sign3A_97, %sign3A_100 : i32
      %sign3A_102 = arith.constant 0 : i32
      %sign3A_103 = arith.cmpi sgt, %jit3A, %sign3A_102 : i32
      %sign3A_104 = arith.extui %sign3A_103 : i1 to i32
      %sign3A_105 = arith.constant 0 : i32
      %sign3A_106 = arith.cmpi slt, %jit3A, %sign3A_105 : i32
      %sign3A_107 = arith.extui %sign3A_106 : i1 to i32
      %sign3A_108 = arith.subi %sign3A_104, %sign3A_107 : i32
      %ne3A = arith.cmpi ne, %sign3A_101, %sign3A_108 : i32
      %rem3A = arith.remsi %sub3A, %jit3A : i32
      %ne3A_109 = arith.constant 0 : i32
      %ne3A_110 = arith.cmpi ne, %rem3A, %ne3A_109 : i32
      %and3A = arith.andi %ne3A, %ne3A_110 : i1
      %sub3A_111 = arith.constant 1 : i32
      %sub3A_112 = arith.subi %div3A, %sub3A_111 : i32
      %select_n3A_113 = arith.select %and3A, %sub3A_112, %div3A : i32
      %mul3A_114 = arith.constant 16 : i32
      %mul3A_115 = arith.muli %select_n3A_113, %mul3A_114 : i32
      %multiple_of3A_116 = tpu.assume_multiple %mul3A_115, 16 : i32
      %get3A_117 = arith.index_cast %multiple_of3A_116 : i32 to index
      %get3A_118 = tpu.vector_load %arg9[%get3A_117] {strides = array<i32>} : memref<1040xi32, #tpu.memory_space<vmem>>, vector<16xi32>,
      %jit3A_119 = arith.constant 16 : i32
      %eq3A_120 = arith.constant 0 : i32
      %eq3A_121 = arith.cmpi eq, %jit3A_119, %eq3A_120 : i32
      %jit3A_122 = arith.constant 1 : i32
      %select_n3A_123 = arith.select %eq3A_121, %jit3A_122, %jit3A_119 : i32
      %rem3A_124 = arith.remsi %sub3A, %select_n3A_123 : i32
      %ne3A_125 = arith.constant 0 : i32
      %ne3A_126 = arith.cmpi ne, %rem3A_124, %ne3A_125 : i32
      %lt3A = arith.constant 0 : i32
      %lt3A_127 = arith.cmpi slt, %rem3A_124, %lt3A : i32
      %lt3A_128 = arith.constant 0 : i32
      %lt3A_129 = arith.cmpi slt, %select_n3A_123, %lt3A_128 : i32
      %ne3A_130 = arith.xori %lt3A_127, %lt3A_129 : i1
      %and3A_131 = arith.andi %ne3A_130, %ne3A_126 : i1
      %add3A_132 = arith.addi %rem3A_124, %select_n3A_123 : i32
      %select_n3A_133 = arith.select %and3A_131, %add3A_132, %rem3A_124 : i32
      %eq3A_134 = vector.broadcast %select_n3A_133 : i32 to vector<16xi32>
      %eq3A_135 = arith.cmpi eq, %iota3A, %eq3A_134 : vector<16xi32>
      %select_n3A_136 = arith.select %eq3A_135, %get3A_118, %broadcast_in_dim3A_1 : vector<16xi1>, vector<16xi32>
      %reduce_sum3A_137 = arith.constant true
      %reduce_sum3A_138 = vector.broadcast %reduce_sum3A_137 : i1 to vector<16xi1>
      %reduce_sum3A_139 = tpu.scan <sum>, %select_n3A_136 masked %reduce_sum3A_138 : vector<16xi32>, vector<16xi1> -> vector<16xi32>
      %reduce_sum3A_140 = vector.extract %reduce_sum3A_139[15] : i32 from vector<16xi32>
      %mul3A_141 = arith.constant 128 : i32
      %mul3A_142 = arith.muli %reduce_sum3A_140, %mul3A_141 : i32
      %multiple_of3A_143 = tpu.assume_multiple %mul3A_142, 128 : i32
      %and3A_144 = arith.constant 7 : i32
      %and3A_145 = arith.andi %add3A_95, %and3A_144 : i32
      %dma_start3A = arith.constant 0 : i32
      %dma_start3A_146 = arith.constant 0 : i32
      %dma_start3A_147 = tpu.memref_slice %arg10[%and3A_145, %dma_start3A, %dma_start3A_146] : memref<8x64x128xf32, #tpu.memory_space<vmem>> -> memref<1x64x128xf32, #tpu.memory_space<vmem>>
      %dma_start3A_148 = tpu.memref_squeeze %dma_start3A_147 : memref<1x64x128xf32, #tpu.memory_space<vmem>> -> memref<64x128xf32, #tpu.memory_space<vmem>>
      %dma_start3A_149 = arith.constant 0 : i32
      %dma_start3A_150 = tpu.memref_slice %arg5[%dma_start3A_149, %multiple_of3A_143] : memref<64x1000000xf32, #tpu.memory_space<hbm>> -> memref<64x128xf32, #tpu.memory_space<hbm>>
      %dma_start3A_151 = arith.constant 0 : i32
      %dma_start3A_152 = arith.constant 0 : i32
      %dma_start3A_153 = tpu.memref_slice %arg10[%and3A_145, %dma_start3A_151, %dma_start3A_152] : memref<8x64x128xf32, #tpu.memory_space<vmem>> -> memref<1x64x128xf32, #tpu.memory_space<vmem>>
      %dma_start3A_154 = tpu.memref_squeeze %dma_start3A_153 : memref<1x64x128xf32, #tpu.memory_space<vmem>> -> memref<64x128xf32, #tpu.memory_space<vmem>>
      %dma_start3A_155 = arith.constant 0 : i32
      %dma_start3A_156 = tpu.memref_slice %arg5[%dma_start3A_155, %multiple_of3A_143] : memref<64x1000000xf32, #tpu.memory_space<hbm>> -> memref<64x128xf32, #tpu.memory_space<hbm>>
      tpu.enqueue_dma source(%dma_start3A_156 : memref<64x128xf32, #tpu.memory_space<hbm>>) target(%dma_start3A_154 : memref<64x128xf32, #tpu.memory_space<vmem>>) target_semaphore(%arg12 : memref<!tpu.dma_semaphore, #tpu.memory_space<semaphore_mem>>)
    } else {
    }
    %add3A_51 = arith.constant 4 : i32
    %add3A_52 = arith.addi %shift_right_logical3A_11, %add3A_51 : i32
    %le3A_53 = arith.cmpi sle, %add3A_52, %shift_right_logical3A_25 : i32
    %convert_element_type3A_54 = arith.extui %le3A_53 : i1 to i32
    %cond3A_55 = arith.constant 0 : i32
    %cond3A_56 = arith.cmpi ne, %convert_element_type3A_54, %cond3A_55 : i32
    scf.if %cond3A_56 {
      %add3A_94 = arith.constant 4 : i32
      %add3A_95 = arith.addi %shift_right_logical3A_11, %add3A_94 : i32
      %sub3A = arith.subi %add3A_95, %multiple_of3A_29 : i32
      %jit3A = arith.constant 16 : i32
      %div3A = arith.divsi %sub3A, %jit3A : i32
      %sign3A = arith.constant 0 : i32
      %sign3A_96 = arith.cmpi sgt, %sub3A, %sign3A : i32
      %sign3A_97 = arith.extui %sign3A_96 : i1 to i32
      %sign3A_98 = arith.constant 0 : i32
      %sign3A_99 = arith.cmpi slt, %sub3A, %sign3A_98 : i32
      %sign3A_100 = arith.extui %sign3A_99 : i1 to i32
      %sign3A_101 = arith.subi %sign3A_97, %sign3A_100 : i32
      %sign3A_102 = arith.constant 0 : i32
      %sign3A_103 = arith.cmpi sgt, %jit3A, %sign3A_102 : i32
      %sign3A_104 = arith.extui %sign3A_103 : i1 to i32
      %sign3A_105 = arith.constant 0 : i32
      %sign3A_106 = arith.cmpi slt, %jit3A, %sign3A_105 : i32
      %sign3A_107 = arith.extui %sign3A_106 : i1 to i32
      %sign3A_108 = arith.subi %sign3A_104, %sign3A_107 : i32
      %ne3A = arith.cmpi ne, %sign3A_101, %sign3A_108 : i32
      %rem3A = arith.remsi %sub3A, %jit3A : i32
      %ne3A_109 = arith.constant 0 : i32
      %ne3A_110 = arith.cmpi ne, %rem3A, %ne3A_109 : i32
      %and3A = arith.andi %ne3A, %ne3A_110 : i1
      %sub3A_111 = arith.constant 1 : i32
      %sub3A_112 = arith.subi %div3A, %sub3A_111 : i32
      %select_n3A_113 = arith.select %and3A, %sub3A_112, %div3A : i32
      %mul3A_114 = arith.constant 16 : i32
      %mul3A_115 = arith.muli %select_n3A_113, %mul3A_114 : i32
      %multiple_of3A_116 = tpu.assume_multiple %mul3A_115, 16 : i32
      %get3A_117 = arith.index_cast %multiple_of3A_116 : i32 to index
      %get3A_118 = tpu.vector_load %arg9[%get3A_117] {strides = array<i32>} : memref<1040xi32, #tpu.memory_space<vmem>>, vector<16xi32>,
      %jit3A_119 = arith.constant 16 : i32
      %eq3A_120 = arith.constant 0 : i32
      %eq3A_121 = arith.cmpi eq, %jit3A_119, %eq3A_120 : i32
      %jit3A_122 = arith.constant 1 : i32
      %select_n3A_123 = arith.select %eq3A_121, %jit3A_122, %jit3A_119 : i32
      %rem3A_124 = arith.remsi %sub3A, %select_n3A_123 : i32
      %ne3A_125 = arith.constant 0 : i32
      %ne3A_126 = arith.cmpi ne, %rem3A_124, %ne3A_125 : i32
      %lt3A = arith.constant 0 : i32
      %lt3A_127 = arith.cmpi slt, %rem3A_124, %lt3A : i32
      %lt3A_128 = arith.constant 0 : i32
      %lt3A_129 = arith.cmpi slt, %select_n3A_123, %lt3A_128 : i32
      %ne3A_130 = arith.xori %lt3A_127, %lt3A_129 : i1
      %and3A_131 = arith.andi %ne3A_130, %ne3A_126 : i1
      %add3A_132 = arith.addi %rem3A_124, %select_n3A_123 : i32
      %select_n3A_133 = arith.select %and3A_131, %add3A_132, %rem3A_124 : i32
      %eq3A_134 = vector.broadcast %select_n3A_133 : i32 to vector<16xi32>
      %eq3A_135 = arith.cmpi eq, %iota3A, %eq3A_134 : vector<16xi32>
      %select_n3A_136 = arith.select %eq3A_135, %get3A_118, %broadcast_in_dim3A_1 : vector<16xi1>, vector<16xi32>
      %reduce_sum3A_137 = arith.constant true
      %reduce_sum3A_138 = vector.broadcast %reduce_sum3A_137 : i1 to vector<16xi1>
      %reduce_sum3A_139 = tpu.scan <sum>, %select_n3A_136 masked %reduce_sum3A_138 : vector<16xi32>, vector<16xi1> -> vector<16xi32>
      %reduce_sum3A_140 = vector.extract %reduce_sum3A_139[15] : i32 from vector<16xi32>
      %mul3A_141 = arith.constant 128 : i32
      %mul3A_142 = arith.muli %reduce_sum3A_140, %mul3A_141 : i32
      %multiple_of3A_143 = tpu.assume_multiple %mul3A_142, 128 : i32
      %and3A_144 = arith.constant 7 : i32
      %and3A_145 = arith.andi %add3A_95, %and3A_144 : i32
      %dma_start3A = arith.constant 0 : i32
      %dma_start3A_146 = arith.constant 0 : i32
      %dma_start3A_147 = tpu.memref_slice %arg10[%and3A_145, %dma_start3A, %dma_start3A_146] : memref<8x64x128xf32, #tpu.memory_space<vmem>> -> memref<1x64x128xf32, #tpu.memory_space<vmem>>
      %dma_start3A_148 = tpu.memref_squeeze %dma_start3A_147 : memref<1x64x128xf32, #tpu.memory_space<vmem>> -> memref<64x128xf32, #tpu.memory_space<vmem>>
      %dma_start3A_149 = arith.constant 0 : i32
      %dma_start3A_150 = tpu.memref_slice %arg5[%dma_start3A_149, %multiple_of3A_143] : memref<64x1000000xf32, #tpu.memory_space<hbm>> -> memref<64x128xf32, #tpu.memory_space<hbm>>
      %dma_start3A_151 = arith.constant 0 : i32
      %dma_start3A_152 = arith.constant 0 : i32
      %dma_start3A_153 = tpu.memref_slice %arg10[%and3A_145, %dma_start3A_151, %dma_start3A_152] : memref<8x64x128xf32, #tpu.memory_space<vmem>> -> memref<1x64x128xf32, #tpu.memory_space<vmem>>
      %dma_start3A_154 = tpu.memref_squeeze %dma_start3A_153 : memref<1x64x128xf32, #tpu.memory_space<vmem>> -> memref<64x128xf32, #tpu.memory_space<vmem>>
      %dma_start3A_155 = arith.constant 0 : i32
      %dma_start3A_156 = tpu.memref_slice %arg5[%dma_start3A_155, %multiple_of3A_143] : memref<64x1000000xf32, #tpu.memory_space<hbm>> -> memref<64x128xf32, #tpu.memory_space<hbm>>
      tpu.enqueue_dma source(%dma_start3A_156 : memref<64x128xf32, #tpu.memory_space<hbm>>) target(%dma_start3A_154 : memref<64x128xf32, #tpu.memory_space<vmem>>) target_semaphore(%arg12 : memref<!tpu.dma_semaphore, #tpu.memory_space<semaphore_mem>>)
    } else {
    }
    %add3A_57 = arith.constant 5 : i32
    %add3A_58 = arith.addi %shift_right_logical3A_11, %add3A_57 : i32
    %le3A_59 = arith.cmpi sle, %add3A_58, %shift_right_logical3A_25 : i32
    %convert_element_type3A_60 = arith.extui %le3A_59 : i1 to i32
    %cond3A_61 = arith.constant 0 : i32
    %cond3A_62 = arith.cmpi ne, %convert_element_type3A_60, %cond3A_61 : i32
    scf.if %cond3A_62 {
      %add3A_94 = arith.constant 5 : i32
      %add3A_95 = arith.addi %shift_right_logical3A_11, %add3A_94 : i32
      %sub3A = arith.subi %add3A_95, %multiple_of3A_29 : i32
      %jit3A = arith.constant 16 : i32
      %div3A = arith.divsi %sub3A, %jit3A : i32
      %sign3A = arith.constant 0 : i32
      %sign3A_96 = arith.cmpi sgt, %sub3A, %sign3A : i32
      %sign3A_97 = arith.extui %sign3A_96 : i1 to i32
      %sign3A_98 = arith.constant 0 : i32
      %sign3A_99 = arith.cmpi slt, %sub3A, %sign3A_98 : i32
      %sign3A_100 = arith.extui %sign3A_99 : i1 to i32
      %sign3A_101 = arith.subi %sign3A_97, %sign3A_100 : i32
      %sign3A_102 = arith.constant 0 : i32
      %sign3A_103 = arith.cmpi sgt, %jit3A, %sign3A_102 : i32
      %sign3A_104 = arith.extui %sign3A_103 : i1 to i32
      %sign3A_105 = arith.constant 0 : i32
      %sign3A_106 = arith.cmpi slt, %jit3A, %sign3A_105 : i32
      %sign3A_107 = arith.extui %sign3A_106 : i1 to i32
      %sign3A_108 = arith.subi %sign3A_104, %sign3A_107 : i32
      %ne3A = arith.cmpi ne, %sign3A_101, %sign3A_108 : i32
      %rem3A = arith.remsi %sub3A, %jit3A : i32
      %ne3A_109 = arith.constant 0 : i32
      %ne3A_110 = arith.cmpi ne, %rem3A, %ne3A_109 : i32
      %and3A = arith.andi %ne3A, %ne3A_110 : i1
      %sub3A_111 = arith.constant 1 : i32
      %sub3A_112 = arith.subi %div3A, %sub3A_111 : i32
      %select_n3A_113 = arith.select %and3A, %sub3A_112, %div3A : i32
      %mul3A_114 = arith.constant 16 : i32
      %mul3A_115 = arith.muli %select_n3A_113, %mul3A_114 : i32
      %multiple_of3A_116 = tpu.assume_multiple %mul3A_115, 16 : i32
      %get3A_117 = arith.index_cast %multiple_of3A_116 : i32 to index
      %get3A_118 = tpu.vector_load %arg9[%get3A_117] {strides = array<i32>} : memref<1040xi32, #tpu.memory_space<vmem>>, vector<16xi32>,
      %jit3A_119 = arith.constant 16 : i32
      %eq3A_120 = arith.constant 0 : i32
      %eq3A_121 = arith.cmpi eq, %jit3A_119, %eq3A_120 : i32
      %jit3A_122 = arith.constant 1 : i32
      %select_n3A_123 = arith.select %eq3A_121, %jit3A_122, %jit3A_119 : i32
      %rem3A_124 = arith.remsi %sub3A, %select_n3A_123 : i32
      %ne3A_125 = arith.constant 0 : i32
      %ne3A_126 = arith.cmpi ne, %rem3A_124, %ne3A_125 : i32
      %lt3A = arith.constant 0 : i32
      %lt3A_127 = arith.cmpi slt, %rem3A_124, %lt3A : i32
      %lt3A_128 = arith.constant 0 : i32
      %lt3A_129 = arith.cmpi slt, %select_n3A_123, %lt3A_128 : i32
      %ne3A_130 = arith.xori %lt3A_127, %lt3A_129 : i1
      %and3A_131 = arith.andi %ne3A_130, %ne3A_126 : i1
      %add3A_132 = arith.addi %rem3A_124, %select_n3A_123 : i32
      %select_n3A_133 = arith.select %and3A_131, %add3A_132, %rem3A_124 : i32
      %eq3A_134 = vector.broadcast %select_n3A_133 : i32 to vector<16xi32>
      %eq3A_135 = arith.cmpi eq, %iota3A, %eq3A_134 : vector<16xi32>
      %select_n3A_136 = arith.select %eq3A_135, %get3A_118, %broadcast_in_dim3A_1 : vector<16xi1>, vector<16xi32>
      %reduce_sum3A_137 = arith.constant true
      %reduce_sum3A_138 = vector.broadcast %reduce_sum3A_137 : i1 to vector<16xi1>
      %reduce_sum3A_139 = tpu.scan <sum>, %select_n3A_136 masked %reduce_sum3A_138 : vector<16xi32>, vector<16xi1> -> vector<16xi32>
      %reduce_sum3A_140 = vector.extract %reduce_sum3A_139[15] : i32 from vector<16xi32>
      %mul3A_141 = arith.constant 128 : i32
      %mul3A_142 = arith.muli %reduce_sum3A_140, %mul3A_141 : i32
      %multiple_of3A_143 = tpu.assume_multiple %mul3A_142, 128 : i32
      %and3A_144 = arith.constant 7 : i32
      %and3A_145 = arith.andi %add3A_95, %and3A_144 : i32
      %dma_start3A = arith.constant 0 : i32
      %dma_start3A_146 = arith.constant 0 : i32
      %dma_start3A_147 = tpu.memref_slice %arg10[%and3A_145, %dma_start3A, %dma_start3A_146] : memref<8x64x128xf32, #tpu.memory_space<vmem>> -> memref<1x64x128xf32, #tpu.memory_space<vmem>>
      %dma_start3A_148 = tpu.memref_squeeze %dma_start3A_147 : memref<1x64x128xf32, #tpu.memory_space<vmem>> -> memref<64x128xf32, #tpu.memory_space<vmem>>
      %dma_start3A_149 = arith.constant 0 : i32
      %dma_start3A_150 = tpu.memref_slice %arg5[%dma_start3A_149, %multiple_of3A_143] : memref<64x1000000xf32, #tpu.memory_space<hbm>> -> memref<64x128xf32, #tpu.memory_space<hbm>>
      %dma_start3A_151 = arith.constant 0 : i32
      %dma_start3A_152 = arith.constant 0 : i32
      %dma_start3A_153 = tpu.memref_slice %arg10[%and3A_145, %dma_start3A_151, %dma_start3A_152] : memref<8x64x128xf32, #tpu.memory_space<vmem>> -> memref<1x64x128xf32, #tpu.memory_space<vmem>>
      %dma_start3A_154 = tpu.memref_squeeze %dma_start3A_153 : memref<1x64x128xf32, #tpu.memory_space<vmem>> -> memref<64x128xf32, #tpu.memory_space<vmem>>
      %dma_start3A_155 = arith.constant 0 : i32
      %dma_start3A_156 = tpu.memref_slice %arg5[%dma_start3A_155, %multiple_of3A_143] : memref<64x1000000xf32, #tpu.memory_space<hbm>> -> memref<64x128xf32, #tpu.memory_space<hbm>>
      tpu.enqueue_dma source(%dma_start3A_156 : memref<64x128xf32, #tpu.memory_space<hbm>>) target(%dma_start3A_154 : memref<64x128xf32, #tpu.memory_space<vmem>>) target_semaphore(%arg12 : memref<!tpu.dma_semaphore, #tpu.memory_space<semaphore_mem>>)
    } else {
    }
    %add3A_63 = arith.constant 6 : i32
    %add3A_64 = arith.addi %shift_right_logical3A_11, %add3A_63 : i32
    %le3A_65 = arith.cmpi sle, %add3A_64, %shift_right_logical3A_25 : i32
    %convert_element_type3A_66 = arith.extui %le3A_65 : i1 to i32
    %cond3A_67 = arith.constant 0 : i32
    %cond3A_68 = arith.cmpi ne, %convert_element_type3A_66, %cond3A_67 : i32
    scf.if %cond3A_68 {
      %add3A_94 = arith.constant 6 : i32
      %add3A_95 = arith.addi %shift_right_logical3A_11, %add3A_94 : i32
      %sub3A = arith.subi %add3A_95, %multiple_of3A_29 : i32
      %jit3A = arith.constant 16 : i32
      %div3A = arith.divsi %sub3A, %jit3A : i32
      %sign3A = arith.constant 0 : i32
      %sign3A_96 = arith.cmpi sgt, %sub3A, %sign3A : i32
      %sign3A_97 = arith.extui %sign3A_96 : i1 to i32
      %sign3A_98 = arith.constant 0 : i32
      %sign3A_99 = arith.cmpi slt, %sub3A, %sign3A_98 : i32
      %sign3A_100 = arith.extui %sign3A_99 : i1 to i32
      %sign3A_101 = arith.subi %sign3A_97, %sign3A_100 : i32
      %sign3A_102 = arith.constant 0 : i32
      %sign3A_103 = arith.cmpi sgt, %jit3A, %sign3A_102 : i32
      %sign3A_104 = arith.extui %sign3A_103 : i1 to i32
      %sign3A_105 = arith.constant 0 : i32
      %sign3A_106 = arith.cmpi slt, %jit3A, %sign3A_105 : i32
      %sign3A_107 = arith.extui %sign3A_106 : i1 to i32
      %sign3A_108 = arith.subi %sign3A_104, %sign3A_107 : i32
      %ne3A = arith.cmpi ne, %sign3A_101, %sign3A_108 : i32
      %rem3A = arith.remsi %sub3A, %jit3A : i32
      %ne3A_109 = arith.constant 0 : i32
      %ne3A_110 = arith.cmpi ne, %rem3A, %ne3A_109 : i32
      %and3A = arith.andi %ne3A, %ne3A_110 : i1
      %sub3A_111 = arith.constant 1 : i32
      %sub3A_112 = arith.subi %div3A, %sub3A_111 : i32
      %select_n3A_113 = arith.select %and3A, %sub3A_112, %div3A : i32
      %mul3A_114 = arith.constant 16 : i32
      %mul3A_115 = arith.muli %select_n3A_113, %mul3A_114 : i32
      %multiple_of3A_116 = tpu.assume_multiple %mul3A_115, 16 : i32
      %get3A_117 = arith.index_cast %multiple_of3A_116 : i32 to index
      %get3A_118 = tpu.vector_load %arg9[%get3A_117] {strides = array<i32>} : memref<1040xi32, #tpu.memory_space<vmem>>, vector<16xi32>,
      %jit3A_119 = arith.constant 16 : i32
      %eq3A_120 = arith.constant 0 : i32
      %eq3A_121 = arith.cmpi eq, %jit3A_119, %eq3A_120 : i32
      %jit3A_122 = arith.constant 1 : i32
      %select_n3A_123 = arith.select %eq3A_121, %jit3A_122, %jit3A_119 : i32
      %rem3A_124 = arith.remsi %sub3A, %select_n3A_123 : i32
      %ne3A_125 = arith.constant 0 : i32
      %ne3A_126 = arith.cmpi ne, %rem3A_124, %ne3A_125 : i32
      %lt3A = arith.constant 0 : i32
      %lt3A_127 = arith.cmpi slt, %rem3A_124, %lt3A : i32
      %lt3A_128 = arith.constant 0 : i32
      %lt3A_129 = arith.cmpi slt, %select_n3A_123, %lt3A_128 : i32
      %ne3A_130 = arith.xori %lt3A_127, %lt3A_129 : i1
      %and3A_131 = arith.andi %ne3A_130, %ne3A_126 : i1
      %add3A_132 = arith.addi %rem3A_124, %select_n3A_123 : i32
      %select_n3A_133 = arith.select %and3A_131, %add3A_132, %rem3A_124 : i32
      %eq3A_134 = vector.broadcast %select_n3A_133 : i32 to vector<16xi32>
      %eq3A_135 = arith.cmpi eq, %iota3A, %eq3A_134 : vector<16xi32>
      %select_n3A_136 = arith.select %eq3A_135, %get3A_118, %broadcast_in_dim3A_1 : vector<16xi1>, vector<16xi32>
      %reduce_sum3A_137 = arith.constant true
      %reduce_sum3A_138 = vector.broadcast %reduce_sum3A_137 : i1 to vector<16xi1>
      %reduce_sum3A_139 = tpu.scan <sum>, %select_n3A_136 masked %reduce_sum3A_138 : vector<16xi32>, vector<16xi1> -> vector<16xi32>
      %reduce_sum3A_140 = vector.extract %reduce_sum3A_139[15] : i32 from vector<16xi32>
      %mul3A_141 = arith.constant 128 : i32
      %mul3A_142 = arith.muli %reduce_sum3A_140, %mul3A_141 : i32
      %multiple_of3A_143 = tpu.assume_multiple %mul3A_142, 128 : i32
      %and3A_144 = arith.constant 7 : i32
      %and3A_145 = arith.andi %add3A_95, %and3A_144 : i32
      %dma_start3A = arith.constant 0 : i32
      %dma_start3A_146 = arith.constant 0 : i32
      %dma_start3A_147 = tpu.memref_slice %arg10[%and3A_145, %dma_start3A, %dma_start3A_146] : memref<8x64x128xf32, #tpu.memory_space<vmem>> -> memref<1x64x128xf32, #tpu.memory_space<vmem>>
      %dma_start3A_148 = tpu.memref_squeeze %dma_start3A_147 : memref<1x64x128xf32, #tpu.memory_space<vmem>> -> memref<64x128xf32, #tpu.memory_space<vmem>>
      %dma_start3A_149 = arith.constant 0 : i32
      %dma_start3A_150 = tpu.memref_slice %arg5[%dma_start3A_149, %multiple_of3A_143] : memref<64x1000000xf32, #tpu.memory_space<hbm>> -> memref<64x128xf32, #tpu.memory_space<hbm>>
      %dma_start3A_151 = arith.constant 0 : i32
      %dma_start3A_152 = arith.constant 0 : i32
      %dma_start3A_153 = tpu.memref_slice %arg10[%and3A_145, %dma_start3A_151, %dma_start3A_152] : memref<8x64x128xf32, #tpu.memory_space<vmem>> -> memref<1x64x128xf32, #tpu.memory_space<vmem>>
      %dma_start3A_154 = tpu.memref_squeeze %dma_start3A_153 : memref<1x64x128xf32, #tpu.memory_space<vmem>> -> memref<64x128xf32, #tpu.memory_space<vmem>>
      %dma_start3A_155 = arith.constant 0 : i32
      %dma_start3A_156 = tpu.memref_slice %arg5[%dma_start3A_155, %multiple_of3A_143] : memref<64x1000000xf32, #tpu.memory_space<hbm>> -> memref<64x128xf32, #tpu.memory_space<hbm>>
      tpu.enqueue_dma source(%dma_start3A_156 : memref<64x128xf32, #tpu.memory_space<hbm>>) target(%dma_start3A_154 : memref<64x128xf32, #tpu.memory_space<vmem>>) target_semaphore(%arg12 : memref<!tpu.dma_semaphore, #tpu.memory_space<semaphore_mem>>)
    } else {
    }
    %scan3A = arith.constant 0 : i32
    %scan3A_69 = arith.constant 1024 : i32
    %scan3A_70 = arith.addi %scan3A, %scan3A_69 : i32
    %scan3A_71 = arith.constant 1 : i32
    scf.for %scan3A_94 = %scan3A to %scan3A_70 step %scan3A_71  : i32 {
      %mul3A_95 = arith.constant 1 : i32
      %mul3A_96 = arith.muli %scan3A_94, %mul3A_95 : i32
      %add3A_97 = arith.constant 0 : i32
      %add3A_98 = arith.addi %add3A_97, %mul3A_96 : i32
      %and3A = arith.constant 63 : i32
      %and3A_99 = arith.andi %add3A_98, %and3A : i32
      %shift_right_logical3A_100 = arith.constant 6 : i32
      %shift_right_logical3A_101 = arith.shrui %add3A_98, %shift_right_logical3A_100 : i32
      %and3A_102 = arith.constant 1 : i32
      %and3A_103 = arith.andi %shift_right_logical3A_101, %and3A_102 : i32
      %eq3A_104 = arith.constant 0 : i32
      %eq3A_105 = arith.cmpi eq, %and3A_99, %eq3A_104 : i32
      %ge3A = arith.constant 2 : i32
      %ge3A_106 = arith.cmpi sge, %shift_right_logical3A_101, %ge3A : i32
      %and3A_107 = arith.andi %eq3A_105, %ge3A_106 : i1
      %convert_element_type3A_108 = arith.extui %and3A_107 : i1 to i32
      %cond3A_109 = arith.constant 0 : i32
      %cond3A_110 = arith.cmpi ne, %convert_element_type3A_108, %cond3A_109 : i32
      scf.if %cond3A_110 {
        %dma_wait3A_276 = arith.constant 0 : i32
        %dma_wait3A_277 = tpu.memref_slice %arg11[%and3A_103, %dma_wait3A_276] : memref<2x4096xf32, #tpu.memory_space<vmem>> -> memref<1x4096xf32, #tpu.memory_space<vmem>>
        %dma_wait3A_278 = tpu.memref_squeeze %dma_wait3A_277 : memref<1x4096xf32, #tpu.memory_space<vmem>> -> memref<4096xf32, #tpu.memory_space<vmem>>
        %dma_wait3A_279 = arith.constant 0 : i32
        %dma_wait3A_280 = tpu.memref_slice %arg6[%dma_wait3A_279] : memref<2097152xf32, #tpu.memory_space<hbm>> -> memref<4096xf32, #tpu.memory_space<hbm>>
        %dma_wait3A_281 = arith.constant 0 : i32
        %dma_wait3A_282 = tpu.memref_slice %arg11[%and3A_103, %dma_wait3A_281] : memref<2x4096xf32, #tpu.memory_space<vmem>> -> memref<1x4096xf32, #tpu.memory_space<vmem>>
        %dma_wait3A_283 = tpu.memref_squeeze %dma_wait3A_282 : memref<1x4096xf32, #tpu.memory_space<vmem>> -> memref<4096xf32, #tpu.memory_space<vmem>>
        %dma_wait3A_284 = arith.constant 0 : i32
        %dma_wait3A_285 = tpu.memref_slice %arg6[%dma_wait3A_284] : memref<2097152xf32, #tpu.memory_space<hbm>> -> memref<4096xf32, #tpu.memory_space<hbm>>
        tpu.wait_dma2 semaphore(%arg13 : memref<!tpu.dma_semaphore, #tpu.memory_space<semaphore_mem>>) src(%dma_wait3A_285 : memref<4096xf32, #tpu.memory_space<hbm>>) dst(%dma_wait3A_283 : memref<4096xf32, #tpu.memory_space<vmem>>)
      } else {
      }
      %jit3A = arith.constant 16 : i32
      %div3A = arith.divsi %add3A_98, %jit3A : i32
      %sign3A = arith.constant 0 : i32
      %sign3A_111 = arith.cmpi sgt, %add3A_98, %sign3A : i32
      %sign3A_112 = arith.extui %sign3A_111 : i1 to i32
      %sign3A_113 = arith.constant 0 : i32
      %sign3A_114 = arith.cmpi slt, %add3A_98, %sign3A_113 : i32
      %sign3A_115 = arith.extui %sign3A_114 : i1 to i32
      %sign3A_116 = arith.subi %sign3A_112, %sign3A_115 : i32
      %sign3A_117 = arith.constant 0 : i32
      %sign3A_118 = arith.cmpi sgt, %jit3A, %sign3A_117 : i32
      %sign3A_119 = arith.extui %sign3A_118 : i1 to i32
      %sign3A_120 = arith.constant 0 : i32
      %sign3A_121 = arith.cmpi slt, %jit3A, %sign3A_120 : i32
      %sign3A_122 = arith.extui %sign3A_121 : i1 to i32
      %sign3A_123 = arith.subi %sign3A_119, %sign3A_122 : i32
      %ne3A = arith.cmpi ne, %sign3A_116, %sign3A_123 : i32
      %rem3A = arith.remsi %add3A_98, %jit3A : i32
      %ne3A_124 = arith.constant 0 : i32
      %ne3A_125 = arith.cmpi ne, %rem3A, %ne3A_124 : i32
      %and3A_126 = arith.andi %ne3A, %ne3A_125 : i1
      %sub3A = arith.constant 1 : i32
      %sub3A_127 = arith.subi %div3A, %sub3A : i32
      %select_n3A_128 = arith.select %and3A_126, %sub3A_127, %div3A : i32
      %mul3A_129 = arith.constant 16 : i32
      %mul3A_130 = arith.muli %select_n3A_128, %mul3A_129 : i32
      %multiple_of3A_131 = tpu.assume_multiple %mul3A_130, 16 : i32
      %get3A_132 = arith.index_cast %multiple_of3A_131 : i32 to index
      %get3A_133 = tpu.vector_load %arg8[%get3A_132] {strides = array<i32>} : memref<1024xi32, #tpu.memory_space<vmem>>, vector<16xi32>,
      %jit3A_134 = arith.constant 16 : i32
      %eq3A_135 = arith.constant 0 : i32
      %eq3A_136 = arith.cmpi eq, %jit3A_134, %eq3A_135 : i32
      %jit3A_137 = arith.constant 1 : i32
      %select_n3A_138 = arith.select %eq3A_136, %jit3A_137, %jit3A_134 : i32
      %rem3A_139 = arith.remsi %add3A_98, %select_n3A_138 : i32
      %ne3A_140 = arith.constant 0 : i32
      %ne3A_141 = arith.cmpi ne, %rem3A_139, %ne3A_140 : i32
      %lt3A = arith.constant 0 : i32
      %lt3A_142 = arith.cmpi slt, %rem3A_139, %lt3A : i32
      %lt3A_143 = arith.constant 0 : i32
      %lt3A_144 = arith.cmpi slt, %select_n3A_138, %lt3A_143 : i32
      %ne3A_145 = arith.xori %lt3A_142, %lt3A_144 : i1
      %and3A_146 = arith.andi %ne3A_145, %ne3A_141 : i1
      %add3A_147 = arith.addi %rem3A_139, %select_n3A_138 : i32
      %select_n3A_148 = arith.select %and3A_146, %add3A_147, %rem3A_139 : i32
      %eq3A_149 = vector.broadcast %select_n3A_148 : i32 to vector<16xi32>
      %eq3A_150 = arith.cmpi eq, %iota3A, %eq3A_149 : vector<16xi32>
      %select_n3A_151 = arith.select %eq3A_150, %get3A_133, %broadcast_in_dim3A_1 : vector<16xi1>, vector<16xi32>
      %reduce_sum3A_152 = arith.constant true
      %reduce_sum3A_153 = vector.broadcast %reduce_sum3A_152 : i1 to vector<16xi1>
      %reduce_sum3A_154 = tpu.scan <sum>, %select_n3A_151 masked %reduce_sum3A_153 : vector<16xi32>, vector<16xi1> -> vector<16xi32>
      %reduce_sum3A_155 = vector.extract %reduce_sum3A_154[15] : i32 from vector<16xi32>
      %shift_right_logical3A_156 = arith.constant 1 : i32
      %shift_right_logical3A_157 = arith.shrui %reduce_sum3A_155, %shift_right_logical3A_156 : i32
      %and3A_158 = arith.constant 1 : i32
      %and3A_159 = arith.andi %reduce_sum3A_155, %and3A_158 : i32
      %and3A_160 = arith.constant 7 : i32
      %and3A_161 = arith.andi %shift_right_logical3A_157, %and3A_160 : i32
      %eq3A_162 = arith.constant 1 : i32
      %eq3A_163 = arith.cmpi eq, %and3A_159, %eq3A_162 : i32
      %eq3A_164 = arith.constant 0 : i32
      %eq3A_165 = arith.cmpi eq, %add3A_98, %eq3A_164 : i32
      %or3A = arith.ori %eq3A_163, %eq3A_165 : i1
      %convert_element_type3A_166 = arith.extui %or3A : i1 to i32
      %cond3A_167 = arith.constant 0 : i32
      %cond3A_168 = arith.cmpi ne, %convert_element_type3A_166, %cond3A_167 : i32
      scf.if %cond3A_168 {
        %dma_wait3A_276 = arith.constant 0 : i32
        %dma_wait3A_277 = arith.constant 0 : i32
        %dma_wait3A_278 = tpu.memref_slice %arg10[%and3A_161, %dma_wait3A_276, %dma_wait3A_277] : memref<8x64x128xf32, #tpu.memory_space<vmem>> -> memref<1x64x128xf32, #tpu.memory_space<vmem>>
        %dma_wait3A_279 = tpu.memref_squeeze %dma_wait3A_278 : memref<1x64x128xf32, #tpu.memory_space<vmem>> -> memref<64x128xf32, #tpu.memory_space<vmem>>
        %dma_wait3A_280 = arith.constant 0 : i32
        %dma_wait3A_281 = arith.constant 0 : i32
        %dma_wait3A_282 = tpu.memref_slice %arg5[%dma_wait3A_280, %dma_wait3A_281] : memref<64x1000000xf32, #tpu.memory_space<hbm>> -> memref<64x128xf32, #tpu.memory_space<hbm>>
        %dma_wait3A_283 = arith.constant 0 : i32
        %dma_wait3A_284 = arith.constant 0 : i32
        %dma_wait3A_285 = tpu.memref_slice %arg10[%and3A_161, %dma_wait3A_283, %dma_wait3A_284] : memref<8x64x128xf32, #tpu.memory_space<vmem>> -> memref<1x64x128xf32, #tpu.memory_space<vmem>>
        %dma_wait3A_286 = tpu.memref_squeeze %dma_wait3A_285 : memref<1x64x128xf32, #tpu.memory_space<vmem>> -> memref<64x128xf32, #tpu.memory_space<vmem>>
        %dma_wait3A_287 = arith.constant 0 : i32
        %dma_wait3A_288 = arith.constant 0 : i32
        %dma_wait3A_289 = tpu.memref_slice %arg5[%dma_wait3A_287, %dma_wait3A_288] : memref<64x1000000xf32, #tpu.memory_space<hbm>> -> memref<64x128xf32, #tpu.memory_space<hbm>>
        tpu.wait_dma2 semaphore(%arg12 : memref<!tpu.dma_semaphore, #tpu.memory_space<semaphore_mem>>) src(%dma_wait3A_289 : memref<64x128xf32, #tpu.memory_space<hbm>>) dst(%dma_wait3A_286 : memref<64x128xf32, #tpu.memory_space<vmem>>)
        %add3A_290 = arith.constant 8 : i32
        %add3A_291 = arith.addi %shift_right_logical3A_157, %add3A_290 : i32
        %sub3A_292 = arith.constant 1 : i32
        %sub3A_293 = arith.subi %add3A_291, %sub3A_292 : i32
        %le3A_294 = arith.cmpi sle, %sub3A_293, %shift_right_logical3A_25 : i32
        %convert_element_type3A_295 = arith.extui %le3A_294 : i1 to i32
        %cond3A_296 = arith.constant 0 : i32
        %cond3A_297 = arith.cmpi ne, %convert_element_type3A_295, %cond3A_296 : i32
        scf.if %cond3A_297 {
          %sub3A_298 = arith.subi %sub3A_293, %multiple_of3A_29 : i32
          %jit3A_299 = arith.constant 16 : i32
          %div3A_300 = arith.divsi %sub3A_298, %jit3A_299 : i32
          %sign3A_301 = arith.constant 0 : i32
          %sign3A_302 = arith.cmpi sgt, %sub3A_298, %sign3A_301 : i32
          %sign3A_303 = arith.extui %sign3A_302 : i1 to i32
          %sign3A_304 = arith.constant 0 : i32
          %sign3A_305 = arith.cmpi slt, %sub3A_298, %sign3A_304 : i32
          %sign3A_306 = arith.extui %sign3A_305 : i1 to i32
          %sign3A_307 = arith.subi %sign3A_303, %sign3A_306 : i32
          %sign3A_308 = arith.constant 0 : i32
          %sign3A_309 = arith.cmpi sgt, %jit3A_299, %sign3A_308 : i32
          %sign3A_310 = arith.extui %sign3A_309 : i1 to i32
          %sign3A_311 = arith.constant 0 : i32
          %sign3A_312 = arith.cmpi slt, %jit3A_299, %sign3A_311 : i32
          %sign3A_313 = arith.extui %sign3A_312 : i1 to i32
          %sign3A_314 = arith.subi %sign3A_310, %sign3A_313 : i32
          %ne3A_315 = arith.cmpi ne, %sign3A_307, %sign3A_314 : i32
          %rem3A_316 = arith.remsi %sub3A_298, %jit3A_299 : i32
          %ne3A_317 = arith.constant 0 : i32
          %ne3A_318 = arith.cmpi ne, %rem3A_316, %ne3A_317 : i32
          %and3A_319 = arith.andi %ne3A_315, %ne3A_318 : i1
          %sub3A_320 = arith.constant 1 : i32
          %sub3A_321 = arith.subi %div3A_300, %sub3A_320 : i32
          %select_n3A_322 = arith.select %and3A_319, %sub3A_321, %div3A_300 : i32
          %mul3A_323 = arith.constant 16 : i32
          %mul3A_324 = arith.muli %select_n3A_322, %mul3A_323 : i32
          %multiple_of3A_325 = tpu.assume_multiple %mul3A_324, 16 : i32
          %get3A_326 = arith.index_cast %multiple_of3A_325 : i32 to index
          %get3A_327 = tpu.vector_load %arg9[%get3A_326] {strides = array<i32>} : memref<1040xi32, #tpu.memory_space<vmem>>, vector<16xi32>,
          %jit3A_328 = arith.constant 16 : i32
          %eq3A_329 = arith.constant 0 : i32
          %eq3A_330 = arith.cmpi eq, %jit3A_328, %eq3A_329 : i32
          %jit3A_331 = arith.constant 1 : i32
          %select_n3A_332 = arith.select %eq3A_330, %jit3A_331, %jit3A_328 : i32
          %rem3A_333 = arith.remsi %sub3A_298, %select_n3A_332 : i32
          %ne3A_334 = arith.constant 0 : i32
          %ne3A_335 = arith.cmpi ne, %rem3A_333, %ne3A_334 : i32
          %lt3A_336 = arith.constant 0 : i32
          %lt3A_337 = arith.cmpi slt, %rem3A_333, %lt3A_336 : i32
          %lt3A_338 = arith.constant 0 : i32
          %lt3A_339 = arith.cmpi slt, %select_n3A_332, %lt3A_338 : i32
          %ne3A_340 = arith.xori %lt3A_337, %lt3A_339 : i1
          %and3A_341 = arith.andi %ne3A_340, %ne3A_335 : i1
          %add3A_342 = arith.addi %rem3A_333, %select_n3A_332 : i32
          %select_n3A_343 = arith.select %and3A_341, %add3A_342, %rem3A_333 : i32
          %eq3A_344 = vector.broadcast %select_n3A_343 : i32 to vector<16xi32>
          %eq3A_345 = arith.cmpi eq, %iota3A, %eq3A_344 : vector<16xi32>
          %select_n3A_346 = arith.select %eq3A_345, %get3A_327, %broadcast_in_dim3A_1 : vector<16xi1>, vector<16xi32>
          %reduce_sum3A_347 = arith.constant true
          %reduce_sum3A_348 = vector.broadcast %reduce_sum3A_347 : i1 to vector<16xi1>
          %reduce_sum3A_349 = tpu.scan <sum>, %select_n3A_346 masked %reduce_sum3A_348 : vector<16xi32>, vector<16xi1> -> vector<16xi32>
          %reduce_sum3A_350 = vector.extract %reduce_sum3A_349[15] : i32 from vector<16xi32>
          %mul3A_351 = arith.constant 128 : i32
          %mul3A_352 = arith.muli %reduce_sum3A_350, %mul3A_351 : i32
          %multiple_of3A_353 = tpu.assume_multiple %mul3A_352, 128 : i32
          %and3A_354 = arith.constant 7 : i32
          %and3A_355 = arith.andi %sub3A_293, %and3A_354 : i32
          %dma_start3A = arith.constant 0 : i32
          %dma_start3A_356 = arith.constant 0 : i32
          %dma_start3A_357 = tpu.memref_slice %arg10[%and3A_355, %dma_start3A, %dma_start3A_356] : memref<8x64x128xf32, #tpu.memory_space<vmem>> -> memref<1x64x128xf32, #tpu.memory_space<vmem>>
          %dma_start3A_358 = tpu.memref_squeeze %dma_start3A_357 : memref<1x64x128xf32, #tpu.memory_space<vmem>> -> memref<64x128xf32, #tpu.memory_space<vmem>>
          %dma_start3A_359 = arith.constant 0 : i32
          %dma_start3A_360 = tpu.memref_slice %arg5[%dma_start3A_359, %multiple_of3A_353] : memref<64x1000000xf32, #tpu.memory_space<hbm>> -> memref<64x128xf32, #tpu.memory_space<hbm>>
          %dma_start3A_361 = arith.constant 0 : i32
          %dma_start3A_362 = arith.constant 0 : i32
          %dma_start3A_363 = tpu.memref_slice %arg10[%and3A_355, %dma_start3A_361, %dma_start3A_362] : memref<8x64x128xf32, #tpu.memory_space<vmem>> -> memref<1x64x128xf32, #tpu.memory_space<vmem>>
          %dma_start3A_364 = tpu.memref_squeeze %dma_start3A_363 : memref<1x64x128xf32, #tpu.memory_space<vmem>> -> memref<64x128xf32, #tpu.memory_space<vmem>>
          %dma_start3A_365 = arith.constant 0 : i32
          %dma_start3A_366 = tpu.memref_slice %arg5[%dma_start3A_365, %multiple_of3A_353] : memref<64x1000000xf32, #tpu.memory_space<hbm>> -> memref<64x128xf32, #tpu.memory_space<hbm>>
          tpu.enqueue_dma source(%dma_start3A_366 : memref<64x128xf32, #tpu.memory_space<hbm>>) target(%dma_start3A_364 : memref<64x128xf32, #tpu.memory_space<vmem>>) target_semaphore(%arg12 : memref<!tpu.dma_semaphore, #tpu.memory_space<semaphore_mem>>)
        } else {
        }
      } else {
      }
      %jit3A_169 = arith.constant 16 : i32
      %div3A_170 = arith.divsi %add3A_98, %jit3A_169 : i32
      %sign3A_171 = arith.constant 0 : i32
      %sign3A_172 = arith.cmpi sgt, %add3A_98, %sign3A_171 : i32
      %sign3A_173 = arith.extui %sign3A_172 : i1 to i32
      %sign3A_174 = arith.constant 0 : i32
      %sign3A_175 = arith.cmpi slt, %add3A_98, %sign3A_174 : i32
      %sign3A_176 = arith.extui %sign3A_175 : i1 to i32
      %sign3A_177 = arith.subi %sign3A_173, %sign3A_176 : i32
      %sign3A_178 = arith.constant 0 : i32
      %sign3A_179 = arith.cmpi sgt, %jit3A_169, %sign3A_178 : i32
      %sign3A_180 = arith.extui %sign3A_179 : i1 to i32
      %sign3A_181 = arith.constant 0 : i32
      %sign3A_182 = arith.cmpi slt, %jit3A_169, %sign3A_181 : i32
      %sign3A_183 = arith.extui %sign3A_182 : i1 to i32
      %sign3A_184 = arith.subi %sign3A_180, %sign3A_183 : i32
      %ne3A_185 = arith.cmpi ne, %sign3A_177, %sign3A_184 : i32
      %rem3A_186 = arith.remsi %add3A_98, %jit3A_169 : i32
      %ne3A_187 = arith.constant 0 : i32
      %ne3A_188 = arith.cmpi ne, %rem3A_186, %ne3A_187 : i32
      %and3A_189 = arith.andi %ne3A_185, %ne3A_188 : i1
      %sub3A_190 = arith.constant 1 : i32
      %sub3A_191 = arith.subi %div3A_170, %sub3A_190 : i32
      %select_n3A_192 = arith.select %and3A_189, %sub3A_191, %div3A_170 : i32
      %mul3A_193 = arith.constant 16 : i32
      %mul3A_194 = arith.muli %select_n3A_192, %mul3A_193 : i32
      %multiple_of3A_195 = tpu.assume_multiple %mul3A_194, 16 : i32
      %get3A_196 = arith.index_cast %multiple_of3A_195 : i32 to index
      %get3A_197 = tpu.vector_load %arg7[%get3A_196] {strides = array<i32>} : memref<1024xi32, #tpu.memory_space<vmem>>, vector<16xi32>,
      %jit3A_198 = arith.constant 16 : i32
      %eq3A_199 = arith.constant 0 : i32
      %eq3A_200 = arith.cmpi eq, %jit3A_198, %eq3A_199 : i32
      %jit3A_201 = arith.constant 1 : i32
      %select_n3A_202 = arith.select %eq3A_200, %jit3A_201, %jit3A_198 : i32
      %rem3A_203 = arith.remsi %add3A_98, %select_n3A_202 : i32
      %ne3A_204 = arith.constant 0 : i32
      %ne3A_205 = arith.cmpi ne, %rem3A_203, %ne3A_204 : i32
      %lt3A_206 = arith.constant 0 : i32
      %lt3A_207 = arith.cmpi slt, %rem3A_203, %lt3A_206 : i32
      %lt3A_208 = arith.constant 0 : i32
      %lt3A_209 = arith.cmpi slt, %select_n3A_202, %lt3A_208 : i32
      %ne3A_210 = arith.xori %lt3A_207, %lt3A_209 : i1
      %and3A_211 = arith.andi %ne3A_210, %ne3A_205 : i1
      %add3A_212 = arith.addi %rem3A_203, %select_n3A_202 : i32
      %select_n3A_213 = arith.select %and3A_211, %add3A_212, %rem3A_203 : i32
      %eq3A_214 = vector.broadcast %select_n3A_213 : i32 to vector<16xi32>
      %eq3A_215 = arith.cmpi eq, %iota3A, %eq3A_214 : vector<16xi32>
      %select_n3A_216 = arith.select %eq3A_215, %get3A_197, %broadcast_in_dim3A_1 : vector<16xi1>, vector<16xi32>
      %reduce_sum3A_217 = arith.constant true
      %reduce_sum3A_218 = vector.broadcast %reduce_sum3A_217 : i1 to vector<16xi1>
      %reduce_sum3A_219 = tpu.scan <sum>, %select_n3A_216 masked %reduce_sum3A_218 : vector<16xi32>, vector<16xi1> -> vector<16xi32>
      %reduce_sum3A_220 = vector.extract %reduce_sum3A_219[15] : i32 from vector<16xi32>
      %and3A_221 = arith.constant 127 : i32
      %and3A_222 = arith.andi %reduce_sum3A_220, %and3A_221 : i32
      %broadcast_in_dim3A_223 = vector.broadcast %and3A_222 : i32 to vector<16xi32>
      %broadcast_in_dim3A_224 = vector.broadcast %and3A_161 : i32 to vector<16xi32>
      %add3A_225 = arith.constant 0 : i32
      %add3A_226 = vector.broadcast %add3A_225 : i32 to vector<16xi32>
      %add3A_227 = arith.addi %iota3A, %add3A_226 : vector<16xi32>
      %gather3A = tpu.vector_load_idx %arg10[%broadcast_in_dim3A_224, %add3A_227, %broadcast_in_dim3A_223] : memref<8x64x128xf32, #tpu.memory_space<vmem>>[vector<16xi32>, vector<16xi32>, vector<16xi32>], vector<16xf32>,
      %mul3A_228 = arith.constant 64 : i32
      %mul3A_229 = arith.muli %and3A_99, %mul3A_228 : i32
      %add3A_230 = arith.constant 0 : i32
      %add3A_231 = arith.addi %mul3A_229, %add3A_230 : i32
      %multiple_of3A_232 = tpu.assume_multiple %add3A_231, 16 : i32
      %swap3A = arith.index_cast %and3A_103 : i32 to index
      %swap3A_233 = arith.index_cast %multiple_of3A_232 : i32 to index
      %swap3A_234 = tpu.vector_load %arg11[%swap3A, %swap3A_233] {strides = array<i32>} : memref<2x4096xf32, #tpu.memory_space<vmem>>, vector<16xf32>,
      tpu.vector_store %arg11[%swap3A, %swap3A_233], %gather3A {strides = array<i32>} : memref<2x4096xf32, #tpu.memory_space<vmem>>, vector<16xf32>,
      %add3A_235 = arith.constant 16 : i32
      %add3A_236 = vector.broadcast %add3A_235 : i32 to vector<16xi32>
      %add3A_237 = arith.addi %iota3A, %add3A_236 : vector<16xi32>
      %gather3A_238 = tpu.vector_load_idx %arg10[%broadcast_in_dim3A_224, %add3A_237, %broadcast_in_dim3A_223] : memref<8x64x128xf32, #tpu.memory_space<vmem>>[vector<16xi32>, vector<16xi32>, vector<16xi32>], vector<16xf32>,
      %mul3A_239 = arith.constant 64 : i32
      %mul3A_240 = arith.muli %and3A_99, %mul3A_239 : i32
      %add3A_241 = arith.constant 16 : i32
      %add3A_242 = arith.addi %mul3A_240, %add3A_241 : i32
      %multiple_of3A_243 = tpu.assume_multiple %add3A_242, 16 : i32
      %swap3A_244 = arith.index_cast %and3A_103 : i32 to index
      %swap3A_245 = arith.index_cast %multiple_of3A_243 : i32 to index
      %swap3A_246 = tpu.vector_load %arg11[%swap3A_244, %swap3A_245] {strides = array<i32>} : memref<2x4096xf32, #tpu.memory_space<vmem>>, vector<16xf32>,
      tpu.vector_store %arg11[%swap3A_244, %swap3A_245], %gather3A_238 {strides = array<i32>} : memref<2x4096xf32, #tpu.memory_space<vmem>>, vector<16xf32>,
      %add3A_247 = arith.constant 32 : i32
      %add3A_248 = vector.broadcast %add3A_247 : i32 to vector<16xi32>
      %add3A_249 = arith.addi %iota3A, %add3A_248 : vector<16xi32>
      %gather3A_250 = tpu.vector_load_idx %arg10[%broadcast_in_dim3A_224, %add3A_249, %broadcast_in_dim3A_223] : memref<8x64x128xf32, #tpu.memory_space<vmem>>[vector<16xi32>, vector<16xi32>, vector<16xi32>], vector<16xf32>,
      %mul3A_251 = arith.constant 64 : i32
      %mul3A_252 = arith.muli %and3A_99, %mul3A_251 : i32
      %add3A_253 = arith.constant 32 : i32
      %add3A_254 = arith.addi %mul3A_252, %add3A_253 : i32
      %multiple_of3A_255 = tpu.assume_multiple %add3A_254, 16 : i32
      %swap3A_256 = arith.index_cast %and3A_103 : i32 to index
      %swap3A_257 = arith.index_cast %multiple_of3A_255 : i32 to index
      %swap3A_258 = tpu.vector_load %arg11[%swap3A_256, %swap3A_257] {strides = array<i32>} : memref<2x4096xf32, #tpu.memory_space<vmem>>, vector<16xf32>,
      tpu.vector_store %arg11[%swap3A_256, %swap3A_257], %gather3A_250 {strides = array<i32>} : memref<2x4096xf32, #tpu.memory_space<vmem>>, vector<16xf32>,
      %add3A_259 = arith.constant 48 : i32
      %add3A_260 = vector.broadcast %add3A_259 : i32 to vector<16xi32>
      %add3A_261 = arith.addi %iota3A, %add3A_260 : vector<16xi32>
      %gather3A_262 = tpu.vector_load_idx %arg10[%broadcast_in_dim3A_224, %add3A_261, %broadcast_in_dim3A_223] : memref<8x64x128xf32, #tpu.memory_space<vmem>>[vector<16xi32>, vector<16xi32>, vector<16xi32>], vector<16xf32>,
      %mul3A_263 = arith.constant 64 : i32
      %mul3A_264 = arith.muli %and3A_99, %mul3A_263 : i32
      %add3A_265 = arith.constant 48 : i32
      %add3A_266 = arith.addi %mul3A_264, %add3A_265 : i32
      %multiple_of3A_267 = tpu.assume_multiple %add3A_266, 16 : i32
      %swap3A_268 = arith.index_cast %and3A_103 : i32 to index
      %swap3A_269 = arith.index_cast %multiple_of3A_267 : i32 to index
      %swap3A_270 = tpu.vector_load %arg11[%swap3A_268, %swap3A_269] {strides = array<i32>} : memref<2x4096xf32, #tpu.memory_space<vmem>>, vector<16xf32>,
      tpu.vector_store %arg11[%swap3A_268, %swap3A_269], %gather3A_262 {strides = array<i32>} : memref<2x4096xf32, #tpu.memory_space<vmem>>, vector<16xf32>,
      %eq3A_271 = arith.constant 63 : i32
      %eq3A_272 = arith.cmpi eq, %and3A_99, %eq3A_271 : i32
      %convert_element_type3A_273 = arith.extui %eq3A_272 : i1 to i32
      %cond3A_274 = arith.constant 0 : i32
      %cond3A_275 = arith.cmpi ne, %convert_element_type3A_273, %cond3A_274 : i32
      scf.if %cond3A_275 {
        %add3A_276 = arith.addi %mul3A_3, %add3A_98 : i32
        %sub3A_277 = arith.constant 63 : i32
        %sub3A_278 = arith.subi %add3A_276, %sub3A_277 : i32
        %mul3A_279 = arith.constant 64 : i32
        %mul3A_280 = arith.muli %sub3A_278, %mul3A_279 : i32
        %multiple_of3A_281 = tpu.assume_multiple %mul3A_280, 4096 : i32
        %dma_start3A = arith.constant 0 : i32
        %dma_start3A_282 = tpu.memref_slice %arg11[%and3A_103, %dma_start3A] : memref<2x4096xf32, #tpu.memory_space<vmem>> -> memref<1x4096xf32, #tpu.memory_space<vmem>>
        %dma_start3A_283 = tpu.memref_squeeze %dma_start3A_282 : memref<1x4096xf32, #tpu.memory_space<vmem>> -> memref<4096xf32, #tpu.memory_space<vmem>>
        %dma_start3A_284 = tpu.memref_slice %arg6[%multiple_of3A_281] : memref<2097152xf32, #tpu.memory_space<hbm>> -> memref<4096xf32, #tpu.memory_space<hbm>>
        %dma_start3A_285 = tpu.memref_slice %arg6[%multiple_of3A_281] : memref<2097152xf32, #tpu.memory_space<hbm>> -> memref<4096xf32, #tpu.memory_space<hbm>>
        %dma_start3A_286 = arith.constant 0 : i32
        %dma_start3A_287 = tpu.memref_slice %arg11[%and3A_103, %dma_start3A_286] : memref<2x4096xf32, #tpu.memory_space<vmem>> -> memref<1x4096xf32, #tpu.memory_space<vmem>>
        %dma_start3A_288 = tpu.memref_squeeze %dma_start3A_287 : memref<1x4096xf32, #tpu.memory_space<vmem>> -> memref<4096xf32, #tpu.memory_space<vmem>>
        tpu.enqueue_dma source(%dma_start3A_288 : memref<4096xf32, #tpu.memory_space<vmem>>) target(%dma_start3A_285 : memref<4096xf32, #tpu.memory_space<hbm>>) target_semaphore(%arg13 : memref<!tpu.dma_semaphore, #tpu.memory_space<semaphore_mem>>)
      } else {
      }
    }
    %scan3A_72 = arith.constant 1024 : i32
    %dma_wait3A = arith.constant 0 : i32
    %dma_wait3A_73 = arith.constant 0 : i32
    %dma_wait3A_74 = tpu.memref_slice %arg11[%dma_wait3A, %dma_wait3A_73] : memref<2x4096xf32, #tpu.memory_space<vmem>> -> memref<1x4096xf32, #tpu.memory_space<vmem>>
    %dma_wait3A_75 = tpu.memref_squeeze %dma_wait3A_74 : memref<1x4096xf32, #tpu.memory_space<vmem>> -> memref<4096xf32, #tpu.memory_space<vmem>>
    %dma_wait3A_76 = arith.constant 0 : i32
    %dma_wait3A_77 = tpu.memref_slice %arg6[%dma_wait3A_76] : memref<2097152xf32, #tpu.memory_space<hbm>> -> memref<4096xf32, #tpu.memory_space<hbm>>
    %dma_wait3A_78 = arith.constant 0 : i32
    %dma_wait3A_79 = tpu.memref_slice %arg11[%dma_wait3A, %dma_wait3A_78] : memref<2x4096xf32, #tpu.memory_space<vmem>> -> memref<1x4096xf32, #tpu.memory_space<vmem>>
    %dma_wait3A_80 = tpu.memref_squeeze %dma_wait3A_79 : memref<1x4096xf32, #tpu.memory_space<vmem>> -> memref<4096xf32, #tpu.memory_space<vmem>>
    %dma_wait3A_81 = arith.constant 0 : i32
    %dma_wait3A_82 = tpu.memref_slice %arg6[%dma_wait3A_81] : memref<2097152xf32, #tpu.memory_space<hbm>> -> memref<4096xf32, #tpu.memory_space<hbm>>
    tpu.wait_dma2 semaphore(%arg13 : memref<!tpu.dma_semaphore, #tpu.memory_space<semaphore_mem>>) src(%dma_wait3A_82 : memref<4096xf32, #tpu.memory_space<hbm>>) dst(%dma_wait3A_80 : memref<4096xf32, #tpu.memory_space<vmem>>)
    %dma_wait3A_83 = arith.constant 0 : i32
    %dma_wait3A_84 = arith.constant 0 : i32
    %dma_wait3A_85 = tpu.memref_slice %arg11[%dma_wait3A_83, %dma_wait3A_84] : memref<2x4096xf32, #tpu.memory_space<vmem>> -> memref<1x4096xf32, #tpu.memory_space<vmem>>
    %dma_wait3A_86 = tpu.memref_squeeze %dma_wait3A_85 : memref<1x4096xf32, #tpu.memory_space<vmem>> -> memref<4096xf32, #tpu.memory_space<vmem>>
    %dma_wait3A_87 = arith.constant 0 : i32
    %dma_wait3A_88 = tpu.memref_slice %arg6[%dma_wait3A_87] : memref<2097152xf32, #tpu.memory_space<hbm>> -> memref<4096xf32, #tpu.memory_space<hbm>>
    %dma_wait3A_89 = arith.constant 0 : i32
    %dma_wait3A_90 = tpu.memref_slice %arg11[%dma_wait3A_83, %dma_wait3A_89] : memref<2x4096xf32, #tpu.memory_space<vmem>> -> memref<1x4096xf32, #tpu.memory_space<vmem>>
    %dma_wait3A_91 = tpu.memref_squeeze %dma_wait3A_90 : memref<1x4096xf32, #tpu.memory_space<vmem>> -> memref<4096xf32, #tpu.memory_space<vmem>>
    %dma_wait3A_92 = arith.constant 0 : i32
    %dma_wait3A_93 = tpu.memref_slice %arg6[%dma_wait3A_92] : memref<2097152xf32, #tpu.memory_space<hbm>> -> memref<4096xf32, #tpu.memory_space<hbm>>
    tpu.wait_dma2 semaphore(%arg13 : memref<!tpu.dma_semaphore, #tpu.memory_space<semaphore_mem>>) src(%dma_wait3A_93 : memref<4096xf32, #tpu.memory_space<hbm>>) dst(%dma_wait3A_91 : memref<4096xf32, #tpu.memory_space<vmem>>)
    return
  }
}

#map = affine_map<(d0, d1) -> (0)>
#map1 = affine_map<(d0, d1) -> (0, 0)>
module attributes {stable_mosaic.version = 14 : i64} {
  func.func @k(%arg0: i32, %arg1: i32, %arg2: memref<16384xi32, #tpu.memory_space<hbm>>, %arg3: memref<16384xi32, #tpu.memory_space<hbm>>, %arg4: memref<16400xi32, #tpu.memory_space<hbm>>, %arg5: memref<64x1000000xf32, #tpu.memory_space<hbm>>, %arg6: memref<1048576xf32, #tpu.memory_space<hbm>>, %arg7: memref<512xi32, #tpu.memory_space<vmem>>, %arg8: memref<512xi32, #tpu.memory_space<vmem>>, %arg9: memref<528xi32, #tpu.memory_space<vmem>>, %arg10: memref<8x64x128xf32, #tpu.memory_space<vmem>>, %arg11: memref<2x4096xf32, #tpu.memory_space<vmem>>, %arg12: memref<!tpu.dma_semaphore, #tpu.memory_space<semaphore_mem>>, %arg13: memref<!tpu.dma_semaphore, #tpu.memory_space<semaphore_mem>>) attributes {dimension_semantics = [#tpu.dimension_semantics<core_parallel>, #tpu.dimension_semantics<subcore_parallel>], iteration_bounds = array<i64: 2, 16>, scalar_prefetch = 0 : i64, scratch_operands = 7 : i64, tpu.core_type = #tpu.core_type<sc_vector_subcore>, window_params = [{transform_indices = #map}, {transform_indices = #map}, {transform_indices = #map}, {transform_indices = #map1}, {transform_indices = #map}]} {
    %mul3A = arith.constant 2 : i32
    %mul3A_0 = arith.muli %arg1, %mul3A : i32
    %add3A = arith.addi %mul3A_0, %arg0 : i32
    %iota3A = tpu.iota {dimensions = array<i32: 0>} : vector<16xi32>
    %broadcast_in_dim3A = arith.constant 0 : i32
    %broadcast_in_dim3A_1 = vector.broadcast %broadcast_in_dim3A : i32 to vector<16xi32>
    %mul3A_2 = arith.constant 512 : i32
    %mul3A_3 = arith.muli %add3A, %mul3A_2 : i32
    "tpu.region"() ({
      %run_scoped3A = tpu.sem_alloc : memref<!tpu.dma_semaphore, #tpu.memory_space<semaphore_mem>>
      %dma_start3A = tpu.memref_slice %arg2[%mul3A_3] : memref<16384xi32, #tpu.memory_space<hbm>> -> memref<512xi32, #tpu.memory_space<hbm>>
      %dma_start3A_94 = tpu.memref_slice %arg2[%mul3A_3] : memref<16384xi32, #tpu.memory_space<hbm>> -> memref<512xi32, #tpu.memory_space<hbm>>
      tpu.enqueue_dma source(%dma_start3A_94 : memref<512xi32, #tpu.memory_space<hbm>>) target(%arg7 : memref<512xi32, #tpu.memory_space<vmem>>) target_semaphore(%run_scoped3A : memref<!tpu.dma_semaphore, #tpu.memory_space<semaphore_mem>>)
      %dma_wait3A_95 = tpu.memref_slice %arg2[%mul3A_3] : memref<16384xi32, #tpu.memory_space<hbm>> -> memref<512xi32, #tpu.memory_space<hbm>>
      %dma_wait3A_96 = tpu.memref_slice %arg2[%mul3A_3] : memref<16384xi32, #tpu.memory_space<hbm>> -> memref<512xi32, #tpu.memory_space<hbm>>
      tpu.wait_dma2 semaphore(%run_scoped3A : memref<!tpu.dma_semaphore, #tpu.memory_space<semaphore_mem>>) src(%dma_wait3A_96 : memref<512xi32, #tpu.memory_space<hbm>>) dst(%arg7 : memref<512xi32, #tpu.memory_space<vmem>>)
      tpu.yield
    }) : () -> ()
    "tpu.region"() ({
      %run_scoped3A = tpu.sem_alloc : memref<!tpu.dma_semaphore, #tpu.memory_space<semaphore_mem>>
      %dma_start3A = tpu.memref_slice %arg3[%mul3A_3] : memref<16384xi32, #tpu.memory_space<hbm>> -> memref<512xi32, #tpu.memory_space<hbm>>
      %dma_start3A_94 = tpu.memref_slice %arg3[%mul3A_3] : memref<16384xi32, #tpu.memory_space<hbm>> -> memref<512xi32, #tpu.memory_space<hbm>>
      tpu.enqueue_dma source(%dma_start3A_94 : memref<512xi32, #tpu.memory_space<hbm>>) target(%arg8 : memref<512xi32, #tpu.memory_space<vmem>>) target_semaphore(%run_scoped3A : memref<!tpu.dma_semaphore, #tpu.memory_space<semaphore_mem>>)
      %dma_wait3A_95 = tpu.memref_slice %arg3[%mul3A_3] : memref<16384xi32, #tpu.memory_space<hbm>> -> memref<512xi32, #tpu.memory_space<hbm>>
      %dma_wait3A_96 = tpu.memref_slice %arg3[%mul3A_3] : memref<16384xi32, #tpu.memory_space<hbm>> -> memref<512xi32, #tpu.memory_space<hbm>>
      tpu.wait_dma2 semaphore(%run_scoped3A : memref<!tpu.dma_semaphore, #tpu.memory_space<semaphore_mem>>) src(%dma_wait3A_96 : memref<512xi32, #tpu.memory_space<hbm>>) dst(%arg8 : memref<512xi32, #tpu.memory_space<vmem>>)
      tpu.yield
    }) : () -> ()
    %multiple_of3A = arith.constant 0 : i32
    %multiple_of3A_4 = tpu.assume_multiple %multiple_of3A, 16 : i32
    %get3A = arith.index_cast %multiple_of3A_4 : i32 to index
    %get3A_5 = tpu.vector_load %arg8[%get3A] {strides = array<i32>} : memref<512xi32, #tpu.memory_space<vmem>>, vector<16xi32>,
    %eq3A = arith.constant 0 : i32
    %eq3A_6 = vector.broadcast %eq3A : i32 to vector<16xi32>
    %eq3A_7 = arith.cmpi eq, %iota3A, %eq3A_6 : vector<16xi32>
    %select_n3A = arith.select %eq3A_7, %get3A_5, %broadcast_in_dim3A_1 : vector<16xi1>, vector<16xi32>
    %reduce_sum3A = arith.constant true
    %reduce_sum3A_8 = vector.broadcast %reduce_sum3A : i1 to vector<16xi1>
    %reduce_sum3A_9 = tpu.scan <sum>, %select_n3A masked %reduce_sum3A_8 : vector<16xi32>, vector<16xi1> -> vector<16xi32>
    %reduce_sum3A_10 = vector.extract %reduce_sum3A_9[15] : i32 from vector<16xi32>
    %shift_right_logical3A = arith.constant 1 : i32
    %shift_right_logical3A_11 = arith.shrui %reduce_sum3A_10, %shift_right_logical3A : i32
    %multiple_of3A_12 = arith.constant 496 : i32
    %multiple_of3A_13 = tpu.assume_multiple %multiple_of3A_12, 16 : i32
    %get3A_14 = arith.index_cast %multiple_of3A_13 : i32 to index
    %get3A_15 = tpu.vector_load %arg8[%get3A_14] {strides = array<i32>} : memref<512xi32, #tpu.memory_space<vmem>>, vector<16xi32>,
    %eq3A_16 = arith.constant 15 : i32
    %eq3A_17 = vector.broadcast %eq3A_16 : i32 to vector<16xi32>
    %eq3A_18 = arith.cmpi eq, %iota3A, %eq3A_17 : vector<16xi32>
    %select_n3A_19 = arith.select %eq3A_18, %get3A_15, %broadcast_in_dim3A_1 : vector<16xi1>, vector<16xi32>
    %reduce_sum3A_20 = arith.constant true
    %reduce_sum3A_21 = vector.broadcast %reduce_sum3A_20 : i1 to vector<16xi1>
    %reduce_sum3A_22 = tpu.scan <sum>, %select_n3A_19 masked %reduce_sum3A_21 : vector<16xi32>, vector<16xi1> -> vector<16xi32>
    %reduce_sum3A_23 = vector.extract %reduce_sum3A_22[15] : i32 from vector<16xi32>
    %shift_right_logical3A_24 = arith.constant 1 : i32
    %shift_right_logical3A_25 = arith.shrui %reduce_sum3A_23, %shift_right_logical3A_24 : i32
    %shift_right_logical3A_26 = arith.constant 3 : i32
    %shift_right_logical3A_27 = arith.shrui %shift_right_logical3A_11, %shift_right_logical3A_26 : i32
    %shift_left3A = arith.constant 3 : i32
    %shift_left3A_28 = arith.shli %shift_right_logical3A_27, %shift_left3A : i32
    %multiple_of3A_29 = tpu.assume_multiple %shift_left3A_28, 8 : i32
    "tpu.region"() ({
      %run_scoped3A = tpu.sem_alloc : memref<!tpu.dma_semaphore, #tpu.memory_space<semaphore_mem>>
      %dma_start3A = arith.constant 0 : i32
      %dma_start3A_94 = tpu.memref_slice %arg9[%dma_start3A] : memref<528xi32, #tpu.memory_space<vmem>> -> memref<520xi32, #tpu.memory_space<vmem>>
      %dma_start3A_95 = tpu.memref_slice %arg4[%multiple_of3A_29] : memref<16400xi32, #tpu.memory_space<hbm>> -> memref<520xi32, #tpu.memory_space<hbm>>
      %dma_start3A_96 = arith.constant 0 : i32
      %dma_start3A_97 = tpu.memref_slice %arg9[%dma_start3A_96] : memref<528xi32, #tpu.memory_space<vmem>> -> memref<520xi32, #tpu.memory_space<vmem>>
      %dma_start3A_98 = tpu.memref_slice %arg4[%multiple_of3A_29] : memref<16400xi32, #tpu.memory_space<hbm>> -> memref<520xi32, #tpu.memory_space<hbm>>
      tpu.enqueue_dma source(%dma_start3A_98 : memref<520xi32, #tpu.memory_space<hbm>>) target(%dma_start3A_97 : memref<520xi32, #tpu.memory_space<vmem>>) target_semaphore(%run_scoped3A : memref<!tpu.dma_semaphore, #tpu.memory_space<semaphore_mem>>)
      %dma_wait3A_99 = arith.constant 0 : i32
      %dma_wait3A_100 = tpu.memref_slice %arg9[%dma_wait3A_99] : memref<528xi32, #tpu.memory_space<vmem>> -> memref<520xi32, #tpu.memory_space<vmem>>
      %dma_wait3A_101 = tpu.memref_slice %arg4[%multiple_of3A_29] : memref<16400xi32, #tpu.memory_space<hbm>> -> memref<520xi32, #tpu.memory_space<hbm>>
      %dma_wait3A_102 = arith.constant 0 : i32
      %dma_wait3A_103 = tpu.memref_slice %arg9[%dma_wait3A_102] : memref<528xi32, #tpu.memory_space<vmem>> -> memref<520xi32, #tpu.memory_space<vmem>>
      %dma_wait3A_104 = tpu.memref_slice %arg4[%multiple_of3A_29] : memref<16400xi32, #tpu.memory_space<hbm>> -> memref<520xi32, #tpu.memory_space<hbm>>
      tpu.wait_dma2 semaphore(%run_scoped3A : memref<!tpu.dma_semaphore, #tpu.memory_space<semaphore_mem>>) src(%dma_wait3A_104 : memref<520xi32, #tpu.memory_space<hbm>>) dst(%dma_wait3A_103 : memref<520xi32, #tpu.memory_space<vmem>>)
      tpu.yield
    }) : () -> ()
    %add3A_30 = arith.constant 0 : i32
    %add3A_31 = arith.addi %shift_right_logical3A_11, %add3A_30 : i32
    %le3A = arith.cmpi sle, %add3A_31, %shift_right_logical3A_25 : i32
    %convert_element_type3A = arith.extui %le3A : i1 to i32
    %cond3A = arith.constant 0 : i32
    %cond3A_32 = arith.cmpi ne, %convert_element_type3A, %cond3A : i32
    scf.if %cond3A_32 {
      %add3A_94 = arith.constant 0 : i32
      %add3A_95 = arith.addi %shift_right_logical3A_11, %add3A_94 : i32
      %sub3A = arith.subi %add3A_95, %multiple_of3A_29 : i32
      %jit3A = arith.constant 16 : i32
      %div3A = arith.divsi %sub3A, %jit3A : i32
      %sign3A = arith.constant 0 : i32
      %sign3A_96 = arith.cmpi sgt, %sub3A, %sign3A : i32
      %sign3A_97 = arith.extui %sign3A_96 : i1 to i32
      %sign3A_98 = arith.constant 0 : i32
      %sign3A_99 = arith.cmpi slt, %sub3A, %sign3A_98 : i32
      %sign3A_100 = arith.extui %sign3A_99 : i1 to i32
      %sign3A_101 = arith.subi %sign3A_97, %sign3A_100 : i32
      %sign3A_102 = arith.constant 0 : i32
      %sign3A_103 = arith.cmpi sgt, %jit3A, %sign3A_102 : i32
      %sign3A_104 = arith.extui %sign3A_103 : i1 to i32
      %sign3A_105 = arith.constant 0 : i32
      %sign3A_106 = arith.cmpi slt, %jit3A, %sign3A_105 : i32
      %sign3A_107 = arith.extui %sign3A_106 : i1 to i32
      %sign3A_108 = arith.subi %sign3A_104, %sign3A_107 : i32
      %ne3A = arith.cmpi ne, %sign3A_101, %sign3A_108 : i32
      %rem3A = arith.remsi %sub3A, %jit3A : i32
      %ne3A_109 = arith.constant 0 : i32
      %ne3A_110 = arith.cmpi ne, %rem3A, %ne3A_109 : i32
      %and3A = arith.andi %ne3A, %ne3A_110 : i1
      %sub3A_111 = arith.constant 1 : i32
      %sub3A_112 = arith.subi %div3A, %sub3A_111 : i32
      %select_n3A_113 = arith.select %and3A, %sub3A_112, %div3A : i32
      %mul3A_114 = arith.constant 16 : i32
      %mul3A_115 = arith.muli %select_n3A_113, %mul3A_114 : i32
      %multiple_of3A_116 = tpu.assume_multiple %mul3A_115, 16 : i32
      %get3A_117 = arith.index_cast %multiple_of3A_116 : i32 to index
      %get3A_118 = tpu.vector_load %arg9[%get3A_117] {strides = array<i32>} : memref<528xi32, #tpu.memory_space<vmem>>, vector<16xi32>,
      %jit3A_119 = arith.constant 16 : i32
      %eq3A_120 = arith.constant 0 : i32
      %eq3A_121 = arith.cmpi eq, %jit3A_119, %eq3A_120 : i32
      %jit3A_122 = arith.constant 1 : i32
      %select_n3A_123 = arith.select %eq3A_121, %jit3A_122, %jit3A_119 : i32
      %rem3A_124 = arith.remsi %sub3A, %select_n3A_123 : i32
      %ne3A_125 = arith.constant 0 : i32
      %ne3A_126 = arith.cmpi ne, %rem3A_124, %ne3A_125 : i32
      %lt3A = arith.constant 0 : i32
      %lt3A_127 = arith.cmpi slt, %rem3A_124, %lt3A : i32
      %lt3A_128 = arith.constant 0 : i32
      %lt3A_129 = arith.cmpi slt, %select_n3A_123, %lt3A_128 : i32
      %ne3A_130 = arith.xori %lt3A_127, %lt3A_129 : i1
      %and3A_131 = arith.andi %ne3A_130, %ne3A_126 : i1
      %add3A_132 = arith.addi %rem3A_124, %select_n3A_123 : i32
      %select_n3A_133 = arith.select %and3A_131, %add3A_132, %rem3A_124 : i32
      %eq3A_134 = vector.broadcast %select_n3A_133 : i32 to vector<16xi32>
      %eq3A_135 = arith.cmpi eq, %iota3A, %eq3A_134 : vector<16xi32>
      %select_n3A_136 = arith.select %eq3A_135, %get3A_118, %broadcast_in_dim3A_1 : vector<16xi1>, vector<16xi32>
      %reduce_sum3A_137 = arith.constant true
      %reduce_sum3A_138 = vector.broadcast %reduce_sum3A_137 : i1 to vector<16xi1>
      %reduce_sum3A_139 = tpu.scan <sum>, %select_n3A_136 masked %reduce_sum3A_138 : vector<16xi32>, vector<16xi1> -> vector<16xi32>
      %reduce_sum3A_140 = vector.extract %reduce_sum3A_139[15] : i32 from vector<16xi32>
      %mul3A_141 = arith.constant 128 : i32
      %mul3A_142 = arith.muli %reduce_sum3A_140, %mul3A_141 : i32
      %multiple_of3A_143 = tpu.assume_multiple %mul3A_142, 128 : i32
      %and3A_144 = arith.constant 7 : i32
      %and3A_145 = arith.andi %add3A_95, %and3A_144 : i32
      %dma_start3A = arith.constant 0 : i32
      %dma_start3A_146 = arith.constant 0 : i32
      %dma_start3A_147 = tpu.memref_slice %arg10[%and3A_145, %dma_start3A, %dma_start3A_146] : memref<8x64x128xf32, #tpu.memory_space<vmem>> -> memref<1x64x128xf32, #tpu.memory_space<vmem>>
      %dma_start3A_148 = tpu.memref_squeeze %dma_start3A_147 : memref<1x64x128xf32, #tpu.memory_space<vmem>> -> memref<64x128xf32, #tpu.memory_space<vmem>>
      %dma_start3A_149 = arith.constant 0 : i32
      %dma_start3A_150 = tpu.memref_slice %arg5[%dma_start3A_149, %multiple_of3A_143] : memref<64x1000000xf32, #tpu.memory_space<hbm>> -> memref<64x128xf32, #tpu.memory_space<hbm>>
      %dma_start3A_151 = arith.constant 0 : i32
      %dma_start3A_152 = arith.constant 0 : i32
      %dma_start3A_153 = tpu.memref_slice %arg10[%and3A_145, %dma_start3A_151, %dma_start3A_152] : memref<8x64x128xf32, #tpu.memory_space<vmem>> -> memref<1x64x128xf32, #tpu.memory_space<vmem>>
      %dma_start3A_154 = tpu.memref_squeeze %dma_start3A_153 : memref<1x64x128xf32, #tpu.memory_space<vmem>> -> memref<64x128xf32, #tpu.memory_space<vmem>>
      %dma_start3A_155 = arith.constant 0 : i32
      %dma_start3A_156 = tpu.memref_slice %arg5[%dma_start3A_155, %multiple_of3A_143] : memref<64x1000000xf32, #tpu.memory_space<hbm>> -> memref<64x128xf32, #tpu.memory_space<hbm>>
      tpu.enqueue_dma source(%dma_start3A_156 : memref<64x128xf32, #tpu.memory_space<hbm>>) target(%dma_start3A_154 : memref<64x128xf32, #tpu.memory_space<vmem>>) target_semaphore(%arg12 : memref<!tpu.dma_semaphore, #tpu.memory_space<semaphore_mem>>)
    } else {
    }
    %add3A_33 = arith.constant 1 : i32
    %add3A_34 = arith.addi %shift_right_logical3A_11, %add3A_33 : i32
    %le3A_35 = arith.cmpi sle, %add3A_34, %shift_right_logical3A_25 : i32
    %convert_element_type3A_36 = arith.extui %le3A_35 : i1 to i32
    %cond3A_37 = arith.constant 0 : i32
    %cond3A_38 = arith.cmpi ne, %convert_element_type3A_36, %cond3A_37 : i32
    scf.if %cond3A_38 {
      %add3A_94 = arith.constant 1 : i32
      %add3A_95 = arith.addi %shift_right_logical3A_11, %add3A_94 : i32
      %sub3A = arith.subi %add3A_95, %multiple_of3A_29 : i32
      %jit3A = arith.constant 16 : i32
      %div3A = arith.divsi %sub3A, %jit3A : i32
      %sign3A = arith.constant 0 : i32
      %sign3A_96 = arith.cmpi sgt, %sub3A, %sign3A : i32
      %sign3A_97 = arith.extui %sign3A_96 : i1 to i32
      %sign3A_98 = arith.constant 0 : i32
      %sign3A_99 = arith.cmpi slt, %sub3A, %sign3A_98 : i32
      %sign3A_100 = arith.extui %sign3A_99 : i1 to i32
      %sign3A_101 = arith.subi %sign3A_97, %sign3A_100 : i32
      %sign3A_102 = arith.constant 0 : i32
      %sign3A_103 = arith.cmpi sgt, %jit3A, %sign3A_102 : i32
      %sign3A_104 = arith.extui %sign3A_103 : i1 to i32
      %sign3A_105 = arith.constant 0 : i32
      %sign3A_106 = arith.cmpi slt, %jit3A, %sign3A_105 : i32
      %sign3A_107 = arith.extui %sign3A_106 : i1 to i32
      %sign3A_108 = arith.subi %sign3A_104, %sign3A_107 : i32
      %ne3A = arith.cmpi ne, %sign3A_101, %sign3A_108 : i32
      %rem3A = arith.remsi %sub3A, %jit3A : i32
      %ne3A_109 = arith.constant 0 : i32
      %ne3A_110 = arith.cmpi ne, %rem3A, %ne3A_109 : i32
      %and3A = arith.andi %ne3A, %ne3A_110 : i1
      %sub3A_111 = arith.constant 1 : i32
      %sub3A_112 = arith.subi %div3A, %sub3A_111 : i32
      %select_n3A_113 = arith.select %and3A, %sub3A_112, %div3A : i32
      %mul3A_114 = arith.constant 16 : i32
      %mul3A_115 = arith.muli %select_n3A_113, %mul3A_114 : i32
      %multiple_of3A_116 = tpu.assume_multiple %mul3A_115, 16 : i32
      %get3A_117 = arith.index_cast %multiple_of3A_116 : i32 to index
      %get3A_118 = tpu.vector_load %arg9[%get3A_117] {strides = array<i32>} : memref<528xi32, #tpu.memory_space<vmem>>, vector<16xi32>,
      %jit3A_119 = arith.constant 16 : i32
      %eq3A_120 = arith.constant 0 : i32
      %eq3A_121 = arith.cmpi eq, %jit3A_119, %eq3A_120 : i32
      %jit3A_122 = arith.constant 1 : i32
      %select_n3A_123 = arith.select %eq3A_121, %jit3A_122, %jit3A_119 : i32
      %rem3A_124 = arith.remsi %sub3A, %select_n3A_123 : i32
      %ne3A_125 = arith.constant 0 : i32
      %ne3A_126 = arith.cmpi ne, %rem3A_124, %ne3A_125 : i32
      %lt3A = arith.constant 0 : i32
      %lt3A_127 = arith.cmpi slt, %rem3A_124, %lt3A : i32
      %lt3A_128 = arith.constant 0 : i32
      %lt3A_129 = arith.cmpi slt, %select_n3A_123, %lt3A_128 : i32
      %ne3A_130 = arith.xori %lt3A_127, %lt3A_129 : i1
      %and3A_131 = arith.andi %ne3A_130, %ne3A_126 : i1
      %add3A_132 = arith.addi %rem3A_124, %select_n3A_123 : i32
      %select_n3A_133 = arith.select %and3A_131, %add3A_132, %rem3A_124 : i32
      %eq3A_134 = vector.broadcast %select_n3A_133 : i32 to vector<16xi32>
      %eq3A_135 = arith.cmpi eq, %iota3A, %eq3A_134 : vector<16xi32>
      %select_n3A_136 = arith.select %eq3A_135, %get3A_118, %broadcast_in_dim3A_1 : vector<16xi1>, vector<16xi32>
      %reduce_sum3A_137 = arith.constant true
      %reduce_sum3A_138 = vector.broadcast %reduce_sum3A_137 : i1 to vector<16xi1>
      %reduce_sum3A_139 = tpu.scan <sum>, %select_n3A_136 masked %reduce_sum3A_138 : vector<16xi32>, vector<16xi1> -> vector<16xi32>
      %reduce_sum3A_140 = vector.extract %reduce_sum3A_139[15] : i32 from vector<16xi32>
      %mul3A_141 = arith.constant 128 : i32
      %mul3A_142 = arith.muli %reduce_sum3A_140, %mul3A_141 : i32
      %multiple_of3A_143 = tpu.assume_multiple %mul3A_142, 128 : i32
      %and3A_144 = arith.constant 7 : i32
      %and3A_145 = arith.andi %add3A_95, %and3A_144 : i32
      %dma_start3A = arith.constant 0 : i32
      %dma_start3A_146 = arith.constant 0 : i32
      %dma_start3A_147 = tpu.memref_slice %arg10[%and3A_145, %dma_start3A, %dma_start3A_146] : memref<8x64x128xf32, #tpu.memory_space<vmem>> -> memref<1x64x128xf32, #tpu.memory_space<vmem>>
      %dma_start3A_148 = tpu.memref_squeeze %dma_start3A_147 : memref<1x64x128xf32, #tpu.memory_space<vmem>> -> memref<64x128xf32, #tpu.memory_space<vmem>>
      %dma_start3A_149 = arith.constant 0 : i32
      %dma_start3A_150 = tpu.memref_slice %arg5[%dma_start3A_149, %multiple_of3A_143] : memref<64x1000000xf32, #tpu.memory_space<hbm>> -> memref<64x128xf32, #tpu.memory_space<hbm>>
      %dma_start3A_151 = arith.constant 0 : i32
      %dma_start3A_152 = arith.constant 0 : i32
      %dma_start3A_153 = tpu.memref_slice %arg10[%and3A_145, %dma_start3A_151, %dma_start3A_152] : memref<8x64x128xf32, #tpu.memory_space<vmem>> -> memref<1x64x128xf32, #tpu.memory_space<vmem>>
      %dma_start3A_154 = tpu.memref_squeeze %dma_start3A_153 : memref<1x64x128xf32, #tpu.memory_space<vmem>> -> memref<64x128xf32, #tpu.memory_space<vmem>>
      %dma_start3A_155 = arith.constant 0 : i32
      %dma_start3A_156 = tpu.memref_slice %arg5[%dma_start3A_155, %multiple_of3A_143] : memref<64x1000000xf32, #tpu.memory_space<hbm>> -> memref<64x128xf32, #tpu.memory_space<hbm>>
      tpu.enqueue_dma source(%dma_start3A_156 : memref<64x128xf32, #tpu.memory_space<hbm>>) target(%dma_start3A_154 : memref<64x128xf32, #tpu.memory_space<vmem>>) target_semaphore(%arg12 : memref<!tpu.dma_semaphore, #tpu.memory_space<semaphore_mem>>)
    } else {
    }
    %add3A_39 = arith.constant 2 : i32
    %add3A_40 = arith.addi %shift_right_logical3A_11, %add3A_39 : i32
    %le3A_41 = arith.cmpi sle, %add3A_40, %shift_right_logical3A_25 : i32
    %convert_element_type3A_42 = arith.extui %le3A_41 : i1 to i32
    %cond3A_43 = arith.constant 0 : i32
    %cond3A_44 = arith.cmpi ne, %convert_element_type3A_42, %cond3A_43 : i32
    scf.if %cond3A_44 {
      %add3A_94 = arith.constant 2 : i32
      %add3A_95 = arith.addi %shift_right_logical3A_11, %add3A_94 : i32
      %sub3A = arith.subi %add3A_95, %multiple_of3A_29 : i32
      %jit3A = arith.constant 16 : i32
      %div3A = arith.divsi %sub3A, %jit3A : i32
      %sign3A = arith.constant 0 : i32
      %sign3A_96 = arith.cmpi sgt, %sub3A, %sign3A : i32
      %sign3A_97 = arith.extui %sign3A_96 : i1 to i32
      %sign3A_98 = arith.constant 0 : i32
      %sign3A_99 = arith.cmpi slt, %sub3A, %sign3A_98 : i32
      %sign3A_100 = arith.extui %sign3A_99 : i1 to i32
      %sign3A_101 = arith.subi %sign3A_97, %sign3A_100 : i32
      %sign3A_102 = arith.constant 0 : i32
      %sign3A_103 = arith.cmpi sgt, %jit3A, %sign3A_102 : i32
      %sign3A_104 = arith.extui %sign3A_103 : i1 to i32
      %sign3A_105 = arith.constant 0 : i32
      %sign3A_106 = arith.cmpi slt, %jit3A, %sign3A_105 : i32
      %sign3A_107 = arith.extui %sign3A_106 : i1 to i32
      %sign3A_108 = arith.subi %sign3A_104, %sign3A_107 : i32
      %ne3A = arith.cmpi ne, %sign3A_101, %sign3A_108 : i32
      %rem3A = arith.remsi %sub3A, %jit3A : i32
      %ne3A_109 = arith.constant 0 : i32
      %ne3A_110 = arith.cmpi ne, %rem3A, %ne3A_109 : i32
      %and3A = arith.andi %ne3A, %ne3A_110 : i1
      %sub3A_111 = arith.constant 1 : i32
      %sub3A_112 = arith.subi %div3A, %sub3A_111 : i32
      %select_n3A_113 = arith.select %and3A, %sub3A_112, %div3A : i32
      %mul3A_114 = arith.constant 16 : i32
      %mul3A_115 = arith.muli %select_n3A_113, %mul3A_114 : i32
      %multiple_of3A_116 = tpu.assume_multiple %mul3A_115, 16 : i32
      %get3A_117 = arith.index_cast %multiple_of3A_116 : i32 to index
      %get3A_118 = tpu.vector_load %arg9[%get3A_117] {strides = array<i32>} : memref<528xi32, #tpu.memory_space<vmem>>, vector<16xi32>,
      %jit3A_119 = arith.constant 16 : i32
      %eq3A_120 = arith.constant 0 : i32
      %eq3A_121 = arith.cmpi eq, %jit3A_119, %eq3A_120 : i32
      %jit3A_122 = arith.constant 1 : i32
      %select_n3A_123 = arith.select %eq3A_121, %jit3A_122, %jit3A_119 : i32
      %rem3A_124 = arith.remsi %sub3A, %select_n3A_123 : i32
      %ne3A_125 = arith.constant 0 : i32
      %ne3A_126 = arith.cmpi ne, %rem3A_124, %ne3A_125 : i32
      %lt3A = arith.constant 0 : i32
      %lt3A_127 = arith.cmpi slt, %rem3A_124, %lt3A : i32
      %lt3A_128 = arith.constant 0 : i32
      %lt3A_129 = arith.cmpi slt, %select_n3A_123, %lt3A_128 : i32
      %ne3A_130 = arith.xori %lt3A_127, %lt3A_129 : i1
      %and3A_131 = arith.andi %ne3A_130, %ne3A_126 : i1
      %add3A_132 = arith.addi %rem3A_124, %select_n3A_123 : i32
      %select_n3A_133 = arith.select %and3A_131, %add3A_132, %rem3A_124 : i32
      %eq3A_134 = vector.broadcast %select_n3A_133 : i32 to vector<16xi32>
      %eq3A_135 = arith.cmpi eq, %iota3A, %eq3A_134 : vector<16xi32>
      %select_n3A_136 = arith.select %eq3A_135, %get3A_118, %broadcast_in_dim3A_1 : vector<16xi1>, vector<16xi32>
      %reduce_sum3A_137 = arith.constant true
      %reduce_sum3A_138 = vector.broadcast %reduce_sum3A_137 : i1 to vector<16xi1>
      %reduce_sum3A_139 = tpu.scan <sum>, %select_n3A_136 masked %reduce_sum3A_138 : vector<16xi32>, vector<16xi1> -> vector<16xi32>
      %reduce_sum3A_140 = vector.extract %reduce_sum3A_139[15] : i32 from vector<16xi32>
      %mul3A_141 = arith.constant 128 : i32
      %mul3A_142 = arith.muli %reduce_sum3A_140, %mul3A_141 : i32
      %multiple_of3A_143 = tpu.assume_multiple %mul3A_142, 128 : i32
      %and3A_144 = arith.constant 7 : i32
      %and3A_145 = arith.andi %add3A_95, %and3A_144 : i32
      %dma_start3A = arith.constant 0 : i32
      %dma_start3A_146 = arith.constant 0 : i32
      %dma_start3A_147 = tpu.memref_slice %arg10[%and3A_145, %dma_start3A, %dma_start3A_146] : memref<8x64x128xf32, #tpu.memory_space<vmem>> -> memref<1x64x128xf32, #tpu.memory_space<vmem>>
      %dma_start3A_148 = tpu.memref_squeeze %dma_start3A_147 : memref<1x64x128xf32, #tpu.memory_space<vmem>> -> memref<64x128xf32, #tpu.memory_space<vmem>>
      %dma_start3A_149 = arith.constant 0 : i32
      %dma_start3A_150 = tpu.memref_slice %arg5[%dma_start3A_149, %multiple_of3A_143] : memref<64x1000000xf32, #tpu.memory_space<hbm>> -> memref<64x128xf32, #tpu.memory_space<hbm>>
      %dma_start3A_151 = arith.constant 0 : i32
      %dma_start3A_152 = arith.constant 0 : i32
      %dma_start3A_153 = tpu.memref_slice %arg10[%and3A_145, %dma_start3A_151, %dma_start3A_152] : memref<8x64x128xf32, #tpu.memory_space<vmem>> -> memref<1x64x128xf32, #tpu.memory_space<vmem>>
      %dma_start3A_154 = tpu.memref_squeeze %dma_start3A_153 : memref<1x64x128xf32, #tpu.memory_space<vmem>> -> memref<64x128xf32, #tpu.memory_space<vmem>>
      %dma_start3A_155 = arith.constant 0 : i32
      %dma_start3A_156 = tpu.memref_slice %arg5[%dma_start3A_155, %multiple_of3A_143] : memref<64x1000000xf32, #tpu.memory_space<hbm>> -> memref<64x128xf32, #tpu.memory_space<hbm>>
      tpu.enqueue_dma source(%dma_start3A_156 : memref<64x128xf32, #tpu.memory_space<hbm>>) target(%dma_start3A_154 : memref<64x128xf32, #tpu.memory_space<vmem>>) target_semaphore(%arg12 : memref<!tpu.dma_semaphore, #tpu.memory_space<semaphore_mem>>)
    } else {
    }
    %add3A_45 = arith.constant 3 : i32
    %add3A_46 = arith.addi %shift_right_logical3A_11, %add3A_45 : i32
    %le3A_47 = arith.cmpi sle, %add3A_46, %shift_right_logical3A_25 : i32
    %convert_element_type3A_48 = arith.extui %le3A_47 : i1 to i32
    %cond3A_49 = arith.constant 0 : i32
    %cond3A_50 = arith.cmpi ne, %convert_element_type3A_48, %cond3A_49 : i32
    scf.if %cond3A_50 {
      %add3A_94 = arith.constant 3 : i32
      %add3A_95 = arith.addi %shift_right_logical3A_11, %add3A_94 : i32
      %sub3A = arith.subi %add3A_95, %multiple_of3A_29 : i32
      %jit3A = arith.constant 16 : i32
      %div3A = arith.divsi %sub3A, %jit3A : i32
      %sign3A = arith.constant 0 : i32
      %sign3A_96 = arith.cmpi sgt, %sub3A, %sign3A : i32
      %sign3A_97 = arith.extui %sign3A_96 : i1 to i32
      %sign3A_98 = arith.constant 0 : i32
      %sign3A_99 = arith.cmpi slt, %sub3A, %sign3A_98 : i32
      %sign3A_100 = arith.extui %sign3A_99 : i1 to i32
      %sign3A_101 = arith.subi %sign3A_97, %sign3A_100 : i32
      %sign3A_102 = arith.constant 0 : i32
      %sign3A_103 = arith.cmpi sgt, %jit3A, %sign3A_102 : i32
      %sign3A_104 = arith.extui %sign3A_103 : i1 to i32
      %sign3A_105 = arith.constant 0 : i32
      %sign3A_106 = arith.cmpi slt, %jit3A, %sign3A_105 : i32
      %sign3A_107 = arith.extui %sign3A_106 : i1 to i32
      %sign3A_108 = arith.subi %sign3A_104, %sign3A_107 : i32
      %ne3A = arith.cmpi ne, %sign3A_101, %sign3A_108 : i32
      %rem3A = arith.remsi %sub3A, %jit3A : i32
      %ne3A_109 = arith.constant 0 : i32
      %ne3A_110 = arith.cmpi ne, %rem3A, %ne3A_109 : i32
      %and3A = arith.andi %ne3A, %ne3A_110 : i1
      %sub3A_111 = arith.constant 1 : i32
      %sub3A_112 = arith.subi %div3A, %sub3A_111 : i32
      %select_n3A_113 = arith.select %and3A, %sub3A_112, %div3A : i32
      %mul3A_114 = arith.constant 16 : i32
      %mul3A_115 = arith.muli %select_n3A_113, %mul3A_114 : i32
      %multiple_of3A_116 = tpu.assume_multiple %mul3A_115, 16 : i32
      %get3A_117 = arith.index_cast %multiple_of3A_116 : i32 to index
      %get3A_118 = tpu.vector_load %arg9[%get3A_117] {strides = array<i32>} : memref<528xi32, #tpu.memory_space<vmem>>, vector<16xi32>,
      %jit3A_119 = arith.constant 16 : i32
      %eq3A_120 = arith.constant 0 : i32
      %eq3A_121 = arith.cmpi eq, %jit3A_119, %eq3A_120 : i32
      %jit3A_122 = arith.constant 1 : i32
      %select_n3A_123 = arith.select %eq3A_121, %jit3A_122, %jit3A_119 : i32
      %rem3A_124 = arith.remsi %sub3A, %select_n3A_123 : i32
      %ne3A_125 = arith.constant 0 : i32
      %ne3A_126 = arith.cmpi ne, %rem3A_124, %ne3A_125 : i32
      %lt3A = arith.constant 0 : i32
      %lt3A_127 = arith.cmpi slt, %rem3A_124, %lt3A : i32
      %lt3A_128 = arith.constant 0 : i32
      %lt3A_129 = arith.cmpi slt, %select_n3A_123, %lt3A_128 : i32
      %ne3A_130 = arith.xori %lt3A_127, %lt3A_129 : i1
      %and3A_131 = arith.andi %ne3A_130, %ne3A_126 : i1
      %add3A_132 = arith.addi %rem3A_124, %select_n3A_123 : i32
      %select_n3A_133 = arith.select %and3A_131, %add3A_132, %rem3A_124 : i32
      %eq3A_134 = vector.broadcast %select_n3A_133 : i32 to vector<16xi32>
      %eq3A_135 = arith.cmpi eq, %iota3A, %eq3A_134 : vector<16xi32>
      %select_n3A_136 = arith.select %eq3A_135, %get3A_118, %broadcast_in_dim3A_1 : vector<16xi1>, vector<16xi32>
      %reduce_sum3A_137 = arith.constant true
      %reduce_sum3A_138 = vector.broadcast %reduce_sum3A_137 : i1 to vector<16xi1>
      %reduce_sum3A_139 = tpu.scan <sum>, %select_n3A_136 masked %reduce_sum3A_138 : vector<16xi32>, vector<16xi1> -> vector<16xi32>
      %reduce_sum3A_140 = vector.extract %reduce_sum3A_139[15] : i32 from vector<16xi32>
      %mul3A_141 = arith.constant 128 : i32
      %mul3A_142 = arith.muli %reduce_sum3A_140, %mul3A_141 : i32
      %multiple_of3A_143 = tpu.assume_multiple %mul3A_142, 128 : i32
      %and3A_144 = arith.constant 7 : i32
      %and3A_145 = arith.andi %add3A_95, %and3A_144 : i32
      %dma_start3A = arith.constant 0 : i32
      %dma_start3A_146 = arith.constant 0 : i32
      %dma_start3A_147 = tpu.memref_slice %arg10[%and3A_145, %dma_start3A, %dma_start3A_146] : memref<8x64x128xf32, #tpu.memory_space<vmem>> -> memref<1x64x128xf32, #tpu.memory_space<vmem>>
      %dma_start3A_148 = tpu.memref_squeeze %dma_start3A_147 : memref<1x64x128xf32, #tpu.memory_space<vmem>> -> memref<64x128xf32, #tpu.memory_space<vmem>>
      %dma_start3A_149 = arith.constant 0 : i32
      %dma_start3A_150 = tpu.memref_slice %arg5[%dma_start3A_149, %multiple_of3A_143] : memref<64x1000000xf32, #tpu.memory_space<hbm>> -> memref<64x128xf32, #tpu.memory_space<hbm>>
      %dma_start3A_151 = arith.constant 0 : i32
      %dma_start3A_152 = arith.constant 0 : i32
      %dma_start3A_153 = tpu.memref_slice %arg10[%and3A_145, %dma_start3A_151, %dma_start3A_152] : memref<8x64x128xf32, #tpu.memory_space<vmem>> -> memref<1x64x128xf32, #tpu.memory_space<vmem>>
      %dma_start3A_154 = tpu.memref_squeeze %dma_start3A_153 : memref<1x64x128xf32, #tpu.memory_space<vmem>> -> memref<64x128xf32, #tpu.memory_space<vmem>>
      %dma_start3A_155 = arith.constant 0 : i32
      %dma_start3A_156 = tpu.memref_slice %arg5[%dma_start3A_155, %multiple_of3A_143] : memref<64x1000000xf32, #tpu.memory_space<hbm>> -> memref<64x128xf32, #tpu.memory_space<hbm>>
      tpu.enqueue_dma source(%dma_start3A_156 : memref<64x128xf32, #tpu.memory_space<hbm>>) target(%dma_start3A_154 : memref<64x128xf32, #tpu.memory_space<vmem>>) target_semaphore(%arg12 : memref<!tpu.dma_semaphore, #tpu.memory_space<semaphore_mem>>)
    } else {
    }
    %add3A_51 = arith.constant 4 : i32
    %add3A_52 = arith.addi %shift_right_logical3A_11, %add3A_51 : i32
    %le3A_53 = arith.cmpi sle, %add3A_52, %shift_right_logical3A_25 : i32
    %convert_element_type3A_54 = arith.extui %le3A_53 : i1 to i32
    %cond3A_55 = arith.constant 0 : i32
    %cond3A_56 = arith.cmpi ne, %convert_element_type3A_54, %cond3A_55 : i32
    scf.if %cond3A_56 {
      %add3A_94 = arith.constant 4 : i32
      %add3A_95 = arith.addi %shift_right_logical3A_11, %add3A_94 : i32
      %sub3A = arith.subi %add3A_95, %multiple_of3A_29 : i32
      %jit3A = arith.constant 16 : i32
      %div3A = arith.divsi %sub3A, %jit3A : i32
      %sign3A = arith.constant 0 : i32
      %sign3A_96 = arith.cmpi sgt, %sub3A, %sign3A : i32
      %sign3A_97 = arith.extui %sign3A_96 : i1 to i32
      %sign3A_98 = arith.constant 0 : i32
      %sign3A_99 = arith.cmpi slt, %sub3A, %sign3A_98 : i32
      %sign3A_100 = arith.extui %sign3A_99 : i1 to i32
      %sign3A_101 = arith.subi %sign3A_97, %sign3A_100 : i32
      %sign3A_102 = arith.constant 0 : i32
      %sign3A_103 = arith.cmpi sgt, %jit3A, %sign3A_102 : i32
      %sign3A_104 = arith.extui %sign3A_103 : i1 to i32
      %sign3A_105 = arith.constant 0 : i32
      %sign3A_106 = arith.cmpi slt, %jit3A, %sign3A_105 : i32
      %sign3A_107 = arith.extui %sign3A_106 : i1 to i32
      %sign3A_108 = arith.subi %sign3A_104, %sign3A_107 : i32
      %ne3A = arith.cmpi ne, %sign3A_101, %sign3A_108 : i32
      %rem3A = arith.remsi %sub3A, %jit3A : i32
      %ne3A_109 = arith.constant 0 : i32
      %ne3A_110 = arith.cmpi ne, %rem3A, %ne3A_109 : i32
      %and3A = arith.andi %ne3A, %ne3A_110 : i1
      %sub3A_111 = arith.constant 1 : i32
      %sub3A_112 = arith.subi %div3A, %sub3A_111 : i32
      %select_n3A_113 = arith.select %and3A, %sub3A_112, %div3A : i32
      %mul3A_114 = arith.constant 16 : i32
      %mul3A_115 = arith.muli %select_n3A_113, %mul3A_114 : i32
      %multiple_of3A_116 = tpu.assume_multiple %mul3A_115, 16 : i32
      %get3A_117 = arith.index_cast %multiple_of3A_116 : i32 to index
      %get3A_118 = tpu.vector_load %arg9[%get3A_117] {strides = array<i32>} : memref<528xi32, #tpu.memory_space<vmem>>, vector<16xi32>,
      %jit3A_119 = arith.constant 16 : i32
      %eq3A_120 = arith.constant 0 : i32
      %eq3A_121 = arith.cmpi eq, %jit3A_119, %eq3A_120 : i32
      %jit3A_122 = arith.constant 1 : i32
      %select_n3A_123 = arith.select %eq3A_121, %jit3A_122, %jit3A_119 : i32
      %rem3A_124 = arith.remsi %sub3A, %select_n3A_123 : i32
      %ne3A_125 = arith.constant 0 : i32
      %ne3A_126 = arith.cmpi ne, %rem3A_124, %ne3A_125 : i32
      %lt3A = arith.constant 0 : i32
      %lt3A_127 = arith.cmpi slt, %rem3A_124, %lt3A : i32
      %lt3A_128 = arith.constant 0 : i32
      %lt3A_129 = arith.cmpi slt, %select_n3A_123, %lt3A_128 : i32
      %ne3A_130 = arith.xori %lt3A_127, %lt3A_129 : i1
      %and3A_131 = arith.andi %ne3A_130, %ne3A_126 : i1
      %add3A_132 = arith.addi %rem3A_124, %select_n3A_123 : i32
      %select_n3A_133 = arith.select %and3A_131, %add3A_132, %rem3A_124 : i32
      %eq3A_134 = vector.broadcast %select_n3A_133 : i32 to vector<16xi32>
      %eq3A_135 = arith.cmpi eq, %iota3A, %eq3A_134 : vector<16xi32>
      %select_n3A_136 = arith.select %eq3A_135, %get3A_118, %broadcast_in_dim3A_1 : vector<16xi1>, vector<16xi32>
      %reduce_sum3A_137 = arith.constant true
      %reduce_sum3A_138 = vector.broadcast %reduce_sum3A_137 : i1 to vector<16xi1>
      %reduce_sum3A_139 = tpu.scan <sum>, %select_n3A_136 masked %reduce_sum3A_138 : vector<16xi32>, vector<16xi1> -> vector<16xi32>
      %reduce_sum3A_140 = vector.extract %reduce_sum3A_139[15] : i32 from vector<16xi32>
      %mul3A_141 = arith.constant 128 : i32
      %mul3A_142 = arith.muli %reduce_sum3A_140, %mul3A_141 : i32
      %multiple_of3A_143 = tpu.assume_multiple %mul3A_142, 128 : i32
      %and3A_144 = arith.constant 7 : i32
      %and3A_145 = arith.andi %add3A_95, %and3A_144 : i32
      %dma_start3A = arith.constant 0 : i32
      %dma_start3A_146 = arith.constant 0 : i32
      %dma_start3A_147 = tpu.memref_slice %arg10[%and3A_145, %dma_start3A, %dma_start3A_146] : memref<8x64x128xf32, #tpu.memory_space<vmem>> -> memref<1x64x128xf32, #tpu.memory_space<vmem>>
      %dma_start3A_148 = tpu.memref_squeeze %dma_start3A_147 : memref<1x64x128xf32, #tpu.memory_space<vmem>> -> memref<64x128xf32, #tpu.memory_space<vmem>>
      %dma_start3A_149 = arith.constant 0 : i32
      %dma_start3A_150 = tpu.memref_slice %arg5[%dma_start3A_149, %multiple_of3A_143] : memref<64x1000000xf32, #tpu.memory_space<hbm>> -> memref<64x128xf32, #tpu.memory_space<hbm>>
      %dma_start3A_151 = arith.constant 0 : i32
      %dma_start3A_152 = arith.constant 0 : i32
      %dma_start3A_153 = tpu.memref_slice %arg10[%and3A_145, %dma_start3A_151, %dma_start3A_152] : memref<8x64x128xf32, #tpu.memory_space<vmem>> -> memref<1x64x128xf32, #tpu.memory_space<vmem>>
      %dma_start3A_154 = tpu.memref_squeeze %dma_start3A_153 : memref<1x64x128xf32, #tpu.memory_space<vmem>> -> memref<64x128xf32, #tpu.memory_space<vmem>>
      %dma_start3A_155 = arith.constant 0 : i32
      %dma_start3A_156 = tpu.memref_slice %arg5[%dma_start3A_155, %multiple_of3A_143] : memref<64x1000000xf32, #tpu.memory_space<hbm>> -> memref<64x128xf32, #tpu.memory_space<hbm>>
      tpu.enqueue_dma source(%dma_start3A_156 : memref<64x128xf32, #tpu.memory_space<hbm>>) target(%dma_start3A_154 : memref<64x128xf32, #tpu.memory_space<vmem>>) target_semaphore(%arg12 : memref<!tpu.dma_semaphore, #tpu.memory_space<semaphore_mem>>)
    } else {
    }
    %add3A_57 = arith.constant 5 : i32
    %add3A_58 = arith.addi %shift_right_logical3A_11, %add3A_57 : i32
    %le3A_59 = arith.cmpi sle, %add3A_58, %shift_right_logical3A_25 : i32
    %convert_element_type3A_60 = arith.extui %le3A_59 : i1 to i32
    %cond3A_61 = arith.constant 0 : i32
    %cond3A_62 = arith.cmpi ne, %convert_element_type3A_60, %cond3A_61 : i32
    scf.if %cond3A_62 {
      %add3A_94 = arith.constant 5 : i32
      %add3A_95 = arith.addi %shift_right_logical3A_11, %add3A_94 : i32
      %sub3A = arith.subi %add3A_95, %multiple_of3A_29 : i32
      %jit3A = arith.constant 16 : i32
      %div3A = arith.divsi %sub3A, %jit3A : i32
      %sign3A = arith.constant 0 : i32
      %sign3A_96 = arith.cmpi sgt, %sub3A, %sign3A : i32
      %sign3A_97 = arith.extui %sign3A_96 : i1 to i32
      %sign3A_98 = arith.constant 0 : i32
      %sign3A_99 = arith.cmpi slt, %sub3A, %sign3A_98 : i32
      %sign3A_100 = arith.extui %sign3A_99 : i1 to i32
      %sign3A_101 = arith.subi %sign3A_97, %sign3A_100 : i32
      %sign3A_102 = arith.constant 0 : i32
      %sign3A_103 = arith.cmpi sgt, %jit3A, %sign3A_102 : i32
      %sign3A_104 = arith.extui %sign3A_103 : i1 to i32
      %sign3A_105 = arith.constant 0 : i32
      %sign3A_106 = arith.cmpi slt, %jit3A, %sign3A_105 : i32
      %sign3A_107 = arith.extui %sign3A_106 : i1 to i32
      %sign3A_108 = arith.subi %sign3A_104, %sign3A_107 : i32
      %ne3A = arith.cmpi ne, %sign3A_101, %sign3A_108 : i32
      %rem3A = arith.remsi %sub3A, %jit3A : i32
      %ne3A_109 = arith.constant 0 : i32
      %ne3A_110 = arith.cmpi ne, %rem3A, %ne3A_109 : i32
      %and3A = arith.andi %ne3A, %ne3A_110 : i1
      %sub3A_111 = arith.constant 1 : i32
      %sub3A_112 = arith.subi %div3A, %sub3A_111 : i32
      %select_n3A_113 = arith.select %and3A, %sub3A_112, %div3A : i32
      %mul3A_114 = arith.constant 16 : i32
      %mul3A_115 = arith.muli %select_n3A_113, %mul3A_114 : i32
      %multiple_of3A_116 = tpu.assume_multiple %mul3A_115, 16 : i32
      %get3A_117 = arith.index_cast %multiple_of3A_116 : i32 to index
      %get3A_118 = tpu.vector_load %arg9[%get3A_117] {strides = array<i32>} : memref<528xi32, #tpu.memory_space<vmem>>, vector<16xi32>,
      %jit3A_119 = arith.constant 16 : i32
      %eq3A_120 = arith.constant 0 : i32
      %eq3A_121 = arith.cmpi eq, %jit3A_119, %eq3A_120 : i32
      %jit3A_122 = arith.constant 1 : i32
      %select_n3A_123 = arith.select %eq3A_121, %jit3A_122, %jit3A_119 : i32
      %rem3A_124 = arith.remsi %sub3A, %select_n3A_123 : i32
      %ne3A_125 = arith.constant 0 : i32
      %ne3A_126 = arith.cmpi ne, %rem3A_124, %ne3A_125 : i32
      %lt3A = arith.constant 0 : i32
      %lt3A_127 = arith.cmpi slt, %rem3A_124, %lt3A : i32
      %lt3A_128 = arith.constant 0 : i32
      %lt3A_129 = arith.cmpi slt, %select_n3A_123, %lt3A_128 : i32
      %ne3A_130 = arith.xori %lt3A_127, %lt3A_129 : i1
      %and3A_131 = arith.andi %ne3A_130, %ne3A_126 : i1
      %add3A_132 = arith.addi %rem3A_124, %select_n3A_123 : i32
      %select_n3A_133 = arith.select %and3A_131, %add3A_132, %rem3A_124 : i32
      %eq3A_134 = vector.broadcast %select_n3A_133 : i32 to vector<16xi32>
      %eq3A_135 = arith.cmpi eq, %iota3A, %eq3A_134 : vector<16xi32>
      %select_n3A_136 = arith.select %eq3A_135, %get3A_118, %broadcast_in_dim3A_1 : vector<16xi1>, vector<16xi32>
      %reduce_sum3A_137 = arith.constant true
      %reduce_sum3A_138 = vector.broadcast %reduce_sum3A_137 : i1 to vector<16xi1>
      %reduce_sum3A_139 = tpu.scan <sum>, %select_n3A_136 masked %reduce_sum3A_138 : vector<16xi32>, vector<16xi1> -> vector<16xi32>
      %reduce_sum3A_140 = vector.extract %reduce_sum3A_139[15] : i32 from vector<16xi32>
      %mul3A_141 = arith.constant 128 : i32
      %mul3A_142 = arith.muli %reduce_sum3A_140, %mul3A_141 : i32
      %multiple_of3A_143 = tpu.assume_multiple %mul3A_142, 128 : i32
      %and3A_144 = arith.constant 7 : i32
      %and3A_145 = arith.andi %add3A_95, %and3A_144 : i32
      %dma_start3A = arith.constant 0 : i32
      %dma_start3A_146 = arith.constant 0 : i32
      %dma_start3A_147 = tpu.memref_slice %arg10[%and3A_145, %dma_start3A, %dma_start3A_146] : memref<8x64x128xf32, #tpu.memory_space<vmem>> -> memref<1x64x128xf32, #tpu.memory_space<vmem>>
      %dma_start3A_148 = tpu.memref_squeeze %dma_start3A_147 : memref<1x64x128xf32, #tpu.memory_space<vmem>> -> memref<64x128xf32, #tpu.memory_space<vmem>>
      %dma_start3A_149 = arith.constant 0 : i32
      %dma_start3A_150 = tpu.memref_slice %arg5[%dma_start3A_149, %multiple_of3A_143] : memref<64x1000000xf32, #tpu.memory_space<hbm>> -> memref<64x128xf32, #tpu.memory_space<hbm>>
      %dma_start3A_151 = arith.constant 0 : i32
      %dma_start3A_152 = arith.constant 0 : i32
      %dma_start3A_153 = tpu.memref_slice %arg10[%and3A_145, %dma_start3A_151, %dma_start3A_152] : memref<8x64x128xf32, #tpu.memory_space<vmem>> -> memref<1x64x128xf32, #tpu.memory_space<vmem>>
      %dma_start3A_154 = tpu.memref_squeeze %dma_start3A_153 : memref<1x64x128xf32, #tpu.memory_space<vmem>> -> memref<64x128xf32, #tpu.memory_space<vmem>>
      %dma_start3A_155 = arith.constant 0 : i32
      %dma_start3A_156 = tpu.memref_slice %arg5[%dma_start3A_155, %multiple_of3A_143] : memref<64x1000000xf32, #tpu.memory_space<hbm>> -> memref<64x128xf32, #tpu.memory_space<hbm>>
      tpu.enqueue_dma source(%dma_start3A_156 : memref<64x128xf32, #tpu.memory_space<hbm>>) target(%dma_start3A_154 : memref<64x128xf32, #tpu.memory_space<vmem>>) target_semaphore(%arg12 : memref<!tpu.dma_semaphore, #tpu.memory_space<semaphore_mem>>)
    } else {
    }
    %add3A_63 = arith.constant 6 : i32
    %add3A_64 = arith.addi %shift_right_logical3A_11, %add3A_63 : i32
    %le3A_65 = arith.cmpi sle, %add3A_64, %shift_right_logical3A_25 : i32
    %convert_element_type3A_66 = arith.extui %le3A_65 : i1 to i32
    %cond3A_67 = arith.constant 0 : i32
    %cond3A_68 = arith.cmpi ne, %convert_element_type3A_66, %cond3A_67 : i32
    scf.if %cond3A_68 {
      %add3A_94 = arith.constant 6 : i32
      %add3A_95 = arith.addi %shift_right_logical3A_11, %add3A_94 : i32
      %sub3A = arith.subi %add3A_95, %multiple_of3A_29 : i32
      %jit3A = arith.constant 16 : i32
      %div3A = arith.divsi %sub3A, %jit3A : i32
      %sign3A = arith.constant 0 : i32
      %sign3A_96 = arith.cmpi sgt, %sub3A, %sign3A : i32
      %sign3A_97 = arith.extui %sign3A_96 : i1 to i32
      %sign3A_98 = arith.constant 0 : i32
      %sign3A_99 = arith.cmpi slt, %sub3A, %sign3A_98 : i32
      %sign3A_100 = arith.extui %sign3A_99 : i1 to i32
      %sign3A_101 = arith.subi %sign3A_97, %sign3A_100 : i32
      %sign3A_102 = arith.constant 0 : i32
      %sign3A_103 = arith.cmpi sgt, %jit3A, %sign3A_102 : i32
      %sign3A_104 = arith.extui %sign3A_103 : i1 to i32
      %sign3A_105 = arith.constant 0 : i32
      %sign3A_106 = arith.cmpi slt, %jit3A, %sign3A_105 : i32
      %sign3A_107 = arith.extui %sign3A_106 : i1 to i32
      %sign3A_108 = arith.subi %sign3A_104, %sign3A_107 : i32
      %ne3A = arith.cmpi ne, %sign3A_101, %sign3A_108 : i32
      %rem3A = arith.remsi %sub3A, %jit3A : i32
      %ne3A_109 = arith.constant 0 : i32
      %ne3A_110 = arith.cmpi ne, %rem3A, %ne3A_109 : i32
      %and3A = arith.andi %ne3A, %ne3A_110 : i1
      %sub3A_111 = arith.constant 1 : i32
      %sub3A_112 = arith.subi %div3A, %sub3A_111 : i32
      %select_n3A_113 = arith.select %and3A, %sub3A_112, %div3A : i32
      %mul3A_114 = arith.constant 16 : i32
      %mul3A_115 = arith.muli %select_n3A_113, %mul3A_114 : i32
      %multiple_of3A_116 = tpu.assume_multiple %mul3A_115, 16 : i32
      %get3A_117 = arith.index_cast %multiple_of3A_116 : i32 to index
      %get3A_118 = tpu.vector_load %arg9[%get3A_117] {strides = array<i32>} : memref<528xi32, #tpu.memory_space<vmem>>, vector<16xi32>,
      %jit3A_119 = arith.constant 16 : i32
      %eq3A_120 = arith.constant 0 : i32
      %eq3A_121 = arith.cmpi eq, %jit3A_119, %eq3A_120 : i32
      %jit3A_122 = arith.constant 1 : i32
      %select_n3A_123 = arith.select %eq3A_121, %jit3A_122, %jit3A_119 : i32
      %rem3A_124 = arith.remsi %sub3A, %select_n3A_123 : i32
      %ne3A_125 = arith.constant 0 : i32
      %ne3A_126 = arith.cmpi ne, %rem3A_124, %ne3A_125 : i32
      %lt3A = arith.constant 0 : i32
      %lt3A_127 = arith.cmpi slt, %rem3A_124, %lt3A : i32
      %lt3A_128 = arith.constant 0 : i32
      %lt3A_129 = arith.cmpi slt, %select_n3A_123, %lt3A_128 : i32
      %ne3A_130 = arith.xori %lt3A_127, %lt3A_129 : i1
      %and3A_131 = arith.andi %ne3A_130, %ne3A_126 : i1
      %add3A_132 = arith.addi %rem3A_124, %select_n3A_123 : i32
      %select_n3A_133 = arith.select %and3A_131, %add3A_132, %rem3A_124 : i32
      %eq3A_134 = vector.broadcast %select_n3A_133 : i32 to vector<16xi32>
      %eq3A_135 = arith.cmpi eq, %iota3A, %eq3A_134 : vector<16xi32>
      %select_n3A_136 = arith.select %eq3A_135, %get3A_118, %broadcast_in_dim3A_1 : vector<16xi1>, vector<16xi32>
      %reduce_sum3A_137 = arith.constant true
      %reduce_sum3A_138 = vector.broadcast %reduce_sum3A_137 : i1 to vector<16xi1>
      %reduce_sum3A_139 = tpu.scan <sum>, %select_n3A_136 masked %reduce_sum3A_138 : vector<16xi32>, vector<16xi1> -> vector<16xi32>
      %reduce_sum3A_140 = vector.extract %reduce_sum3A_139[15] : i32 from vector<16xi32>
      %mul3A_141 = arith.constant 128 : i32
      %mul3A_142 = arith.muli %reduce_sum3A_140, %mul3A_141 : i32
      %multiple_of3A_143 = tpu.assume_multiple %mul3A_142, 128 : i32
      %and3A_144 = arith.constant 7 : i32
      %and3A_145 = arith.andi %add3A_95, %and3A_144 : i32
      %dma_start3A = arith.constant 0 : i32
      %dma_start3A_146 = arith.constant 0 : i32
      %dma_start3A_147 = tpu.memref_slice %arg10[%and3A_145, %dma_start3A, %dma_start3A_146] : memref<8x64x128xf32, #tpu.memory_space<vmem>> -> memref<1x64x128xf32, #tpu.memory_space<vmem>>
      %dma_start3A_148 = tpu.memref_squeeze %dma_start3A_147 : memref<1x64x128xf32, #tpu.memory_space<vmem>> -> memref<64x128xf32, #tpu.memory_space<vmem>>
      %dma_start3A_149 = arith.constant 0 : i32
      %dma_start3A_150 = tpu.memref_slice %arg5[%dma_start3A_149, %multiple_of3A_143] : memref<64x1000000xf32, #tpu.memory_space<hbm>> -> memref<64x128xf32, #tpu.memory_space<hbm>>
      %dma_start3A_151 = arith.constant 0 : i32
      %dma_start3A_152 = arith.constant 0 : i32
      %dma_start3A_153 = tpu.memref_slice %arg10[%and3A_145, %dma_start3A_151, %dma_start3A_152] : memref<8x64x128xf32, #tpu.memory_space<vmem>> -> memref<1x64x128xf32, #tpu.memory_space<vmem>>
      %dma_start3A_154 = tpu.memref_squeeze %dma_start3A_153 : memref<1x64x128xf32, #tpu.memory_space<vmem>> -> memref<64x128xf32, #tpu.memory_space<vmem>>
      %dma_start3A_155 = arith.constant 0 : i32
      %dma_start3A_156 = tpu.memref_slice %arg5[%dma_start3A_155, %multiple_of3A_143] : memref<64x1000000xf32, #tpu.memory_space<hbm>> -> memref<64x128xf32, #tpu.memory_space<hbm>>
      tpu.enqueue_dma source(%dma_start3A_156 : memref<64x128xf32, #tpu.memory_space<hbm>>) target(%dma_start3A_154 : memref<64x128xf32, #tpu.memory_space<vmem>>) target_semaphore(%arg12 : memref<!tpu.dma_semaphore, #tpu.memory_space<semaphore_mem>>)
    } else {
    }
    %scan3A = arith.constant 0 : i32
    %scan3A_69 = arith.constant 512 : i32
    %scan3A_70 = arith.addi %scan3A, %scan3A_69 : i32
    %scan3A_71 = arith.constant 1 : i32
    scf.for %scan3A_94 = %scan3A to %scan3A_70 step %scan3A_71  : i32 {
      %mul3A_95 = arith.constant 1 : i32
      %mul3A_96 = arith.muli %scan3A_94, %mul3A_95 : i32
      %add3A_97 = arith.constant 0 : i32
      %add3A_98 = arith.addi %add3A_97, %mul3A_96 : i32
      %and3A = arith.constant 63 : i32
      %and3A_99 = arith.andi %add3A_98, %and3A : i32
      %shift_right_logical3A_100 = arith.constant 6 : i32
      %shift_right_logical3A_101 = arith.shrui %add3A_98, %shift_right_logical3A_100 : i32
      %and3A_102 = arith.constant 1 : i32
      %and3A_103 = arith.andi %shift_right_logical3A_101, %and3A_102 : i32
      %eq3A_104 = arith.constant 0 : i32
      %eq3A_105 = arith.cmpi eq, %and3A_99, %eq3A_104 : i32
      %ge3A = arith.constant 2 : i32
      %ge3A_106 = arith.cmpi sge, %shift_right_logical3A_101, %ge3A : i32
      %and3A_107 = arith.andi %eq3A_105, %ge3A_106 : i1
      %convert_element_type3A_108 = arith.extui %and3A_107 : i1 to i32
      %cond3A_109 = arith.constant 0 : i32
      %cond3A_110 = arith.cmpi ne, %convert_element_type3A_108, %cond3A_109 : i32
      scf.if %cond3A_110 {
        %dma_wait3A_276 = arith.constant 0 : i32
        %dma_wait3A_277 = tpu.memref_slice %arg11[%and3A_103, %dma_wait3A_276] : memref<2x4096xf32, #tpu.memory_space<vmem>> -> memref<1x4096xf32, #tpu.memory_space<vmem>>
        %dma_wait3A_278 = tpu.memref_squeeze %dma_wait3A_277 : memref<1x4096xf32, #tpu.memory_space<vmem>> -> memref<4096xf32, #tpu.memory_space<vmem>>
        %dma_wait3A_279 = arith.constant 0 : i32
        %dma_wait3A_280 = tpu.memref_slice %arg6[%dma_wait3A_279] : memref<1048576xf32, #tpu.memory_space<hbm>> -> memref<4096xf32, #tpu.memory_space<hbm>>
        %dma_wait3A_281 = arith.constant 0 : i32
        %dma_wait3A_282 = tpu.memref_slice %arg11[%and3A_103, %dma_wait3A_281] : memref<2x4096xf32, #tpu.memory_space<vmem>> -> memref<1x4096xf32, #tpu.memory_space<vmem>>
        %dma_wait3A_283 = tpu.memref_squeeze %dma_wait3A_282 : memref<1x4096xf32, #tpu.memory_space<vmem>> -> memref<4096xf32, #tpu.memory_space<vmem>>
        %dma_wait3A_284 = arith.constant 0 : i32
        %dma_wait3A_285 = tpu.memref_slice %arg6[%dma_wait3A_284] : memref<1048576xf32, #tpu.memory_space<hbm>> -> memref<4096xf32, #tpu.memory_space<hbm>>
        tpu.wait_dma2 semaphore(%arg13 : memref<!tpu.dma_semaphore, #tpu.memory_space<semaphore_mem>>) src(%dma_wait3A_285 : memref<4096xf32, #tpu.memory_space<hbm>>) dst(%dma_wait3A_283 : memref<4096xf32, #tpu.memory_space<vmem>>)
      } else {
      }
      %jit3A = arith.constant 16 : i32
      %div3A = arith.divsi %add3A_98, %jit3A : i32
      %sign3A = arith.constant 0 : i32
      %sign3A_111 = arith.cmpi sgt, %add3A_98, %sign3A : i32
      %sign3A_112 = arith.extui %sign3A_111 : i1 to i32
      %sign3A_113 = arith.constant 0 : i32
      %sign3A_114 = arith.cmpi slt, %add3A_98, %sign3A_113 : i32
      %sign3A_115 = arith.extui %sign3A_114 : i1 to i32
      %sign3A_116 = arith.subi %sign3A_112, %sign3A_115 : i32
      %sign3A_117 = arith.constant 0 : i32
      %sign3A_118 = arith.cmpi sgt, %jit3A, %sign3A_117 : i32
      %sign3A_119 = arith.extui %sign3A_118 : i1 to i32
      %sign3A_120 = arith.constant 0 : i32
      %sign3A_121 = arith.cmpi slt, %jit3A, %sign3A_120 : i32
      %sign3A_122 = arith.extui %sign3A_121 : i1 to i32
      %sign3A_123 = arith.subi %sign3A_119, %sign3A_122 : i32
      %ne3A = arith.cmpi ne, %sign3A_116, %sign3A_123 : i32
      %rem3A = arith.remsi %add3A_98, %jit3A : i32
      %ne3A_124 = arith.constant 0 : i32
      %ne3A_125 = arith.cmpi ne, %rem3A, %ne3A_124 : i32
      %and3A_126 = arith.andi %ne3A, %ne3A_125 : i1
      %sub3A = arith.constant 1 : i32
      %sub3A_127 = arith.subi %div3A, %sub3A : i32
      %select_n3A_128 = arith.select %and3A_126, %sub3A_127, %div3A : i32
      %mul3A_129 = arith.constant 16 : i32
      %mul3A_130 = arith.muli %select_n3A_128, %mul3A_129 : i32
      %multiple_of3A_131 = tpu.assume_multiple %mul3A_130, 16 : i32
      %get3A_132 = arith.index_cast %multiple_of3A_131 : i32 to index
      %get3A_133 = tpu.vector_load %arg8[%get3A_132] {strides = array<i32>} : memref<512xi32, #tpu.memory_space<vmem>>, vector<16xi32>,
      %jit3A_134 = arith.constant 16 : i32
      %eq3A_135 = arith.constant 0 : i32
      %eq3A_136 = arith.cmpi eq, %jit3A_134, %eq3A_135 : i32
      %jit3A_137 = arith.constant 1 : i32
      %select_n3A_138 = arith.select %eq3A_136, %jit3A_137, %jit3A_134 : i32
      %rem3A_139 = arith.remsi %add3A_98, %select_n3A_138 : i32
      %ne3A_140 = arith.constant 0 : i32
      %ne3A_141 = arith.cmpi ne, %rem3A_139, %ne3A_140 : i32
      %lt3A = arith.constant 0 : i32
      %lt3A_142 = arith.cmpi slt, %rem3A_139, %lt3A : i32
      %lt3A_143 = arith.constant 0 : i32
      %lt3A_144 = arith.cmpi slt, %select_n3A_138, %lt3A_143 : i32
      %ne3A_145 = arith.xori %lt3A_142, %lt3A_144 : i1
      %and3A_146 = arith.andi %ne3A_145, %ne3A_141 : i1
      %add3A_147 = arith.addi %rem3A_139, %select_n3A_138 : i32
      %select_n3A_148 = arith.select %and3A_146, %add3A_147, %rem3A_139 : i32
      %eq3A_149 = vector.broadcast %select_n3A_148 : i32 to vector<16xi32>
      %eq3A_150 = arith.cmpi eq, %iota3A, %eq3A_149 : vector<16xi32>
      %select_n3A_151 = arith.select %eq3A_150, %get3A_133, %broadcast_in_dim3A_1 : vector<16xi1>, vector<16xi32>
      %reduce_sum3A_152 = arith.constant true
      %reduce_sum3A_153 = vector.broadcast %reduce_sum3A_152 : i1 to vector<16xi1>
      %reduce_sum3A_154 = tpu.scan <sum>, %select_n3A_151 masked %reduce_sum3A_153 : vector<16xi32>, vector<16xi1> -> vector<16xi32>
      %reduce_sum3A_155 = vector.extract %reduce_sum3A_154[15] : i32 from vector<16xi32>
      %shift_right_logical3A_156 = arith.constant 1 : i32
      %shift_right_logical3A_157 = arith.shrui %reduce_sum3A_155, %shift_right_logical3A_156 : i32
      %and3A_158 = arith.constant 1 : i32
      %and3A_159 = arith.andi %reduce_sum3A_155, %and3A_158 : i32
      %and3A_160 = arith.constant 7 : i32
      %and3A_161 = arith.andi %shift_right_logical3A_157, %and3A_160 : i32
      %eq3A_162 = arith.constant 1 : i32
      %eq3A_163 = arith.cmpi eq, %and3A_159, %eq3A_162 : i32
      %eq3A_164 = arith.constant 0 : i32
      %eq3A_165 = arith.cmpi eq, %add3A_98, %eq3A_164 : i32
      %or3A = arith.ori %eq3A_163, %eq3A_165 : i1
      %convert_element_type3A_166 = arith.extui %or3A : i1 to i32
      %cond3A_167 = arith.constant 0 : i32
      %cond3A_168 = arith.cmpi ne, %convert_element_type3A_166, %cond3A_167 : i32
      scf.if %cond3A_168 {
        %dma_wait3A_276 = arith.constant 0 : i32
        %dma_wait3A_277 = arith.constant 0 : i32
        %dma_wait3A_278 = tpu.memref_slice %arg10[%and3A_161, %dma_wait3A_276, %dma_wait3A_277] : memref<8x64x128xf32, #tpu.memory_space<vmem>> -> memref<1x64x128xf32, #tpu.memory_space<vmem>>
        %dma_wait3A_279 = tpu.memref_squeeze %dma_wait3A_278 : memref<1x64x128xf32, #tpu.memory_space<vmem>> -> memref<64x128xf32, #tpu.memory_space<vmem>>
        %dma_wait3A_280 = arith.constant 0 : i32
        %dma_wait3A_281 = arith.constant 0 : i32
        %dma_wait3A_282 = tpu.memref_slice %arg5[%dma_wait3A_280, %dma_wait3A_281] : memref<64x1000000xf32, #tpu.memory_space<hbm>> -> memref<64x128xf32, #tpu.memory_space<hbm>>
        %dma_wait3A_283 = arith.constant 0 : i32
        %dma_wait3A_284 = arith.constant 0 : i32
        %dma_wait3A_285 = tpu.memref_slice %arg10[%and3A_161, %dma_wait3A_283, %dma_wait3A_284] : memref<8x64x128xf32, #tpu.memory_space<vmem>> -> memref<1x64x128xf32, #tpu.memory_space<vmem>>
        %dma_wait3A_286 = tpu.memref_squeeze %dma_wait3A_285 : memref<1x64x128xf32, #tpu.memory_space<vmem>> -> memref<64x128xf32, #tpu.memory_space<vmem>>
        %dma_wait3A_287 = arith.constant 0 : i32
        %dma_wait3A_288 = arith.constant 0 : i32
        %dma_wait3A_289 = tpu.memref_slice %arg5[%dma_wait3A_287, %dma_wait3A_288] : memref<64x1000000xf32, #tpu.memory_space<hbm>> -> memref<64x128xf32, #tpu.memory_space<hbm>>
        tpu.wait_dma2 semaphore(%arg12 : memref<!tpu.dma_semaphore, #tpu.memory_space<semaphore_mem>>) src(%dma_wait3A_289 : memref<64x128xf32, #tpu.memory_space<hbm>>) dst(%dma_wait3A_286 : memref<64x128xf32, #tpu.memory_space<vmem>>)
        %add3A_290 = arith.constant 8 : i32
        %add3A_291 = arith.addi %shift_right_logical3A_157, %add3A_290 : i32
        %sub3A_292 = arith.constant 1 : i32
        %sub3A_293 = arith.subi %add3A_291, %sub3A_292 : i32
        %le3A_294 = arith.cmpi sle, %sub3A_293, %shift_right_logical3A_25 : i32
        %convert_element_type3A_295 = arith.extui %le3A_294 : i1 to i32
        %cond3A_296 = arith.constant 0 : i32
        %cond3A_297 = arith.cmpi ne, %convert_element_type3A_295, %cond3A_296 : i32
        scf.if %cond3A_297 {
          %sub3A_298 = arith.subi %sub3A_293, %multiple_of3A_29 : i32
          %jit3A_299 = arith.constant 16 : i32
          %div3A_300 = arith.divsi %sub3A_298, %jit3A_299 : i32
          %sign3A_301 = arith.constant 0 : i32
          %sign3A_302 = arith.cmpi sgt, %sub3A_298, %sign3A_301 : i32
          %sign3A_303 = arith.extui %sign3A_302 : i1 to i32
          %sign3A_304 = arith.constant 0 : i32
          %sign3A_305 = arith.cmpi slt, %sub3A_298, %sign3A_304 : i32
          %sign3A_306 = arith.extui %sign3A_305 : i1 to i32
          %sign3A_307 = arith.subi %sign3A_303, %sign3A_306 : i32
          %sign3A_308 = arith.constant 0 : i32
          %sign3A_309 = arith.cmpi sgt, %jit3A_299, %sign3A_308 : i32
          %sign3A_310 = arith.extui %sign3A_309 : i1 to i32
          %sign3A_311 = arith.constant 0 : i32
          %sign3A_312 = arith.cmpi slt, %jit3A_299, %sign3A_311 : i32
          %sign3A_313 = arith.extui %sign3A_312 : i1 to i32
          %sign3A_314 = arith.subi %sign3A_310, %sign3A_313 : i32
          %ne3A_315 = arith.cmpi ne, %sign3A_307, %sign3A_314 : i32
          %rem3A_316 = arith.remsi %sub3A_298, %jit3A_299 : i32
          %ne3A_317 = arith.constant 0 : i32
          %ne3A_318 = arith.cmpi ne, %rem3A_316, %ne3A_317 : i32
          %and3A_319 = arith.andi %ne3A_315, %ne3A_318 : i1
          %sub3A_320 = arith.constant 1 : i32
          %sub3A_321 = arith.subi %div3A_300, %sub3A_320 : i32
          %select_n3A_322 = arith.select %and3A_319, %sub3A_321, %div3A_300 : i32
          %mul3A_323 = arith.constant 16 : i32
          %mul3A_324 = arith.muli %select_n3A_322, %mul3A_323 : i32
          %multiple_of3A_325 = tpu.assume_multiple %mul3A_324, 16 : i32
          %get3A_326 = arith.index_cast %multiple_of3A_325 : i32 to index
          %get3A_327 = tpu.vector_load %arg9[%get3A_326] {strides = array<i32>} : memref<528xi32, #tpu.memory_space<vmem>>, vector<16xi32>,
          %jit3A_328 = arith.constant 16 : i32
          %eq3A_329 = arith.constant 0 : i32
          %eq3A_330 = arith.cmpi eq, %jit3A_328, %eq3A_329 : i32
          %jit3A_331 = arith.constant 1 : i32
          %select_n3A_332 = arith.select %eq3A_330, %jit3A_331, %jit3A_328 : i32
          %rem3A_333 = arith.remsi %sub3A_298, %select_n3A_332 : i32
          %ne3A_334 = arith.constant 0 : i32
          %ne3A_335 = arith.cmpi ne, %rem3A_333, %ne3A_334 : i32
          %lt3A_336 = arith.constant 0 : i32
          %lt3A_337 = arith.cmpi slt, %rem3A_333, %lt3A_336 : i32
          %lt3A_338 = arith.constant 0 : i32
          %lt3A_339 = arith.cmpi slt, %select_n3A_332, %lt3A_338 : i32
          %ne3A_340 = arith.xori %lt3A_337, %lt3A_339 : i1
          %and3A_341 = arith.andi %ne3A_340, %ne3A_335 : i1
          %add3A_342 = arith.addi %rem3A_333, %select_n3A_332 : i32
          %select_n3A_343 = arith.select %and3A_341, %add3A_342, %rem3A_333 : i32
          %eq3A_344 = vector.broadcast %select_n3A_343 : i32 to vector<16xi32>
          %eq3A_345 = arith.cmpi eq, %iota3A, %eq3A_344 : vector<16xi32>
          %select_n3A_346 = arith.select %eq3A_345, %get3A_327, %broadcast_in_dim3A_1 : vector<16xi1>, vector<16xi32>
          %reduce_sum3A_347 = arith.constant true
          %reduce_sum3A_348 = vector.broadcast %reduce_sum3A_347 : i1 to vector<16xi1>
          %reduce_sum3A_349 = tpu.scan <sum>, %select_n3A_346 masked %reduce_sum3A_348 : vector<16xi32>, vector<16xi1> -> vector<16xi32>
          %reduce_sum3A_350 = vector.extract %reduce_sum3A_349[15] : i32 from vector<16xi32>
          %mul3A_351 = arith.constant 128 : i32
          %mul3A_352 = arith.muli %reduce_sum3A_350, %mul3A_351 : i32
          %multiple_of3A_353 = tpu.assume_multiple %mul3A_352, 128 : i32
          %and3A_354 = arith.constant 7 : i32
          %and3A_355 = arith.andi %sub3A_293, %and3A_354 : i32
          %dma_start3A = arith.constant 0 : i32
          %dma_start3A_356 = arith.constant 0 : i32
          %dma_start3A_357 = tpu.memref_slice %arg10[%and3A_355, %dma_start3A, %dma_start3A_356] : memref<8x64x128xf32, #tpu.memory_space<vmem>> -> memref<1x64x128xf32, #tpu.memory_space<vmem>>
          %dma_start3A_358 = tpu.memref_squeeze %dma_start3A_357 : memref<1x64x128xf32, #tpu.memory_space<vmem>> -> memref<64x128xf32, #tpu.memory_space<vmem>>
          %dma_start3A_359 = arith.constant 0 : i32
          %dma_start3A_360 = tpu.memref_slice %arg5[%dma_start3A_359, %multiple_of3A_353] : memref<64x1000000xf32, #tpu.memory_space<hbm>> -> memref<64x128xf32, #tpu.memory_space<hbm>>
          %dma_start3A_361 = arith.constant 0 : i32
          %dma_start3A_362 = arith.constant 0 : i32
          %dma_start3A_363 = tpu.memref_slice %arg10[%and3A_355, %dma_start3A_361, %dma_start3A_362] : memref<8x64x128xf32, #tpu.memory_space<vmem>> -> memref<1x64x128xf32, #tpu.memory_space<vmem>>
          %dma_start3A_364 = tpu.memref_squeeze %dma_start3A_363 : memref<1x64x128xf32, #tpu.memory_space<vmem>> -> memref<64x128xf32, #tpu.memory_space<vmem>>
          %dma_start3A_365 = arith.constant 0 : i32
          %dma_start3A_366 = tpu.memref_slice %arg5[%dma_start3A_365, %multiple_of3A_353] : memref<64x1000000xf32, #tpu.memory_space<hbm>> -> memref<64x128xf32, #tpu.memory_space<hbm>>
          tpu.enqueue_dma source(%dma_start3A_366 : memref<64x128xf32, #tpu.memory_space<hbm>>) target(%dma_start3A_364 : memref<64x128xf32, #tpu.memory_space<vmem>>) target_semaphore(%arg12 : memref<!tpu.dma_semaphore, #tpu.memory_space<semaphore_mem>>)
        } else {
        }
      } else {
      }
      %jit3A_169 = arith.constant 16 : i32
      %div3A_170 = arith.divsi %add3A_98, %jit3A_169 : i32
      %sign3A_171 = arith.constant 0 : i32
      %sign3A_172 = arith.cmpi sgt, %add3A_98, %sign3A_171 : i32
      %sign3A_173 = arith.extui %sign3A_172 : i1 to i32
      %sign3A_174 = arith.constant 0 : i32
      %sign3A_175 = arith.cmpi slt, %add3A_98, %sign3A_174 : i32
      %sign3A_176 = arith.extui %sign3A_175 : i1 to i32
      %sign3A_177 = arith.subi %sign3A_173, %sign3A_176 : i32
      %sign3A_178 = arith.constant 0 : i32
      %sign3A_179 = arith.cmpi sgt, %jit3A_169, %sign3A_178 : i32
      %sign3A_180 = arith.extui %sign3A_179 : i1 to i32
      %sign3A_181 = arith.constant 0 : i32
      %sign3A_182 = arith.cmpi slt, %jit3A_169, %sign3A_181 : i32
      %sign3A_183 = arith.extui %sign3A_182 : i1 to i32
      %sign3A_184 = arith.subi %sign3A_180, %sign3A_183 : i32
      %ne3A_185 = arith.cmpi ne, %sign3A_177, %sign3A_184 : i32
      %rem3A_186 = arith.remsi %add3A_98, %jit3A_169 : i32
      %ne3A_187 = arith.constant 0 : i32
      %ne3A_188 = arith.cmpi ne, %rem3A_186, %ne3A_187 : i32
      %and3A_189 = arith.andi %ne3A_185, %ne3A_188 : i1
      %sub3A_190 = arith.constant 1 : i32
      %sub3A_191 = arith.subi %div3A_170, %sub3A_190 : i32
      %select_n3A_192 = arith.select %and3A_189, %sub3A_191, %div3A_170 : i32
      %mul3A_193 = arith.constant 16 : i32
      %mul3A_194 = arith.muli %select_n3A_192, %mul3A_193 : i32
      %multiple_of3A_195 = tpu.assume_multiple %mul3A_194, 16 : i32
      %get3A_196 = arith.index_cast %multiple_of3A_195 : i32 to index
      %get3A_197 = tpu.vector_load %arg7[%get3A_196] {strides = array<i32>} : memref<512xi32, #tpu.memory_space<vmem>>, vector<16xi32>,
      %jit3A_198 = arith.constant 16 : i32
      %eq3A_199 = arith.constant 0 : i32
      %eq3A_200 = arith.cmpi eq, %jit3A_198, %eq3A_199 : i32
      %jit3A_201 = arith.constant 1 : i32
      %select_n3A_202 = arith.select %eq3A_200, %jit3A_201, %jit3A_198 : i32
      %rem3A_203 = arith.remsi %add3A_98, %select_n3A_202 : i32
      %ne3A_204 = arith.constant 0 : i32
      %ne3A_205 = arith.cmpi ne, %rem3A_203, %ne3A_204 : i32
      %lt3A_206 = arith.constant 0 : i32
      %lt3A_207 = arith.cmpi slt, %rem3A_203, %lt3A_206 : i32
      %lt3A_208 = arith.constant 0 : i32
      %lt3A_209 = arith.cmpi slt, %select_n3A_202, %lt3A_208 : i32
      %ne3A_210 = arith.xori %lt3A_207, %lt3A_209 : i1
      %and3A_211 = arith.andi %ne3A_210, %ne3A_205 : i1
      %add3A_212 = arith.addi %rem3A_203, %select_n3A_202 : i32
      %select_n3A_213 = arith.select %and3A_211, %add3A_212, %rem3A_203 : i32
      %eq3A_214 = vector.broadcast %select_n3A_213 : i32 to vector<16xi32>
      %eq3A_215 = arith.cmpi eq, %iota3A, %eq3A_214 : vector<16xi32>
      %select_n3A_216 = arith.select %eq3A_215, %get3A_197, %broadcast_in_dim3A_1 : vector<16xi1>, vector<16xi32>
      %reduce_sum3A_217 = arith.constant true
      %reduce_sum3A_218 = vector.broadcast %reduce_sum3A_217 : i1 to vector<16xi1>
      %reduce_sum3A_219 = tpu.scan <sum>, %select_n3A_216 masked %reduce_sum3A_218 : vector<16xi32>, vector<16xi1> -> vector<16xi32>
      %reduce_sum3A_220 = vector.extract %reduce_sum3A_219[15] : i32 from vector<16xi32>
      %and3A_221 = arith.constant 127 : i32
      %and3A_222 = arith.andi %reduce_sum3A_220, %and3A_221 : i32
      %broadcast_in_dim3A_223 = vector.broadcast %and3A_222 : i32 to vector<16xi32>
      %broadcast_in_dim3A_224 = vector.broadcast %and3A_161 : i32 to vector<16xi32>
      %add3A_225 = arith.constant 0 : i32
      %add3A_226 = vector.broadcast %add3A_225 : i32 to vector<16xi32>
      %add3A_227 = arith.addi %iota3A, %add3A_226 : vector<16xi32>
      %gather3A = tpu.vector_load_idx %arg10[%broadcast_in_dim3A_224, %add3A_227, %broadcast_in_dim3A_223] : memref<8x64x128xf32, #tpu.memory_space<vmem>>[vector<16xi32>, vector<16xi32>, vector<16xi32>], vector<16xf32>,
      %mul3A_228 = arith.constant 64 : i32
      %mul3A_229 = arith.muli %and3A_99, %mul3A_228 : i32
      %add3A_230 = arith.constant 0 : i32
      %add3A_231 = arith.addi %mul3A_229, %add3A_230 : i32
      %multiple_of3A_232 = tpu.assume_multiple %add3A_231, 16 : i32
      %swap3A = arith.index_cast %and3A_103 : i32 to index
      %swap3A_233 = arith.index_cast %multiple_of3A_232 : i32 to index
      %swap3A_234 = tpu.vector_load %arg11[%swap3A, %swap3A_233] {strides = array<i32>} : memref<2x4096xf32, #tpu.memory_space<vmem>>, vector<16xf32>,
      tpu.vector_store %arg11[%swap3A, %swap3A_233], %gather3A {strides = array<i32>} : memref<2x4096xf32, #tpu.memory_space<vmem>>, vector<16xf32>,
      %add3A_235 = arith.constant 16 : i32
      %add3A_236 = vector.broadcast %add3A_235 : i32 to vector<16xi32>
      %add3A_237 = arith.addi %iota3A, %add3A_236 : vector<16xi32>
      %gather3A_238 = tpu.vector_load_idx %arg10[%broadcast_in_dim3A_224, %add3A_237, %broadcast_in_dim3A_223] : memref<8x64x128xf32, #tpu.memory_space<vmem>>[vector<16xi32>, vector<16xi32>, vector<16xi32>], vector<16xf32>,
      %mul3A_239 = arith.constant 64 : i32
      %mul3A_240 = arith.muli %and3A_99, %mul3A_239 : i32
      %add3A_241 = arith.constant 16 : i32
      %add3A_242 = arith.addi %mul3A_240, %add3A_241 : i32
      %multiple_of3A_243 = tpu.assume_multiple %add3A_242, 16 : i32
      %swap3A_244 = arith.index_cast %and3A_103 : i32 to index
      %swap3A_245 = arith.index_cast %multiple_of3A_243 : i32 to index
      %swap3A_246 = tpu.vector_load %arg11[%swap3A_244, %swap3A_245] {strides = array<i32>} : memref<2x4096xf32, #tpu.memory_space<vmem>>, vector<16xf32>,
      tpu.vector_store %arg11[%swap3A_244, %swap3A_245], %gather3A_238 {strides = array<i32>} : memref<2x4096xf32, #tpu.memory_space<vmem>>, vector<16xf32>,
      %add3A_247 = arith.constant 32 : i32
      %add3A_248 = vector.broadcast %add3A_247 : i32 to vector<16xi32>
      %add3A_249 = arith.addi %iota3A, %add3A_248 : vector<16xi32>
      %gather3A_250 = tpu.vector_load_idx %arg10[%broadcast_in_dim3A_224, %add3A_249, %broadcast_in_dim3A_223] : memref<8x64x128xf32, #tpu.memory_space<vmem>>[vector<16xi32>, vector<16xi32>, vector<16xi32>], vector<16xf32>,
      %mul3A_251 = arith.constant 64 : i32
      %mul3A_252 = arith.muli %and3A_99, %mul3A_251 : i32
      %add3A_253 = arith.constant 32 : i32
      %add3A_254 = arith.addi %mul3A_252, %add3A_253 : i32
      %multiple_of3A_255 = tpu.assume_multiple %add3A_254, 16 : i32
      %swap3A_256 = arith.index_cast %and3A_103 : i32 to index
      %swap3A_257 = arith.index_cast %multiple_of3A_255 : i32 to index
      %swap3A_258 = tpu.vector_load %arg11[%swap3A_256, %swap3A_257] {strides = array<i32>} : memref<2x4096xf32, #tpu.memory_space<vmem>>, vector<16xf32>,
      tpu.vector_store %arg11[%swap3A_256, %swap3A_257], %gather3A_250 {strides = array<i32>} : memref<2x4096xf32, #tpu.memory_space<vmem>>, vector<16xf32>,
      %add3A_259 = arith.constant 48 : i32
      %add3A_260 = vector.broadcast %add3A_259 : i32 to vector<16xi32>
      %add3A_261 = arith.addi %iota3A, %add3A_260 : vector<16xi32>
      %gather3A_262 = tpu.vector_load_idx %arg10[%broadcast_in_dim3A_224, %add3A_261, %broadcast_in_dim3A_223] : memref<8x64x128xf32, #tpu.memory_space<vmem>>[vector<16xi32>, vector<16xi32>, vector<16xi32>], vector<16xf32>,
      %mul3A_263 = arith.constant 64 : i32
      %mul3A_264 = arith.muli %and3A_99, %mul3A_263 : i32
      %add3A_265 = arith.constant 48 : i32
      %add3A_266 = arith.addi %mul3A_264, %add3A_265 : i32
      %multiple_of3A_267 = tpu.assume_multiple %add3A_266, 16 : i32
      %swap3A_268 = arith.index_cast %and3A_103 : i32 to index
      %swap3A_269 = arith.index_cast %multiple_of3A_267 : i32 to index
      %swap3A_270 = tpu.vector_load %arg11[%swap3A_268, %swap3A_269] {strides = array<i32>} : memref<2x4096xf32, #tpu.memory_space<vmem>>, vector<16xf32>,
      tpu.vector_store %arg11[%swap3A_268, %swap3A_269], %gather3A_262 {strides = array<i32>} : memref<2x4096xf32, #tpu.memory_space<vmem>>, vector<16xf32>,
      %eq3A_271 = arith.constant 63 : i32
      %eq3A_272 = arith.cmpi eq, %and3A_99, %eq3A_271 : i32
      %convert_element_type3A_273 = arith.extui %eq3A_272 : i1 to i32
      %cond3A_274 = arith.constant 0 : i32
      %cond3A_275 = arith.cmpi ne, %convert_element_type3A_273, %cond3A_274 : i32
      scf.if %cond3A_275 {
        %add3A_276 = arith.addi %mul3A_3, %add3A_98 : i32
        %sub3A_277 = arith.constant 63 : i32
        %sub3A_278 = arith.subi %add3A_276, %sub3A_277 : i32
        %mul3A_279 = arith.constant 64 : i32
        %mul3A_280 = arith.muli %sub3A_278, %mul3A_279 : i32
        %multiple_of3A_281 = tpu.assume_multiple %mul3A_280, 4096 : i32
        %dma_start3A = arith.constant 0 : i32
        %dma_start3A_282 = tpu.memref_slice %arg11[%and3A_103, %dma_start3A] : memref<2x4096xf32, #tpu.memory_space<vmem>> -> memref<1x4096xf32, #tpu.memory_space<vmem>>
        %dma_start3A_283 = tpu.memref_squeeze %dma_start3A_282 : memref<1x4096xf32, #tpu.memory_space<vmem>> -> memref<4096xf32, #tpu.memory_space<vmem>>
        %dma_start3A_284 = tpu.memref_slice %arg6[%multiple_of3A_281] : memref<1048576xf32, #tpu.memory_space<hbm>> -> memref<4096xf32, #tpu.memory_space<hbm>>
        %dma_start3A_285 = tpu.memref_slice %arg6[%multiple_of3A_281] : memref<1048576xf32, #tpu.memory_space<hbm>> -> memref<4096xf32, #tpu.memory_space<hbm>>
        %dma_start3A_286 = arith.constant 0 : i32
        %dma_start3A_287 = tpu.memref_slice %arg11[%and3A_103, %dma_start3A_286] : memref<2x4096xf32, #tpu.memory_space<vmem>> -> memref<1x4096xf32, #tpu.memory_space<vmem>>
        %dma_start3A_288 = tpu.memref_squeeze %dma_start3A_287 : memref<1x4096xf32, #tpu.memory_space<vmem>> -> memref<4096xf32, #tpu.memory_space<vmem>>
        tpu.enqueue_dma source(%dma_start3A_288 : memref<4096xf32, #tpu.memory_space<vmem>>) target(%dma_start3A_285 : memref<4096xf32, #tpu.memory_space<hbm>>) target_semaphore(%arg13 : memref<!tpu.dma_semaphore, #tpu.memory_space<semaphore_mem>>)
      } else {
      }
    }
    %scan3A_72 = arith.constant 512 : i32
    %dma_wait3A = arith.constant 0 : i32
    %dma_wait3A_73 = arith.constant 0 : i32
    %dma_wait3A_74 = tpu.memref_slice %arg11[%dma_wait3A, %dma_wait3A_73] : memref<2x4096xf32, #tpu.memory_space<vmem>> -> memref<1x4096xf32, #tpu.memory_space<vmem>>
    %dma_wait3A_75 = tpu.memref_squeeze %dma_wait3A_74 : memref<1x4096xf32, #tpu.memory_space<vmem>> -> memref<4096xf32, #tpu.memory_space<vmem>>
    %dma_wait3A_76 = arith.constant 0 : i32
    %dma_wait3A_77 = tpu.memref_slice %arg6[%dma_wait3A_76] : memref<1048576xf32, #tpu.memory_space<hbm>> -> memref<4096xf32, #tpu.memory_space<hbm>>
    %dma_wait3A_78 = arith.constant 0 : i32
    %dma_wait3A_79 = tpu.memref_slice %arg11[%dma_wait3A, %dma_wait3A_78] : memref<2x4096xf32, #tpu.memory_space<vmem>> -> memref<1x4096xf32, #tpu.memory_space<vmem>>
    %dma_wait3A_80 = tpu.memref_squeeze %dma_wait3A_79 : memref<1x4096xf32, #tpu.memory_space<vmem>> -> memref<4096xf32, #tpu.memory_space<vmem>>
    %dma_wait3A_81 = arith.constant 0 : i32
    %dma_wait3A_82 = tpu.memref_slice %arg6[%dma_wait3A_81] : memref<1048576xf32, #tpu.memory_space<hbm>> -> memref<4096xf32, #tpu.memory_space<hbm>>
    tpu.wait_dma2 semaphore(%arg13 : memref<!tpu.dma_semaphore, #tpu.memory_space<semaphore_mem>>) src(%dma_wait3A_82 : memref<4096xf32, #tpu.memory_space<hbm>>) dst(%dma_wait3A_80 : memref<4096xf32, #tpu.memory_space<vmem>>)
    %dma_wait3A_83 = arith.constant 0 : i32
    %dma_wait3A_84 = arith.constant 0 : i32
    %dma_wait3A_85 = tpu.memref_slice %arg11[%dma_wait3A_83, %dma_wait3A_84] : memref<2x4096xf32, #tpu.memory_space<vmem>> -> memref<1x4096xf32, #tpu.memory_space<vmem>>
    %dma_wait3A_86 = tpu.memref_squeeze %dma_wait3A_85 : memref<1x4096xf32, #tpu.memory_space<vmem>> -> memref<4096xf32, #tpu.memory_space<vmem>>
    %dma_wait3A_87 = arith.constant 0 : i32
    %dma_wait3A_88 = tpu.memref_slice %arg6[%dma_wait3A_87] : memref<1048576xf32, #tpu.memory_space<hbm>> -> memref<4096xf32, #tpu.memory_space<hbm>>
    %dma_wait3A_89 = arith.constant 0 : i32
    %dma_wait3A_90 = tpu.memref_slice %arg11[%dma_wait3A_83, %dma_wait3A_89] : memref<2x4096xf32, #tpu.memory_space<vmem>> -> memref<1x4096xf32, #tpu.memory_space<vmem>>
    %dma_wait3A_91 = tpu.memref_squeeze %dma_wait3A_90 : memref<1x4096xf32, #tpu.memory_space<vmem>> -> memref<4096xf32, #tpu.memory_space<vmem>>
    %dma_wait3A_92 = arith.constant 0 : i32
    %dma_wait3A_93 = tpu.memref_slice %arg6[%dma_wait3A_92] : memref<1048576xf32, #tpu.memory_space<hbm>> -> memref<4096xf32, #tpu.memory_space<hbm>>
    tpu.wait_dma2 semaphore(%arg13 : memref<!tpu.dma_semaphore, #tpu.memory_space<semaphore_mem>>) src(%dma_wait3A_93 : memref<4096xf32, #tpu.memory_space<hbm>>) dst(%dma_wait3A_91 : memref<4096xf32, #tpu.memory_space<vmem>>)
    return
  }
}

#map = affine_map<(d0, d1) -> (0)>
#map1 = affine_map<(d0, d1) -> (0, 0)>
module attributes {stable_mosaic.version = 14 : i64} {
  func.func @k(%arg0: i32, %arg1: i32, %arg2: memref<16384xi32, #tpu.memory_space<hbm>>, %arg3: memref<16384xi32, #tpu.memory_space<hbm>>, %arg4: memref<16384xi32, #tpu.memory_space<hbm>>, %arg5: memref<16384x64xf32, #tpu.memory_space<hbm>>, %arg6: memref<32768x64xf32, #tpu.memory_space<hbm>>, %arg7: memref<16384xf32, #tpu.memory_space<hbm>>, %arg8: memref<16384xf32, #tpu.memory_space<hbm>>, %arg9: memref<512xi32, #tpu.memory_space<vmem>>, %arg10: memref<512xi32, #tpu.memory_space<vmem>>, %arg11: memref<512xi32, #tpu.memory_space<vmem>>, %arg12: memref<512x64xf32, #tpu.memory_space<vmem>>, %arg13: memref<512x64xf32, #tpu.memory_space<vmem>>, %arg14: memref<512x64xf32, #tpu.memory_space<vmem>>, %arg15: memref<512xf32, #tpu.memory_space<vmem>>, %arg16: memref<512xf32, #tpu.memory_space<vmem>>, %arg17: memref<!tpu.dma_semaphore, #tpu.memory_space<semaphore_mem>>, %arg18: memref<!tpu.dma_semaphore, #tpu.memory_space<semaphore_mem>>, %arg19: memref<!tpu.dma_semaphore, #tpu.memory_space<semaphore_mem>>) attributes {dimension_semantics = [#tpu.dimension_semantics<core_parallel>, #tpu.dimension_semantics<subcore_parallel>], iteration_bounds = array<i64: 2, 16>, scalar_prefetch = 0 : i64, scratch_operands = 11 : i64, tpu.core_type = #tpu.core_type<sc_vector_subcore>, window_params = [{transform_indices = #map}, {transform_indices = #map}, {transform_indices = #map}, {transform_indices = #map1}, {transform_indices = #map1}, {transform_indices = #map}, {transform_indices = #map}]} {
    %mul3A = arith.constant 2 : i32
    %mul3A_0 = arith.muli %arg1, %mul3A : i32
    %add3A = arith.addi %mul3A_0, %arg0 : i32
    %mul3A_1 = arith.constant 512 : i32
    %mul3A_2 = arith.muli %add3A, %mul3A_1 : i32
    "tpu.region"() ({
      %run_scoped3A = tpu.sem_alloc : memref<!tpu.dma_semaphore, #tpu.memory_space<semaphore_mem>>
      %dma_start3A_25 = tpu.memref_slice %arg2[%mul3A_2] : memref<16384xi32, #tpu.memory_space<hbm>> -> memref<512xi32, #tpu.memory_space<hbm>>
      %dma_start3A_26 = tpu.memref_slice %arg2[%mul3A_2] : memref<16384xi32, #tpu.memory_space<hbm>> -> memref<512xi32, #tpu.memory_space<hbm>>
      tpu.enqueue_dma source(%dma_start3A_26 : memref<512xi32, #tpu.memory_space<hbm>>) target(%arg9 : memref<512xi32, #tpu.memory_space<vmem>>) target_semaphore(%run_scoped3A : memref<!tpu.dma_semaphore, #tpu.memory_space<semaphore_mem>>)
      %dma_wait3A_27 = tpu.memref_slice %arg2[%mul3A_2] : memref<16384xi32, #tpu.memory_space<hbm>> -> memref<512xi32, #tpu.memory_space<hbm>>
      %dma_wait3A_28 = tpu.memref_slice %arg2[%mul3A_2] : memref<16384xi32, #tpu.memory_space<hbm>> -> memref<512xi32, #tpu.memory_space<hbm>>
      tpu.wait_dma2 semaphore(%run_scoped3A : memref<!tpu.dma_semaphore, #tpu.memory_space<semaphore_mem>>) src(%dma_wait3A_28 : memref<512xi32, #tpu.memory_space<hbm>>) dst(%arg9 : memref<512xi32, #tpu.memory_space<vmem>>)
      tpu.yield
    }) : () -> ()
    "tpu.region"() ({
      %run_scoped3A = tpu.sem_alloc : memref<!tpu.dma_semaphore, #tpu.memory_space<semaphore_mem>>
      %dma_start3A_25 = tpu.memref_slice %arg3[%mul3A_2] : memref<16384xi32, #tpu.memory_space<hbm>> -> memref<512xi32, #tpu.memory_space<hbm>>
      %dma_start3A_26 = tpu.memref_slice %arg3[%mul3A_2] : memref<16384xi32, #tpu.memory_space<hbm>> -> memref<512xi32, #tpu.memory_space<hbm>>
      tpu.enqueue_dma source(%dma_start3A_26 : memref<512xi32, #tpu.memory_space<hbm>>) target(%arg10 : memref<512xi32, #tpu.memory_space<vmem>>) target_semaphore(%run_scoped3A : memref<!tpu.dma_semaphore, #tpu.memory_space<semaphore_mem>>)
      %dma_wait3A_27 = tpu.memref_slice %arg3[%mul3A_2] : memref<16384xi32, #tpu.memory_space<hbm>> -> memref<512xi32, #tpu.memory_space<hbm>>
      %dma_wait3A_28 = tpu.memref_slice %arg3[%mul3A_2] : memref<16384xi32, #tpu.memory_space<hbm>> -> memref<512xi32, #tpu.memory_space<hbm>>
      tpu.wait_dma2 semaphore(%run_scoped3A : memref<!tpu.dma_semaphore, #tpu.memory_space<semaphore_mem>>) src(%dma_wait3A_28 : memref<512xi32, #tpu.memory_space<hbm>>) dst(%arg10 : memref<512xi32, #tpu.memory_space<vmem>>)
      tpu.yield
    }) : () -> ()
    "tpu.region"() ({
      %run_scoped3A = tpu.sem_alloc : memref<!tpu.dma_semaphore, #tpu.memory_space<semaphore_mem>>
      %dma_start3A_25 = tpu.memref_slice %arg4[%mul3A_2] : memref<16384xi32, #tpu.memory_space<hbm>> -> memref<512xi32, #tpu.memory_space<hbm>>
      %dma_start3A_26 = tpu.memref_slice %arg4[%mul3A_2] : memref<16384xi32, #tpu.memory_space<hbm>> -> memref<512xi32, #tpu.memory_space<hbm>>
      tpu.enqueue_dma source(%dma_start3A_26 : memref<512xi32, #tpu.memory_space<hbm>>) target(%arg11 : memref<512xi32, #tpu.memory_space<vmem>>) target_semaphore(%run_scoped3A : memref<!tpu.dma_semaphore, #tpu.memory_space<semaphore_mem>>)
      %dma_wait3A_27 = tpu.memref_slice %arg4[%mul3A_2] : memref<16384xi32, #tpu.memory_space<hbm>> -> memref<512xi32, #tpu.memory_space<hbm>>
      %dma_wait3A_28 = tpu.memref_slice %arg4[%mul3A_2] : memref<16384xi32, #tpu.memory_space<hbm>> -> memref<512xi32, #tpu.memory_space<hbm>>
      tpu.wait_dma2 semaphore(%run_scoped3A : memref<!tpu.dma_semaphore, #tpu.memory_space<semaphore_mem>>) src(%dma_wait3A_28 : memref<512xi32, #tpu.memory_space<hbm>>) dst(%arg11 : memref<512xi32, #tpu.memory_space<vmem>>)
      tpu.yield
    }) : () -> ()
    %dma_start3A = arith.constant 0 : i32
    %dma_start3A_3 = arith.constant 0 : i32
    %dma_start3A_4 = tpu.memref_slice %arg5[%dma_start3A, %dma_start3A_3] : memref<16384x64xf32, #tpu.memory_space<hbm>> -> memref<16384x64xf32, #tpu.memory_space<hbm>>
    tpu.enqueue_indirect_dma source(%dma_start3A_4 : memref<16384x64xf32, #tpu.memory_space<hbm>>) target(%arg12 : memref<512x64xf32, #tpu.memory_space<vmem>>) offsets(%arg9 : memref<512xi32, #tpu.memory_space<vmem>>) semaphore(%arg17 : memref<!tpu.dma_semaphore, #tpu.memory_space<semaphore_mem>>)
    %dma_start3A_5 = arith.constant 0 : i32
    %dma_start3A_6 = arith.constant 0 : i32
    %dma_start3A_7 = tpu.memref_slice %arg6[%dma_start3A_5, %dma_start3A_6] : memref<32768x64xf32, #tpu.memory_space<hbm>> -> memref<32768x64xf32, #tpu.memory_space<hbm>>
    tpu.enqueue_indirect_dma source(%dma_start3A_7 : memref<32768x64xf32, #tpu.memory_space<hbm>>) target(%arg13 : memref<512x64xf32, #tpu.memory_space<vmem>>) offsets(%arg10 : memref<512xi32, #tpu.memory_space<vmem>>) semaphore(%arg18 : memref<!tpu.dma_semaphore, #tpu.memory_space<semaphore_mem>>)
    %dma_start3A_8 = arith.constant 0 : i32
    %dma_start3A_9 = arith.constant 0 : i32
    %dma_start3A_10 = tpu.memref_slice %arg6[%dma_start3A_8, %dma_start3A_9] : memref<32768x64xf32, #tpu.memory_space<hbm>> -> memref<32768x64xf32, #tpu.memory_space<hbm>>
    tpu.enqueue_indirect_dma source(%dma_start3A_10 : memref<32768x64xf32, #tpu.memory_space<hbm>>) target(%arg14 : memref<512x64xf32, #tpu.memory_space<vmem>>) offsets(%arg11 : memref<512xi32, #tpu.memory_space<vmem>>) semaphore(%arg19 : memref<!tpu.dma_semaphore, #tpu.memory_space<semaphore_mem>>)
    %dma_wait3A = arith.constant 0 : i32
    %dma_wait3A_11 = arith.constant 0 : i32
    %dma_wait3A_12 = tpu.memref_slice %arg5[%dma_wait3A, %dma_wait3A_11] : memref<16384x64xf32, #tpu.memory_space<hbm>> -> memref<16384x64xf32, #tpu.memory_space<hbm>>
    tpu.wait_indirect_dma semaphore(%arg17 : memref<!tpu.dma_semaphore, #tpu.memory_space<semaphore_mem>>) src(%dma_wait3A_12 : memref<16384x64xf32, #tpu.memory_space<hbm>>) dst(%arg12 : memref<512x64xf32, #tpu.memory_space<vmem>>)
    %dma_wait3A_13 = arith.constant 0 : i32
    %dma_wait3A_14 = arith.constant 0 : i32
    %dma_wait3A_15 = tpu.memref_slice %arg6[%dma_wait3A_13, %dma_wait3A_14] : memref<32768x64xf32, #tpu.memory_space<hbm>> -> memref<32768x64xf32, #tpu.memory_space<hbm>>
    tpu.wait_indirect_dma semaphore(%arg18 : memref<!tpu.dma_semaphore, #tpu.memory_space<semaphore_mem>>) src(%dma_wait3A_15 : memref<32768x64xf32, #tpu.memory_space<hbm>>) dst(%arg13 : memref<512x64xf32, #tpu.memory_space<vmem>>)
    %dma_wait3A_16 = arith.constant 0 : i32
    %dma_wait3A_17 = arith.constant 0 : i32
    %dma_wait3A_18 = tpu.memref_slice %arg6[%dma_wait3A_16, %dma_wait3A_17] : memref<32768x64xf32, #tpu.memory_space<hbm>> -> memref<32768x64xf32, #tpu.memory_space<hbm>>
    tpu.wait_indirect_dma semaphore(%arg19 : memref<!tpu.dma_semaphore, #tpu.memory_space<semaphore_mem>>) src(%dma_wait3A_18 : memref<32768x64xf32, #tpu.memory_space<hbm>>) dst(%arg14 : memref<512x64xf32, #tpu.memory_space<vmem>>)
    %iota3A = tpu.iota {dimensions = array<i32: 0>} : vector<16xi32>
    %eq3A = arith.constant 15 : i32
    %eq3A_19 = vector.broadcast %eq3A : i32 to vector<16xi32>
    %eq3A_20 = arith.cmpi eq, %iota3A, %eq3A_19 : vector<16xi32>
    %scan3A = arith.constant 0 : i32
    %scan3A_21 = arith.constant 512 : i32
    %scan3A_22 = arith.addi %scan3A, %scan3A_21 : i32
    %scan3A_23 = arith.constant 1 : i32
    scf.for %scan3A_25 = %scan3A to %scan3A_22 step %scan3A_23  : i32 {
      %mul3A_26 = arith.constant 1 : i32
      %mul3A_27 = arith.muli %scan3A_25, %mul3A_26 : i32
      %add3A_28 = arith.constant 0 : i32
      %add3A_29 = arith.addi %add3A_28, %mul3A_27 : i32
      %get3A = arith.index_cast %add3A_29 : i32 to index
      %get3A_30 = arith.constant 0 : index
      %get3A_31 = tpu.vector_load %arg12[%get3A, %get3A_30] {strides = array<i32>} : memref<512x64xf32, #tpu.memory_space<vmem>>, vector<16xf32>,
      %get3A_32 = arith.index_cast %add3A_29 : i32 to index
      %get3A_33 = arith.constant 16 : index
      %get3A_34 = tpu.vector_load %arg12[%get3A_32, %get3A_33] {strides = array<i32>} : memref<512x64xf32, #tpu.memory_space<vmem>>, vector<16xf32>,
      %get3A_35 = arith.index_cast %add3A_29 : i32 to index
      %get3A_36 = arith.constant 32 : index
      %get3A_37 = tpu.vector_load %arg12[%get3A_35, %get3A_36] {strides = array<i32>} : memref<512x64xf32, #tpu.memory_space<vmem>>, vector<16xf32>,
      %get3A_38 = arith.index_cast %add3A_29 : i32 to index
      %get3A_39 = arith.constant 48 : index
      %get3A_40 = tpu.vector_load %arg12[%get3A_38, %get3A_39] {strides = array<i32>} : memref<512x64xf32, #tpu.memory_space<vmem>>, vector<16xf32>,
      %get3A_41 = arith.index_cast %add3A_29 : i32 to index
      %get3A_42 = arith.constant 0 : index
      %get3A_43 = tpu.vector_load %arg13[%get3A_41, %get3A_42] {strides = array<i32>} : memref<512x64xf32, #tpu.memory_space<vmem>>, vector<16xf32>,
      %get3A_44 = arith.index_cast %add3A_29 : i32 to index
      %get3A_45 = arith.constant 16 : index
      %get3A_46 = tpu.vector_load %arg13[%get3A_44, %get3A_45] {strides = array<i32>} : memref<512x64xf32, #tpu.memory_space<vmem>>, vector<16xf32>,
      %get3A_47 = arith.index_cast %add3A_29 : i32 to index
      %get3A_48 = arith.constant 32 : index
      %get3A_49 = tpu.vector_load %arg13[%get3A_47, %get3A_48] {strides = array<i32>} : memref<512x64xf32, #tpu.memory_space<vmem>>, vector<16xf32>,
      %get3A_50 = arith.index_cast %add3A_29 : i32 to index
      %get3A_51 = arith.constant 48 : index
      %get3A_52 = tpu.vector_load %arg13[%get3A_50, %get3A_51] {strides = array<i32>} : memref<512x64xf32, #tpu.memory_space<vmem>>, vector<16xf32>,
      %get3A_53 = arith.index_cast %add3A_29 : i32 to index
      %get3A_54 = arith.constant 0 : index
      %get3A_55 = tpu.vector_load %arg14[%get3A_53, %get3A_54] {strides = array<i32>} : memref<512x64xf32, #tpu.memory_space<vmem>>, vector<16xf32>,
      %get3A_56 = arith.index_cast %add3A_29 : i32 to index
      %get3A_57 = arith.constant 16 : index
      %get3A_58 = tpu.vector_load %arg14[%get3A_56, %get3A_57] {strides = array<i32>} : memref<512x64xf32, #tpu.memory_space<vmem>>, vector<16xf32>,
      %get3A_59 = arith.index_cast %add3A_29 : i32 to index
      %get3A_60 = arith.constant 32 : index
      %get3A_61 = tpu.vector_load %arg14[%get3A_59, %get3A_60] {strides = array<i32>} : memref<512x64xf32, #tpu.memory_space<vmem>>, vector<16xf32>,
      %get3A_62 = arith.index_cast %add3A_29 : i32 to index
      %get3A_63 = arith.constant 48 : index
      %get3A_64 = tpu.vector_load %arg14[%get3A_62, %get3A_63] {strides = array<i32>} : memref<512x64xf32, #tpu.memory_space<vmem>>, vector<16xf32>,
      %mul3A_65 = arith.mulf %get3A_31, %get3A_43 : vector<16xf32>
      %mul3A_66 = arith.mulf %get3A_34, %get3A_46 : vector<16xf32>
      %add3A_67 = arith.addf %mul3A_65, %mul3A_66 : vector<16xf32>
      %mul3A_68 = arith.mulf %get3A_37, %get3A_49 : vector<16xf32>
      %add3A_69 = arith.addf %add3A_67, %mul3A_68 : vector<16xf32>
      %mul3A_70 = arith.mulf %get3A_40, %get3A_52 : vector<16xf32>
      %add3A_71 = arith.addf %add3A_69, %mul3A_70 : vector<16xf32>
      %mul3A_72 = arith.mulf %get3A_31, %get3A_55 : vector<16xf32>
      %mul3A_73 = arith.mulf %get3A_34, %get3A_58 : vector<16xf32>
      %add3A_74 = arith.addf %mul3A_72, %mul3A_73 : vector<16xf32>
      %mul3A_75 = arith.mulf %get3A_37, %get3A_61 : vector<16xf32>
      %add3A_76 = arith.addf %add3A_74, %mul3A_75 : vector<16xf32>
      %mul3A_77 = arith.mulf %get3A_40, %get3A_64 : vector<16xf32>
      %add3A_78 = arith.addf %add3A_76, %mul3A_77 : vector<16xf32>
      %broadcast_in_dim3A = vector.broadcast %add3A_29 : i32 to vector<16xi32>
      %broadcast_in_dim3A_79 = arith.constant true
      %broadcast_in_dim3A_80 = vector.broadcast %broadcast_in_dim3A_79 : i1 to vector<16xi1>
      %masked_cumsum3A = tpu.scan <sum>, %add3A_71 masked %broadcast_in_dim3A_80 : vector<16xf32>, vector<16xi1> -> vector<16xf32>
      tpu.vector_store_idx %arg15[%broadcast_in_dim3A], %masked_cumsum3A masked %eq3A_20 : memref<512xf32, #tpu.memory_space<vmem>>[vector<16xi32>], vector<16xf32>, vector<16xi1>
      %broadcast_in_dim3A_81 = arith.constant true
      %broadcast_in_dim3A_82 = vector.broadcast %broadcast_in_dim3A_81 : i1 to vector<16xi1>
      %masked_cumsum3A_83 = tpu.scan <sum>, %add3A_78 masked %broadcast_in_dim3A_82 : vector<16xf32>, vector<16xi1> -> vector<16xf32>
      tpu.vector_store_idx %arg16[%broadcast_in_dim3A], %masked_cumsum3A_83 masked %eq3A_20 : memref<512xf32, #tpu.memory_space<vmem>>[vector<16xi32>], vector<16xf32>, vector<16xi1>
    }
    %scan3A_24 = arith.constant 512 : i32
    "tpu.region"() ({
      %run_scoped3A = tpu.sem_alloc : memref<!tpu.dma_semaphore, #tpu.memory_space<semaphore_mem>>
      %dma_start3A_25 = tpu.memref_slice %arg7[%mul3A_2] : memref<16384xf32, #tpu.memory_space<hbm>> -> memref<512xf32, #tpu.memory_space<hbm>>
      %dma_start3A_26 = tpu.memref_slice %arg7[%mul3A_2] : memref<16384xf32, #tpu.memory_space<hbm>> -> memref<512xf32, #tpu.memory_space<hbm>>
      tpu.enqueue_dma source(%arg15 : memref<512xf32, #tpu.memory_space<vmem>>) target(%dma_start3A_26 : memref<512xf32, #tpu.memory_space<hbm>>) target_semaphore(%run_scoped3A : memref<!tpu.dma_semaphore, #tpu.memory_space<semaphore_mem>>)
      %dma_wait3A_27 = tpu.memref_slice %arg7[%mul3A_2] : memref<16384xf32, #tpu.memory_space<hbm>> -> memref<512xf32, #tpu.memory_space<hbm>>
      %dma_wait3A_28 = tpu.memref_slice %arg7[%mul3A_2] : memref<16384xf32, #tpu.memory_space<hbm>> -> memref<512xf32, #tpu.memory_space<hbm>>
      tpu.wait_dma2 semaphore(%run_scoped3A : memref<!tpu.dma_semaphore, #tpu.memory_space<semaphore_mem>>) src(%arg15 : memref<512xf32, #tpu.memory_space<vmem>>) dst(%dma_wait3A_28 : memref<512xf32, #tpu.memory_space<hbm>>)
      tpu.yield
    }) : () -> ()
    "tpu.region"() ({
      %run_scoped3A = tpu.sem_alloc : memref<!tpu.dma_semaphore, #tpu.memory_space<semaphore_mem>>
      %dma_start3A_25 = tpu.memref_slice %arg8[%mul3A_2] : memref<16384xf32, #tpu.memory_space<hbm>> -> memref<512xf32, #tpu.memory_space<hbm>>
      %dma_start3A_26 = tpu.memref_slice %arg8[%mul3A_2] : memref<16384xf32, #tpu.memory_space<hbm>> -> memref<512xf32, #tpu.memory_space<hbm>>
      tpu.enqueue_dma source(%arg16 : memref<512xf32, #tpu.memory_space<vmem>>) target(%dma_start3A_26 : memref<512xf32, #tpu.memory_space<hbm>>) target_semaphore(%run_scoped3A : memref<!tpu.dma_semaphore, #tpu.memory_space<semaphore_mem>>)
      %dma_wait3A_27 = tpu.memref_slice %arg8[%mul3A_2] : memref<16384xf32, #tpu.memory_space<hbm>> -> memref<512xf32, #tpu.memory_space<hbm>>
      %dma_wait3A_28 = tpu.memref_slice %arg8[%mul3A_2] : memref<16384xf32, #tpu.memory_space<hbm>> -> memref<512xf32, #tpu.memory_space<hbm>>
      tpu.wait_dma2 semaphore(%run_scoped3A : memref<!tpu.dma_semaphore, #tpu.memory_space<semaphore_mem>>) src(%arg16 : memref<512xf32, #tpu.memory_space<vmem>>) dst(%dma_wait3A_28 : memref<512xf32, #tpu.memory_space<hbm>>)
      tpu.yield
    }) : () -> ()
    return
  }
}

</mosaic_0001>

<sc_bundles>
// kernel: kernel.11.cloned.1.call-start
scs
__scs_entry_jumppad:
0x0: {  	(pc) =	sbr.rel $0x88, $3  }
0x1: {  	(tag) =	ssettag $0x0;
	lr =	simm.s32 $0x1  }
0x2: {  	[smem:$0x3F9C] =	sst lr;
	_ =	strace $0xD0000000  }
0x3: {  	_ = 	snop  }
0x4: {  	_ = 	snop  }
0x5: {  	_ = 	snop  }
0x6: {  	_ = 	snop  }
0x7: {  	_ = 	snop  }
__scs_overlays_trampoline_lowered:
0x8: {  	[smem:$0x3FAB] =	sst s0  }
0x9: {  	[smem:$0x3FAC] =	sst s1  }
0xa: {  	[smem:$0x3FAD] =	sst s2  }
0xb: {  	[smem:$0x3FAE] =	sst s3  }
0xc: {  	[smem:$0x3FAF] =	sst s4  }
0xd: {  	[smem:$0x3FB0] =	sst s5  }
0xe: {  	[smem:$0x3FB1] =	sst s6  }
0xf: {  	[smem:$0x3FB2] =	sst s7  }
0x10: {  	[smem:$0x3FB3] =	sst s8  }
0x11: {  	[smem:$0x3FB4] =	sst s9;
	s0 =	simm.s32 @!p0 $0x0  }
0x12: {  	s1 =	sld [smem:$0x3F9A];
	s0 =	simm.s32 @p0 $0x1  }
0x13: {  	[smem:$0x3FB5] =	sst s0;
	s0 =	simm.s32 @!p1 $0x0  }
0x14: {  	s2 =	sld [smem:$0x3F99];
	s0 =	simm.s32 @p1 $0x1  }
0x15: {  	[smem:$0x3FB6] =	sst s0;
	s0 =	simm.s32 @!p2 $0x0  }
0x16: {  	s3 =	sld [smem:$0x3FDB];
	s0 =	simm.s32 @p2 $0x1  }
0x17: {  	s4 =	simm.s32 $0x1BF5;
	[smem:$0x3FB8] =	sst s0  }
0x18: {  	s0 =	sld [smem:$0x3F9B];
	_ =	swait.ge [sflag:s4], $0x0  }
0x19: {  	s7 =	sld [smem:$0x3F9C]  }
0x1a: {  	s8 =	sadd.s32 $0xFFFFE003, lr  }
0x1b: {  	s9 =	sadd.s32 $0xFFFFFEF7, lr;
	s5 =	simm.s32 $0xFFFFFFFF;
	p2 =	slt.u32 s8, $0xFFFFF086  }
0x1c: {  	p1 =	slt.u32 s9, $0xF7A;
	s5 =	simm.s32 @!p2 $0x0  }
0x1d: {  	s5 =	simm.s32 @p1 $0x1;
	p0 =	seq.s32 s7, s2  }
0x1e: {  	s7 =	smul.u32 @!p0 $0xF7A, s2;
	p2 =	seq.s32 @!p0 s5, $0x0  }
0x1f: {  	s9 =	smul.u32 $0xF7A, s1;
	s8 =	simm.s32 @!p0 $0x1BF5;
	p2 =	por !p2, p0  }
0x20: {  	[sflag:s8] =	ssyncset.s32 @!p0 $0xFFFFF086;
	s6 =	sadd.s32 @!p0 s3, s7;
	s7 =	simm.s32 @!p0 $0x108  }
0x21: {  	s3 =	sadd.s32 s3, s9;
	s6 =	sadd.s32 @!p0 $0x88, s6;
	s7 =	simm.s32 @p2 $0x1082  }
0x22: {  	[simem:s7], [sflag:s8] =	dma.local @!p0 [hbm:s6], $0xF7A  }
0x23: {  	s9 =	sor.u32 $0xD0000000, s2;
	s6 =	simm.s32 $0x108;
	_ =	swait.ge @!p0 [sflag:s8], $0x0  }
0x24: {  	s3 =	sadd.s32 $0x88, s3;
	s6 =	simm.s32 @!p1 $0x1082;
	[sflag:s4] =	ssyncset.s32 $0xFFFFF086  }
0x25: {  	[simem:s6], [sflag:s4] =	dma.local [hbm:s3], $0xF7A  }
0x26: {  	[smem:$0x3F9C] =	sst s1;
	(tag) =	ssettag s2;
	_ =	strace s9  }
0x27: {  	s1 =	sld [smem:$0x3FAC]  }
0x28: {  	s2 =	sld [smem:$0x3FAD]  }
0x29: {  	s4 =	sld [smem:$0x3FAF]  }
0x2a: {  	p0 =	seq.s32 s5, $0x0;
	s5 =	sld [smem:$0x3FB0]  }
0x2b: {  	s6 =	sld [smem:$0x3FB1]  }
0x2c: {  	s7 =	sld [smem:$0x3FB2]  }
0x2d: {  	s3 =	simm.s32 $0x108;
	s8 =	sld [smem:$0x3FB3]  }
0x2e: {  	s3 =	simm.s32 @!p0 $0x1082;
	s9 =	sld [smem:$0x3FB4]  }
0x2f: {  	lr =	sadd.s32 s0, s3;
	s0 =	sld [smem:$0x3FAB]  }
0x30: {  	s3 =	sld [smem:$0x3FAE]  }
0x31: {  	[smem:$0x3FB7] =	sst s10  }
0x32: {  	s10 =	sld [smem:$0x3FB5];
	_ =	sdelay $0x3  }
0x33: {  	p0 =	seq.s32 s10, $0x1;
	s10 =	sld [smem:$0x3FB7];
	_ =	sdelay $0x3  }
0x34: {  	[smem:$0x3FB7] =	sst s10  }
0x35: {  	s10 =	sld [smem:$0x3FB6];
	_ =	sdelay $0x3  }
0x36: {  	p1 =	seq.s32 s10, $0x1;
	s10 =	sld [smem:$0x3FB7];
	_ =	sdelay $0x3  }
0x37: {  	[smem:$0x3FB7] =	sst s10  }
0x38: {  	s10 =	sld [smem:$0x3FB8]  }
0x39: {  	_ = 	snop;
	(pc) =	sbr.ind lr, $3  }
0x3a: {  	_ = 	snop  }
0x3b: {  	_ = 	snop  }
0x3c: {  	p2 =	seq.s32 s10, $0x1;
	s10 =	sld [smem:$0x3FB7]  }
0x3d: {  	_ =	shalt  }
0x3e: {  	_ =	shalt  }
0x3f: {  	_ =	shalt  }
0x40: {  	_ =	shalt  }
0x41: {  	_ =	shalt  }
0x42: {  	_ =	shalt  }
0x43: {  	_ =	shalt  }
0x44: {  	_ =	shalt  }
0x45: {  	_ =	shalt  }
0x46: {  	_ =	shalt  }
0x47: {  	_ =	shalt  }
0x48: {  	_ =	shalt  }
0x49: {  	_ =	shalt  }
0x4a: {  	_ =	shalt  }
0x4b: {  	_ =	shalt  }
0x4c: {  	_ =	shalt  }
0x4d: {  	_ =	shalt  }
0x4e: {  	_ =	shalt  }
0x4f: {  	_ =	shalt  }
0x50: {  	_ =	shalt  }
0x51: {  	_ =	shalt  }
0x52: {  	_ =	shalt  }
0x53: {  	_ =	shalt  }
0x54: {  	_ =	shalt  }
0x55: {  	_ =	shalt  }
0x56: {  	_ =	shalt  }
0x57: {  	_ =	shalt  }
0x58: {  	_ =	shalt  }
0x59: {  	_ =	shalt  }
0x5a: {  	_ =	shalt  }
0x5b: {  	_ =	shalt  }
0x5c: {  	_ =	shalt  }
0x5d: {  	_ =	shalt  }
0x5e: {  	_ =	shalt  }
0x5f: {  	_ =	shalt  }
0x60: {  	_ =	shalt  }
0x61: {  	_ =	shalt  }
0x62: {  	_ =	shalt  }
0x63: {  	_ =	shalt  }
0x64: {  	_ =	shalt  }
0x65: {  	_ =	shalt  }
0x66: {  	_ =	shalt  }
0x67: {  	_ =	shalt  }
0x68: {  	_ =	shalt  }
0x69: {  	_ =	shalt  }
0x6a: {  	_ =	shalt  }
0x6b: {  	_ =	shalt  }
0x6c: {  	_ =	shalt  }
0x6d: {  	_ =	shalt  }
0x6e: {  	_ =	shalt  }
0x6f: {  	_ =	shalt  }
0x70: {  	_ =	shalt  }
0x71: {  	_ =	shalt  }
0x72: {  	_ =	shalt  }
0x73: {  	_ =	shalt  }
0x74: {  	_ =	shalt  }
0x75: {  	_ =	shalt  }
0x76: {  	_ =	shalt  }
0x77: {  	_ =	shalt  }
0x78: {  	_ =	shalt  }
0x79: {  	_ =	shalt  }
0x7a: {  	_ =	shalt  }
0x7b: {  	_ =	shalt  }
0x7c: {  	_ =	shalt  }
0x7d: {  	_ =	shalt  }
0x7e: {  	_ =	shalt  }
0x7f: {  	_ =	shalt  }
0x80: {  	_ =	shalt  }
0x81: {  	_ =	shalt  }
0x82: {  	_ =	shalt  }
0x83: {  	_ =	shalt  }
0x84: {  	_ =	shalt  }
0x85: {  	_ =	shalt  }
0x86: {  	_ =	shalt  }
0x87: {  	_ =	shalt  }
.Lfunc_end0:
.L_simem_size_0:
called_computation.2_lowered:
.L_overlay_start_0:
0x88: {  	s2 =	sld [smem:$0x3FD9]  }
0x89: {  	s3 =	sld [smem:$0x3FFE];
	_ =	sdelay $0x1  }
0x8a: {  	s1 =	srdreg.scid  }
0x8b: {  	s0 =	sand.u32 $0x1, s1  }
0x8c: {  	s14 =	sshll.u32 s0, $0xA;
	s2 =	sadd.s32 s3, s2  }
0x8d: {  	s2 =	sadd.s32 s2, s14  }
0x8e: {  	[smem:$0x3FC3] =	sst s2  }
0x8f: {  	_ = 	snop  }
0x90: {  	s2 =	sld [smem:$0x3FD0];
	_ =	sdelay $0x2  }
0x91: {  	s15 =	simm.s32 $0xB;
	s4 =	simm.s32 $0x10  }
0x92: {  	[smem:s4], [sflag:s15] =	dma.local [hbm:s2], $0x1  }
0x93: {  	_ =	swait.eq [sflag:s15], $0x1  }
0x94: {  	[sflag:s15] =	ssyncset.done $0x0  }
0x95: {  	s16 =	sld [smem:$0x10];
	[sflag:s15] =	ssyncadd.s32 $0xFFFFFFFF  }
0x96: {  	s17 =	sld [smem:$0x11];
	(tm) =	ssettm $0x1  }
0x97: {  	s18 =	sld [smem:$0x3FFB];
	_ =	sdelay $0x3  }
0x98: {  	_ =	strace s18  }
0x99: {  	s4 =	sld [smem:$0x3FFC];
	_ =	sdelay $0x3  }
0x9a: {  	_ =	strace s4  }
0x9b: {  	s4 =	sld [smem:$0x3FFD];
	_ =	sdelay $0x3  }
0x9c: {  	_ =	strace s4  }
0x9d: {  	_ =	strace $0x8FFFFFFF  }
0x9e: {  	s19 =	sld [smem:$0x3FDB];
	_ =	sdelay $0x1  }
0x9f: {  	s5 =	simm.s32 $_scs_section_size  }
0xa0: {  	s6 =	simm.s32 $_size__tile_overlayer_lowered;
	s7 =	simm.s32 $_tile_overlayer_lowered  }
0xa1: {  	s22 =	simm.s32 $0x1BFF;
	s21 =	sshll.u32 s7, $0x1;
	s4 =	sadd.s32 s5, s19  }
0xa2: {  	s8 =	simm.s32 $0x0;
	s20 =	sshll.u32 s6, $0x1;
	s6 =	sadd.s32 s21, s4  }
0xa3: {  	[timem:s8], [sflag:s22] =	dma.local [hbm:s6], s20  }
0xa4: {  	_ =	swait.ge [sflag:s22], s20  }
0xa5: {  	s5 =	ssub.s32 $0x0, s20;
	[sflag:s22] =	ssyncset.done $0x0  }
0xa6: {  	[sflag:s22] =	ssyncadd.s32 s5;
	_ =	sdelay $0x1  }
0xa7: {  	s23 =	simm.s32 $0x1B8B  }
0xa8: {  	_ =	swait.ge [sflag:s23], $0x1  }
0xa9: {  	[sflag:s23] =	ssyncset.done $0x0  }
0xaa: {  	s25 =	simm.s32 $0x1B8E;
	s24 =	sld [smem:$0x3FFE];
	[sflag:s23] =	ssyncadd.s32 $0xFFFFFFFF  }
0xab: {  	s26 =	simm.s32 $execute0_lowered;
	[smem:$0x3FD2] =	sst s25  }
0xac: {  	s6 =	sshll.u32 s26, $0x1;
	_ =	strace $0x8000004C;
	[dreg:$0x1] =	wrdreg $0xFFFFFFFF  }
0xad: {  	s28 =	simm.s32 $_size_execute0_lowered;
	s4 =	sadd.s32 s4, s6;
	[dreg:$0x0] =	wrdreg $0x0  }
0xae: {  	s6 =	sshll.u32 s28, $0x1;
	[dreg:$0x2] =	wrdreg s4  }
0xaf: {  	[dreg:$0x3] =	wrdreg s6  }
0xb0: {  	[dreg:$0x4] =	wrdreg $0xC0  }
0xb1: {  	_ =	task [dreg:s8], $0x5FFFF  }
0xb2: {  	[dreg:$0x1] =	wrdreg $0xFFFFFFFF  }
0xb3: {  	[dreg:$0x0] =	wrdreg $0x60  }
0xb4: {  	[dreg:$0x2] =	wrdreg s24  }
0xb5: {  	[dreg:$0x3] =	wrdreg s16  }
0xb6: {  	[dreg:$0x4] =	wrdreg s17  }
0xb7: {  	[dreg:$0x5] =	wrdreg $0x9  }
0xb8: {  	_ =	task.clear_ibuf [dreg:s8], $0x6FFFF;
	_ =	strace $0x9000004C  }
0xb9: {  	s29 =	simm.s32 $0x9;
	_ =	strace $0x8000004E  }
0xba: {  	_ =	swait.ge [sflag:s29], $0x1  }
0xbb: {  	[sflag:s29] =	ssyncadd.s32 $0xFFFFFFFF  }
0xbc: {  	_ =	strace $0x9000004E  }
0xbd: {  	_ =	sfence  }
0xbe: {  	s30 =	sld [smem:$0x0];
	_ =	sdelay $0x2  }
0xbf: {  	s31 =	sshll.u32 s1, $0xD;
	s1 =	sshrl.u32 s1, $0x2  }
0xc0: {  	s3 =	sand.u32 $0x4000, s31;
	s1 =	sadd.s32 s1, s30  }
0xc1: {  	s0 =	sor.u32 s3, s0;
	s1 =	sshll.u32 s1, $0x11  }
0xc2: {  	s0 =	sor.u32 s1, s0  }
0xc3: {  	s0 =	sadd.s32 $0x8F2B, s0  }
0xc4: {  	[sflag:s0] =	ssyncadd.remote.s32 $0x1  }
0xc5: {  	_ =	sfence.sel $0xFFFF  }
0xc6: {  	[dreg:$0x0] =	wrdreg $0xFFFFFFFF;
	(pc) =	sbr.abs _section_cstart, $3  }
0xc7: {  	[dreg:$0x1] =	wrdreg $0xFFFFFFFF  }
0xc8: {  	_ =	task.clear_ibuf [dreg:s8], $0x2FFFF;
	_ =	strace $0x9FFFFFFF  }
0xc9: {  	(tm) =	ssettm $0x7FFFFFFF  }
tec
execute0_lowered:
.L_overlay_start_1:
0x0: {  	(tag) =	ssettag $0x1  }
0x1: {  	s5 =	rddreg [dreg:$0x0]  }
0x2: {  	s8 =	rddreg [dreg:$0x1]  }
0x3: {  	s9 =	rddreg [dreg:$0x2]  }
0x4: {  	s0 =	rddreg [dreg:$0x3];
	s2 =	simm.s32 $0x0;
	s3 =	srdreg.scid  }
0x5: {  	s1 =	stileid.u32;
	s12 =	simm.s32 $0x200;
	s13 =	simm.s32 $0x400  }
0x6: {  	s14 =	simm.s32 $0x600;
	s15 =	simm.s32 $0x8600;
	s16 =	simm.s32 $0x10600  }
0x7: {  	s17 =	simm.s32 $0x1;
	s18 =	simm.s32 $0x2;
	s19 =	simm.s32 $0x3  }
0x8: {  	s20 =	simm.s32 $0x18600;
	s21 =	simm.s32 $0x18800;
	s22 =	simm.s32 $0x0  }
0x9: {  	[smem:$0x7FF] =	sst s2;
	s4 =	sand.u32 $0x1, s3;
	s6 =	sshll.u32 s1, $0x7  }
0xa: {  	s3 =	sadd.s32 $0x45400, s5;
	s7 =	sshll.u32 s4, $0x6;
	s10 =	ssub.s32 $0x2, s4  }
0xb: {  	_ =	strace $0x8000004D;
	s11 =	sor.u32 s7, s6;
	s31 =	sshrl.u32 s10, $0x1  }
0xc: {  	s4 =	sadd.s32 $0x4200, s5;
	s5 =	sadd.s32 s5, s11;
	s10 =	ssub.s32 s10, s31  }
0xd: {  	s8 =	sadd.s32 s8, s11;
	s9 =	sadd.s32 s9, s11;
	s11 =	simm.s32 $0x4  }
0xe: {  	vm0 =	vcmask $0x3F3C;
	s6 =	sadd.s32 $0x65400, s5;
	s7 =	sadd.s32 $0x800, s5;
	s10 =	smax.u32 s10, $0x1  }
.LBB2_1:
0xf: {  	[tilespmem:s2], [sflag:$0x4] =	stream.linear.gather [hbm4b:s5+s2], $0x200, $0x38;
	[tilespmem:$0x18A00] =	vst v63  }
0x10: {  	_ =	swait.ge [sflag:s11], $0x200  }
0x11: {  	[sflag:s11] =	ssyncset.done $0x0  }
0x12: {  	[sflag:s11] =	ssyncadd.s32 $0xFFFFFE00  }
0x13: {  	[tilespmem:s12], [sflag:$0x4] =	stream.linear.gather [hbm4b:s6+s2], $0x200, $0x38;
	[tilespmem:$0x18A00] =	vst v63  }
0x14: {  	_ =	swait.ge [sflag:s11], $0x200  }
0x15: {  	[sflag:s11] =	ssyncset.done $0x0  }
0x16: {  	[sflag:s11] =	ssyncadd.s32 $0xFFFFFE00  }
0x17: {  	[tilespmem:s13], [sflag:$0x4] =	stream.linear.gather [hbm4b:s7+s2], $0x200, $0x38;
	[tilespmem:$0x18A00] =	vst v63  }
0x18: {  	_ =	swait.ge [sflag:s11], $0x200  }
0x19: {  	[sflag:s11] =	ssyncset.done $0x0  }
0x1a: {  	[sflag:s11] =	ssyncadd.s32 $0xFFFFFE00  }
0x1b: {  	[tilespmem:s14], [sflag:$0x1] =	stream.indirect.gather [hbm4b:s3+s12], $0x40, s2, s12, $0xb8;
	[tilespmem:$0x18A00] =	vst v63  }
0x1c: {  	_ = 	snop  }
0x1d: {  	[tilespmem:s15], [sflag:$0x2] =	stream.indirect.gather [hbm4b:s4+s12], $0x40, s12, s12, $0xb8;
	[tilespmem:$0x18A00] =	vst v63  }
0x1e: {  	_ = 	snop  }
0x1f: {  	[tilespmem:s16], [sflag:$0x3] =	stream.indirect.gather [hbm4b:s4+s12], $0x40, s13, s12, $0xb8;
	[tilespmem:$0x18A00] =	vst v63  }
0x20: {  	_ =	swait.ge [sflag:s17], $0x8000  }
0x21: {  	[sflag:s17] =	ssyncset.done $0x0  }
0x22: {  	[sflag:s17] =	ssyncadd.s32 $0xFFFF8000  }
0x23: {  	_ =	swait.ge [sflag:s18], $0x8000  }
0x24: {  	[sflag:s18] =	ssyncset.done $0x0  }
0x25: {  	[sflag:s18] =	ssyncadd.s32 $0xFFFF8000  }
0x26: {  	_ =	swait.ge [sflag:s19], $0x8000  }
0x27: {  	[sflag:s19] =	ssyncset.done $0x0  }
0x28: {  	s24 =	simm.s32 $0x8620;
	[sflag:s19] =	ssyncadd.s32 $0xFFFF8000  }
0x29: {  	v0 =	vld [tilespmem:s24+$0x10]  }
0x2a: {  	v1 =	vld [tilespmem:s24+$0x0]  }
0x2b: {  	v5 =	vld [tilespmem:s24+$0xFFFFFFE0]  }
0x2c: {  	s25 =	simm.s32 $0x620;
	v6 =	vld [tilespmem:s24+$0xFFFFFFF0]  }
0x2d: {  	v3 =	vld [tilespmem:s25+$0xFFFFFFE0]  }
0x2e: {  	s26 =	simm.s32 $0x10620;
	v4 =	vld [tilespmem:s25+$0xFFFFFFF0]  }
0x2f: {  	v7 =	vld [tilespmem:s26+$0xFFFFFFF0]  }
0x30: {  	v2 =	vld [tilespmem:s25+$0x0]  }
0x31: {  	s28 =	simm.s32 $0x1;
	s23 =	simm.s32 $0x0;
	v8 =	vld [tilespmem:s26+$0xFFFFFFE0]  }
.LBB2_2:
0x32: {  	p0 =	sne.s32 s28, $0x1FF;
	v9 =	vld [tilespmem:s25+$0x10]  }
0x33: {  	v5 =	vmul.f32 v5, v3;
	v10 =	vld [tilespmem:s26+$0x0];
	v6 =	vmul.f32 v6, v4;
	_ =	sdelay $0x1  }
0x34: {  	v11 =	vld [tilespmem:s26+$0x10];
	v5 =	vadd.f32 v6, v5;
	v1 =	vmul.f32 v1, v2  }
0x35: {  	v4 =	vmul.f32 v7, v4;
	v3 =	vmul.f32 v8, v3  }
0x36: {  	v1 =	vadd.f32 v1, v5;
	v0 =	vmul.f32 v0, v9  }
0x37: {  	v3 =	vadd.f32 v4, v3;
	v2 =	vmul.f32 v10, v2  }
0x38: {  	v0 =	vadd.f32 v0, v1  }
0x39: {  	v1 =	vadd.f32 v2, v3;
	v2 =	vmul.f32 v11, v9  }
0x3a: {  	(xrf2) =	vadd.scan.msk.f32 $0xffff, v0  }
0x3b: {  	v0 =	vadd.f32 v2, v1;
	_ =	sdelay $0x1  }
0x3c: {  	(xrf2) =	vadd.scan.msk.f32 $0xffff, v0;
	_ =	sdelay $0x4  }
0x3d: {  	v0 =	vmov s23;
	s23 =	smov.u32 s28;
	_ =	sdelay $0x1  }
0x3e: {  	v1, _, _ =	vpop (xrf2);
	_ =	sdelay $0x2  }
0x3f: {  	[tilespmem:v0+s20+$0x0] =	vst.idx.msk vm0, v1;
	v1, _, _ =	vpop (xrf2)  }
0x40: {  	s24 =	sadd.s32 $0x40, s24;
	[tilespmem:v0+s21+$0x0] =	vst.idx.msk vm0, v1  }
0x41: {  	v0 =	vld [tilespmem:s24+$0x10]  }
0x42: {  	v1 =	vld [tilespmem:s24+$0x0]  }
0x43: {  	v5 =	vld [tilespmem:s24+$0xFFFFFFE0]  }
0x44: {  	s25 =	sadd.s32 $0x40, s25;
	v6 =	vld [tilespmem:s24+$0xFFFFFFF0]  }
.Ltmp0:
0x45: {  	v3 =	vld [tilespmem:s25+$0xFFFFFFE0];
	(pc) =	sbr.rel @p0 .LBB2_2-.Ltmp0, $4  }
0x46: {  	s26 =	sadd.s32 $0x40, s26;
	v4 =	vld [tilespmem:s25+$0xFFFFFFF0]  }
0x47: {  	v7 =	vld [tilespmem:s26+$0xFFFFFFF0]  }
0x48: {  	v2 =	vld [tilespmem:s25+$0x0]  }
0x49: {  	s28 =	sadd.s32 $0x1, s28;
	v8 =	vld [tilespmem:s26+$0xFFFFFFE0]  }
0x4a: {  	_ = 	snop  }
0x4b: {  	v9 =	vld [tilespmem:s26+$0x0]  }
0x4c: {  	v10 =	vld [tilespmem:s25+$0x10]  }
0x4d: {  	v5 =	vmul.f32 v5, v3;
	v11 =	vld [tilespmem:s26+$0x10];
	v6 =	vmul.f32 v6, v4  }
0x4e: {  	v57 =	vmul.f32 v7, v4;
	v56 =	vmul.f32 v8, v3  }
0x4f: {  	v5 =	vadd.f32 v6, v5;
	v1 =	vmul.f32 v1, v2  }
0x50: {  	v58 =	vmul.f32 v9, v2;
	v3 =	vadd.f32 v57, v56  }
0x51: {  	v1 =	vadd.f32 v1, v5;
	v0 =	vmul.f32 v0, v10  }
0x52: {  	v59 =	vmul.f32 v11, v10;
	v2 =	vadd.f32 v58, v3  }
0x53: {  	v0 =	vadd.f32 v0, v1  }
0x54: {  	v60 =	vadd.f32 v59, v2  }
0x55: {  	(xrf2) =	vadd.scan.msk.f32 $0xffff, v0  }
0x56: {  	(xrf2) =	vadd.scan.msk.f32 $0xffff, v60;
	_ =	sdelay $0x4  }
0x57: {  	v61 =	vmov s23;
	_ =	sdelay $0x3  }
0x58: {  	v62, _, _ =	vpop (xrf2)  }
0x59: {  	[tilespmem:v61+s20+$0x0] =	vst.idx.msk vm0, v62;
	v63, _, _ =	vpop (xrf2)  }
0x5a: {  	[tilespmem:v61+s21+$0x0] =	vst.idx.msk vm0, v63  }
0x5b: {  	[hbm4b:s8+s2] =	stream.linear.scatter [tilespmem:s20], [sflag:$0x4], $0x200, $0x38;
	[tilespmem:$0x18A00] =	vst v63  }
0x5c: {  	s22 =	sadd.s32 $0x1, s22;
	_ =	swait.ge [sflag:s11], $0x200  }
0x5d: {  	p0 =	sne.s32 s22, s10;
	[sflag:s11] =	ssyncset.done $0x0  }
.Ltmp1:
0x5e: {  	[sflag:s11] =	ssyncadd.s32 $0xFFFFFE00;
	(pc) =	sbr.rel @p0 .LBB2_1-.Ltmp1, $4  }
0x5f: {  	[hbm4b:s9+s2] =	stream.linear.scatter [tilespmem:s21], [sflag:$0x4], $0x200, $0x38;
	[tilespmem:$0x18A00] =	vst v63  }
0x60: {  	_ =	swait.ge [sflag:s11], $0x200  }
0x61: {  	[sflag:s11] =	ssyncset.done $0x0  }
0x62: {  	[sflag:s11] =	ssyncadd.s32 $0xFFFFFE00  }
0x63: {  	_ =	sfence.sel $0x180000  }
0x64: {  	[bflag:$0x0] =	sbarrier.arrive $0xFFFF  }
0x65: {  	p0 =	sne.s32 s1, $0x0;
	_ =	strace $0x9000004D  }
0x66: {  	s0 =	sadd.s32 @!p0 $0x100000, s0;
	[bflag:$0x2] =	sbarrier.arrive $0xFFFF  }
0x67: {  	[sflag:s0] =	ssyncadd.tile.s32 @!p0 $0x1;
	_ =	shalt  }
.Lfunc_end2:
_tile_overlayer_lowered:
.L_overlay_start_2:
0x68: {  	(tag) =	ssettag $0x2  }
0x69: {  	s0 =	rddreg [dreg:$0x0];
	s2 =	stileid.u32  }
0x6a: {  	s1 =	rddreg [dreg:$0x1];
	p0 =	sne.s32 s2, $0x0  }
0x6b: {  	s3 =	rddreg [dreg:$0x2];
	[bflag:$0x3] =	sbarrier.arrive $0xFFFF;
	s2 =	simm.s32 @!p0 $0x1C04  }
0x6c: {  	[timem:s3], [sflag:s2] =	dma.local @!p0 [hbm:s0], s1  }
0x6d: {  	s0 =	simm.s32 @!p0 $0x4  }
0x6e: {  	_ =	swait.ge @!p0 [sflag:s0], s1  }
0x6f: {  	s1 =	ssub.s32 @!p0 $0x0, s1;
	[sflag:s0] =	ssyncset.done @!p0 $0x0  }
0x70: {  	[sflag:s0] =	ssyncadd.s32 @!p0 s1  }
0x71: {  	[bflag:$0x3] =	sbarrier.arrive $0xFFFF  }
0x72: {  	_ =	shalt  }

// kernel: kernel.5.cloned.1.call-start
scs
__scs_entry_jumppad:
0x0: {  	(pc) =	sbr.rel $0x88, $3  }
0x1: {  	(tag) =	ssettag $0x0;
	lr =	simm.s32 $0x1  }
0x2: {  	[smem:$0x3F9C] =	sst lr;
	_ =	strace $0xD0000000  }
0x3: {  	_ = 	snop  }
0x4: {  	_ = 	snop  }
0x5: {  	_ = 	snop  }
0x6: {  	_ = 	snop  }
0x7: {  	_ = 	snop  }
__scs_overlays_trampoline_lowered:
0x8: {  	[smem:$0x3FAB] =	sst s0  }
0x9: {  	[smem:$0x3FAC] =	sst s1  }
0xa: {  	[smem:$0x3FAD] =	sst s2  }
0xb: {  	[smem:$0x3FAE] =	sst s3  }
0xc: {  	[smem:$0x3FAF] =	sst s4  }
0xd: {  	[smem:$0x3FB0] =	sst s5  }
0xe: {  	[smem:$0x3FB1] =	sst s6  }
0xf: {  	[smem:$0x3FB2] =	sst s7  }
0x10: {  	[smem:$0x3FB3] =	sst s8  }
0x11: {  	[smem:$0x3FB4] =	sst s9;
	s0 =	simm.s32 @!p0 $0x0  }
0x12: {  	s1 =	sld [smem:$0x3F9A];
	s0 =	simm.s32 @p0 $0x1  }
0x13: {  	[smem:$0x3FB5] =	sst s0;
	s0 =	simm.s32 @!p1 $0x0  }
0x14: {  	s2 =	sld [smem:$0x3F99];
	s0 =	simm.s32 @p1 $0x1  }
0x15: {  	[smem:$0x3FB6] =	sst s0;
	s0 =	simm.s32 @!p2 $0x0  }
0x16: {  	s3 =	sld [smem:$0x3FDB];
	s0 =	simm.s32 @p2 $0x1  }
0x17: {  	s4 =	simm.s32 $0x1BF5;
	[smem:$0x3FB8] =	sst s0  }
0x18: {  	s0 =	sld [smem:$0x3F9B];
	_ =	swait.ge [sflag:s4], $0x0  }
0x19: {  	s7 =	sld [smem:$0x3F9C]  }
0x1a: {  	s8 =	sadd.s32 $0xFFFFE003, lr  }
0x1b: {  	s9 =	sadd.s32 $0xFFFFFEF7, lr;
	s5 =	simm.s32 $0xFFFFFFFF;
	p2 =	slt.u32 s8, $0xFFFFF086  }
0x1c: {  	p1 =	slt.u32 s9, $0xF7A;
	s5 =	simm.s32 @!p2 $0x0  }
0x1d: {  	s5 =	simm.s32 @p1 $0x1;
	p0 =	seq.s32 s7, s2  }
0x1e: {  	s7 =	smul.u32 @!p0 $0xF7A, s2;
	p2 =	seq.s32 @!p0 s5, $0x0  }
0x1f: {  	s9 =	smul.u32 $0xF7A, s1;
	s8 =	simm.s32 @!p0 $0x1BF5;
	p2 =	por !p2, p0  }
0x20: {  	[sflag:s8] =	ssyncset.s32 @!p0 $0xFFFFF086;
	s6 =	sadd.s32 @!p0 s3, s7;
	s7 =	simm.s32 @!p0 $0x108  }
0x21: {  	s3 =	sadd.s32 s3, s9;
	s6 =	sadd.s32 @!p0 $0x88, s6;
	s7 =	simm.s32 @p2 $0x1082  }
0x22: {  	[simem:s7], [sflag:s8] =	dma.local @!p0 [hbm:s6], $0xF7A  }
0x23: {  	s9 =	sor.u32 $0xD0000000, s2;
	s6 =	simm.s32 $0x108;
	_ =	swait.ge @!p0 [sflag:s8], $0x0  }
0x24: {  	s3 =	sadd.s32 $0x88, s3;
	s6 =	simm.s32 @!p1 $0x1082;
	[sflag:s4] =	ssyncset.s32 $0xFFFFF086  }
0x25: {  	[simem:s6], [sflag:s4] =	dma.local [hbm:s3], $0xF7A  }
0x26: {  	[smem:$0x3F9C] =	sst s1;
	(tag) =	ssettag s2;
	_ =	strace s9  }
0x27: {  	s1 =	sld [smem:$0x3FAC]  }
0x28: {  	s2 =	sld [smem:$0x3FAD]  }
0x29: {  	s4 =	sld [smem:$0x3FAF]  }
0x2a: {  	p0 =	seq.s32 s5, $0x0;
	s5 =	sld [smem:$0x3FB0]  }
0x2b: {  	s6 =	sld [smem:$0x3FB1]  }
0x2c: {  	s7 =	sld [smem:$0x3FB2]  }
0x2d: {  	s3 =	simm.s32 $0x108;
	s8 =	sld [smem:$0x3FB3]  }
0x2e: {  	s3 =	simm.s32 @!p0 $0x1082;
	s9 =	sld [smem:$0x3FB4]  }
0x2f: {  	lr =	sadd.s32 s0, s3;
	s0 =	sld [smem:$0x3FAB]  }
0x30: {  	s3 =	sld [smem:$0x3FAE]  }
0x31: {  	[smem:$0x3FB7] =	sst s10  }
0x32: {  	s10 =	sld [smem:$0x3FB5];
	_ =	sdelay $0x3  }
0x33: {  	p0 =	seq.s32 s10, $0x1;
	s10 =	sld [smem:$0x3FB7];
	_ =	sdelay $0x3  }
0x34: {  	[smem:$0x3FB7] =	sst s10  }
0x35: {  	s10 =	sld [smem:$0x3FB6];
	_ =	sdelay $0x3  }
0x36: {  	p1 =	seq.s32 s10, $0x1;
	s10 =	sld [smem:$0x3FB7];
	_ =	sdelay $0x3  }
0x37: {  	[smem:$0x3FB7] =	sst s10  }
0x38: {  	s10 =	sld [smem:$0x3FB8]  }
0x39: {  	_ = 	snop;
	(pc) =	sbr.ind lr, $3  }
0x3a: {  	_ = 	snop  }
0x3b: {  	_ = 	snop  }
0x3c: {  	p2 =	seq.s32 s10, $0x1;
	s10 =	sld [smem:$0x3FB7]  }
0x3d: {  	_ =	shalt  }
0x3e: {  	_ =	shalt  }
0x3f: {  	_ =	shalt  }
0x40: {  	_ =	shalt  }
0x41: {  	_ =	shalt  }
0x42: {  	_ =	shalt  }
0x43: {  	_ =	shalt  }
0x44: {  	_ =	shalt  }
0x45: {  	_ =	shalt  }
0x46: {  	_ =	shalt  }
0x47: {  	_ =	shalt  }
0x48: {  	_ =	shalt  }
0x49: {  	_ =	shalt  }
0x4a: {  	_ =	shalt  }
0x4b: {  	_ =	shalt  }
0x4c: {  	_ =	shalt  }
0x4d: {  	_ =	shalt  }
0x4e: {  	_ =	shalt  }
0x4f: {  	_ =	shalt  }
0x50: {  	_ =	shalt  }
0x51: {  	_ =	shalt  }
0x52: {  	_ =	shalt  }
0x53: {  	_ =	shalt  }
0x54: {  	_ =	shalt  }
0x55: {  	_ =	shalt  }
0x56: {  	_ =	shalt  }
0x57: {  	_ =	shalt  }
0x58: {  	_ =	shalt  }
0x59: {  	_ =	shalt  }
0x5a: {  	_ =	shalt  }
0x5b: {  	_ =	shalt  }
0x5c: {  	_ =	shalt  }
0x5d: {  	_ =	shalt  }
0x5e: {  	_ =	shalt  }
0x5f: {  	_ =	shalt  }
0x60: {  	_ =	shalt  }
0x61: {  	_ =	shalt  }
0x62: {  	_ =	shalt  }
0x63: {  	_ =	shalt  }
0x64: {  	_ =	shalt  }
0x65: {  	_ =	shalt  }
0x66: {  	_ =	shalt  }
0x67: {  	_ =	shalt  }
0x68: {  	_ =	shalt  }
0x69: {  	_ =	shalt  }
0x6a: {  	_ =	shalt  }
0x6b: {  	_ =	shalt  }
0x6c: {  	_ =	shalt  }
0x6d: {  	_ =	shalt  }
0x6e: {  	_ =	shalt  }
0x6f: {  	_ =	shalt  }
0x70: {  	_ =	shalt  }
0x71: {  	_ =	shalt  }
0x72: {  	_ =	shalt  }
0x73: {  	_ =	shalt  }
0x74: {  	_ =	shalt  }
0x75: {  	_ =	shalt  }
0x76: {  	_ =	shalt  }
0x77: {  	_ =	shalt  }
0x78: {  	_ =	shalt  }
0x79: {  	_ =	shalt  }
0x7a: {  	_ =	shalt  }
0x7b: {  	_ =	shalt  }
0x7c: {  	_ =	shalt  }
0x7d: {  	_ =	shalt  }
0x7e: {  	_ =	shalt  }
0x7f: {  	_ =	shalt  }
0x80: {  	_ =	shalt  }
0x81: {  	_ =	shalt  }
0x82: {  	_ =	shalt  }
0x83: {  	_ =	shalt  }
0x84: {  	_ =	shalt  }
0x85: {  	_ =	shalt  }
0x86: {  	_ =	shalt  }
0x87: {  	_ =	shalt  }
.Lfunc_end0:
.L_simem_size_0:
called_computation_lowered:
.L_overlay_start_0:
0x88: {  	s2 =	sld [smem:$0x3FD9]  }
0x89: {  	s3 =	sld [smem:$0x3FFE];
	_ =	sdelay $0x1  }
0x8a: {  	s1 =	srdreg.scid  }
0x8b: {  	s0 =	sand.u32 $0x1, s1  }
0x8c: {  	s15 =	sshll.u32 s0, $0xA;
	s2 =	sadd.s32 s3, s2  }
0x8d: {  	s2 =	sadd.s32 s2, s15  }
0x8e: {  	[smem:$0x3FC3] =	sst s2  }
0x8f: {  	_ = 	snop  }
0x90: {  	s16 =	sld [smem:$0x3FD0];
	_ =	sdelay $0x2  }
0x91: {  	s4 =	simm.s32 $0xB;
	s5 =	simm.s32 $0x10;
	s2 =	sld [smem:$0x3FC6]  }
0x92: {  	[smem:s5], [sflag:s4] =	dma.local [hbm:s16], $0x1  }
0x93: {  	_ =	swait.eq [sflag:s4], $0x1  }
0x94: {  	[sflag:s4] =	ssyncset.done $0x0  }
0x95: {  	[sflag:s4] =	ssyncadd.s32 $0xFFFFFFFF  }
0x96: {  	s17 =	sld [smem:$0x11];
	(tm) =	ssettm $0x1  }
0x97: {  	s18 =	sld [smem:$0x3FFB];
	_ =	sdelay $0x3  }
0x98: {  	_ =	strace s18  }
0x99: {  	s3 =	sld [smem:$0x3FFC];
	_ =	sdelay $0x3  }
0x9a: {  	_ =	strace s3  }
0x9b: {  	s3 =	sld [smem:$0x3FFD];
	_ =	sdelay $0x3  }
0x9c: {  	_ =	strace s3  }
0x9d: {  	_ =	strace $0x8FFFFFFF  }
0x9e: {  	s19 =	sld [smem:$0x3FDB];
	_ =	sdelay $0x1  }
0x9f: {  	s20 =	simm.s32 $_scs_section_size  }
0xa0: {  	s6 =	simm.s32 $_size__tile_overlayer_lowered;
	s7 =	simm.s32 $_tile_overlayer_lowered  }
0xa1: {  	s8 =	simm.s32 $0x1BFF;
	s21 =	sshll.u32 s7, $0x1;
	s5 =	sadd.s32 s20, s19  }
0xa2: {  	s22 =	simm.s32 $0x0;
	s6 =	sshll.u32 s6, $0x1;
	s7 =	sadd.s32 s21, s5  }
0xa3: {  	[timem:s22], [sflag:s8] =	dma.local [hbm:s7], s6  }
0xa4: {  	_ =	swait.ge [sflag:s8], s6  }
0xa5: {  	s6 =	ssub.s32 $0x0, s6;
	[sflag:s8] =	ssyncset.done $0x0  }
0xa6: {  	[sflag:s8] =	ssyncadd.s32 s6;
	_ =	sdelay $0x1  }
0xa7: {  	s23 =	simm.s32 $0x1B8B  }
0xa8: {  	_ =	swait.ge [sflag:s23], $0x1  }
0xa9: {  	[sflag:s23] =	ssyncset.done $0x0  }
0xaa: {  	[sflag:s23] =	ssyncadd.s32 $0xFFFFFFFF  }
0xab: {  	s6 =	sld [smem:$0x0]  }
0xac: {  	s7 =	sand.u32 $0xFFFFFFFE, s1  }
0xad: {  	p0 =	sne.s32 s1, s7  }
0xae: {  	s7 =	sshll.u32 @p0 s7, $0xE  }
0xaf: {  	s7 =	sadd.s32 @p0 $0x11B8D, s7;
	s8 =	sshll.u32 @p0 s6, $0x11  }
0xb0: {  	s7 =	sor.u32 @p0 s8, s7  }
0xb1: {  	[sflag:s7] =	ssyncadd.remote.s32 @p0 $0x1;
	_ =	sdelay $0x1  }
0xb2: {  	s7 =	simm.s32 @p0 $0x1B8D  }
0xb3: {  	_ =	swait.eq @p0 [sflag:s7], $0x1  }
0xb4: {  	[sflag:s7] =	ssyncadd.s32 @p0 $0xFFFFFFFF  }
0xb5: {  	s8 =	sshll.u32 @!p0 s1, $0xE  }
0xb6: {  	s8 =	sor.u32 @!p0 $0x4000, s8;
	s7 =	simm.s32 @!p0 $0x1B8D  }
0xb7: {  	s6 =	sshll.u32 @!p0 s6, $0x11;
	s8 =	sadd.s32 @!p0 $0x11B8D, s8;
	_ =	swait.eq @!p0 [sflag:s7], $0x1  }
0xb8: {  	s6 =	sor.u32 @!p0 s6, s8;
	[sflag:s7] =	ssyncadd.s32 @!p0 $0xFFFFFFFF  }
0xb9: {  	s25 =	simm.s32 $0x1B8E;
	s24 =	sld [smem:$0x3FFE];
	[sflag:s6] =	ssyncadd.remote.s32 @!p0 $0x1  }
0xba: {  	s26 =	simm.s32 $execute0_lowered;
	[smem:$0x3FD2] =	sst s25  }
0xbb: {  	s7 =	sshll.u32 s26, $0x1;
	_ =	strace $0x80000049;
	[dreg:$0x1] =	wrdreg $0xFFFFFFFF  }
0xbc: {  	s28 =	simm.s32 $_size_execute0_lowered;
	s5 =	sadd.s32 s5, s7;
	[dreg:$0x0] =	wrdreg $0x0  }
0xbd: {  	s7 =	sshll.u32 s28, $0x1;
	[dreg:$0x2] =	wrdreg s5  }
0xbe: {  	[dreg:$0x3] =	wrdreg s7  }
0xbf: {  	[dreg:$0x4] =	wrdreg $0xC0  }
0xc0: {  	_ =	task [dreg:s22], $0x5FFFF  }
0xc1: {  	[dreg:$0x1] =	wrdreg $0xFFFFFFFF  }
0xc2: {  	[dreg:$0x0] =	wrdreg $0x60  }
0xc3: {  	[dreg:$0x2] =	wrdreg s17  }
0xc4: {  	[dreg:$0x3] =	wrdreg s24  }
0xc5: {  	[dreg:$0x4] =	wrdreg s2  }
0xc6: {  	[dreg:$0x5] =	wrdreg $0x9  }
0xc7: {  	_ =	task.clear_ibuf [dreg:s22], $0x6FFFF;
	_ =	strace $0x90000049  }
0xc8: {  	s29 =	simm.s32 $0x9;
	_ =	strace $0x8000004B  }
0xc9: {  	_ =	swait.ge [sflag:s29], $0x1  }
0xca: {  	[sflag:s29] =	ssyncadd.s32 $0xFFFFFFFF  }
0xcb: {  	_ =	strace $0x9000004B  }
0xcc: {  	_ =	sfence  }
0xcd: {  	s30 =	sld [smem:$0x0];
	_ =	sdelay $0x2  }
0xce: {  	s31 =	sshll.u32 s1, $0xD;
	s1 =	sshrl.u32 s1, $0x2  }
0xcf: {  	s4 =	sand.u32 $0x4000, s31;
	s1 =	sadd.s32 s1, s30  }
0xd0: {  	s0 =	sor.u32 s4, s0;
	s1 =	sshll.u32 s1, $0x11  }
0xd1: {  	s0 =	sor.u32 s1, s0  }
0xd2: {  	s0 =	sadd.s32 $0x8F2B, s0  }
0xd3: {  	[sflag:s0] =	ssyncadd.remote.s32 $0x1  }
0xd4: {  	_ =	sfence.sel $0xFFFF  }
0xd5: {  	[dreg:$0x0] =	wrdreg $0xFFFFFFFF;
	(pc) =	sbr.abs _section_cstart, $3  }
0xd6: {  	[dreg:$0x1] =	wrdreg $0xFFFFFFFF  }
0xd7: {  	_ =	task.clear_ibuf [dreg:s22], $0x2FFFF;
	_ =	strace $0x9FFFFFFF  }
0xd8: {  	(tm) =	ssettm $0x7FFFFFFF  }
0xd9: {  	_ =	shalt  }
tec
execute0_lowered:
.L_overlay_start_1:
0x0: {  	(tag) =	ssettag $0x1  }
0x1: {  	s7 =	rddreg [dreg:$0x0]  }
0x2: {  	s6 =	rddreg [dreg:$0x1]  }
0x3: {  	s2 =	rddreg [dreg:$0x2];
	s3 =	srdreg.scid  }
0x4: {  	s0 =	rddreg [dreg:$0x3];
	s1 =	stileid.u32;
	s12 =	simm.s32 $0x400  }
0x5: {  	s13 =	simm.s32 $0x1;
	s14 =	simm.s32 $0x680;
	s15 =	simm.s32 $0x2  }
0x6: {  	s16 =	simm.s32 $0x0;
	s5 =	sand.u32 $0x1, s3;
	s3 =	simm.s32 $0x0  }
0x7: {  	s4 =	sshll.u32 s1, $0xA;
	s8 =	sshll.u32 s5, $0x9;
	[smem:$0x7FF] =	sst s3  }
.Ltmp0:
0x8: {  	s9 =	ssub.s32 $0x2, s5;
	s5 =	sadd.s32 $0x44A00, s6;
	(pc) =	sbr.rel .LBB2_1-.Ltmp0, $4  }
0x9: {  	v0 =	vlaneseq.u32;
	s4 =	sor.u32 s8, s4;
	_ =	strace $0x8000004A;
	s11 =	sshrl.u32 s9, $0x1  }
0xa: {  	v1 =	vmul.u32 $0x80, v0;
	s8 =	sshrl.u32 s4, $0x3;
	s9 =	ssub.s32 s9, s11;
	s11 =	simm.s32 $0x200  }
0xb: {  	vm0 =	vmmov $0x1;
	vm1 =	vmmov $0x7fff;
	s10 =	sadd.s32 s8, s6;
	s6 =	sadd.s32 $0x45400, s6;
	s7 =	sadd.s32 s7, s8  }
0xc: {  	v2 =	vor.u32 $0x800, v1;
	v3 =	vor.u32 $0x1000, v1;
	v4 =	vor.u32 $0x1800, v1;
	s9 =	smax.u32 s9, $0x1;
	s8 =	sadd.s32 $0x44200, s10;
	s10 =	simm.s32 $0x3  }
.LBB2_9:
0xd: {  	s16 =	sadd.s32 $0x1, s16  }
0xe: {  	_ =	swait.ge [sflag:s15], $0x1000;
	p0 =	sne.s32 s16, s9  }
.Ltmp1:
0xf: {  	[sflag:s15] =	ssyncset.done $0x0;
	(pc) =	sbr.rel @!p0 .LBB2_10-.Ltmp1, $4  }
0x10: {  	[sflag:s15] =	ssyncadd.s32 $0xFFFFF000  }
0x11: {  	_ =	swait.ge [sflag:s15], $0x1000  }
0x12: {  	[sflag:s15] =	ssyncset.done $0x0  }
0x13: {  	[sflag:s15] =	ssyncadd.s32 $0xFFFFF000  }
.LBB2_1:
0x14: {  	[tilespmem:s3], [sflag:$0x3] =	stream.linear.gather [hbm4b:s7+s3], $0x200, $0x38;
	[tilespmem:$0x12680] =	vst v63  }
0x15: {  	_ =	swait.ge [sflag:s10], $0x200  }
0x16: {  	[sflag:s10] =	ssyncset.done $0x0  }
0x17: {  	[sflag:s10] =	ssyncadd.s32 $0xFFFFFE00  }
0x18: {  	[tilespmem:s11], [sflag:$0x3] =	stream.linear.gather [hbm4b:s8+s3], $0x200, $0x38;
	[tilespmem:$0x12680] =	vst v63  }
0x19: {  	_ =	swait.ge [sflag:s10], $0x200  }
0x1a: {  	[sflag:s10] =	ssyncset.done $0x0  }
0x1b: {  	[sflag:s10] =	ssyncadd.s32 $0xFFFFFE00  }
0x1c: {  	v5 =	vld [tilespmem:$0x200];
	_ =	sdelay $0x1  }
0x1d: {  	v6 =	vld [tilespmem:$0x3F0];
	_ =	sdelay $0x2  }
0x1e: {  	v5 =	vnsel vm0, $0x0, v5  }
0x1f: {  	(xrf0) =	vadd.scan.msk.s32 $0xffff, v5  }
0x20: {  	v5 =	vsel vm1, $0x0, v6  }
0x21: {  	(xrf0) =	vadd.scan.msk.s32 $0xffff, v5;
	_ =	sdelay $0x3  }
0x22: {  	v5, _, _ =	vpop (xrf0)  }
0x23: {  	(v2sf) =	vpush v5, $0xF  }
0x24: {  	v5, _, _ =	vpop (xrf0)  }
0x25: {  	(v2sf) =	vpush v5, $0xF;
	_ =	sdelay $0xc  }
0x26: {  	s17 =	spop (v2sf)  }
0x27: {  	s18 =	sshrl.u32 s17, $0x4  }
0x28: {  	s20 =	spop (v2sf);
	s18 =	sadd.s32 s5, s18  }
0x29: {  	[tilespmem:s12], [sflag:$0x3] =	stream.linear.gather [hbm4b:s18+s3], $0x208, $0x38;
	[tilespmem:$0x12680] =	vst v63  }
0x2a: {  	_ =	swait.ge [sflag:s10], $0x208  }
0x2b: {  	s19 =	sshrl.u32 s17, $0x1;
	s17 =	sshrl.u32 s20, $0x1;
	[sflag:s10] =	ssyncset.done $0x0  }
0x2c: {  	p0 =	sgt.u32 s19, s17;
	[sflag:s10] =	ssyncadd.s32 $0xFFFFFDF8  }
0x2d: {  	v5 =	vld @!p0 [tilespmem:$0x400];
	_ =	sdelay $0x1  }
0x2e: {  	s18 =	sand.u32 @!p0 $0x7, s19  }
0x2f: {  	v7 =	vlaneseq.u32 @!p0;
	v6 =	vmov @!p0 s18  }
0x30: {  	vm2 =	veq.s32 @!p0 v6, v7  }
0x31: {  	v5 =	vnsel @!p0 vm2, $0x0, v5  }
0x32: {  	(xrf0) =	vadd.scan.msk.s32 @!p0 $0xffff, v5;
	_ =	sdelay $0x5  }
0x33: {  	v5, _, _ =	vpop @!p0 (xrf0)  }
0x34: {  	(v2sf) =	vpush @!p0 v5, $0xF;
	_ =	sdelay $0xe  }
0x35: {  	s20 =	spop @!p0 (v2sf)  }
0x36: {  	s18 =	sshll.u32 @!p0 s19, $0xD;
	s20 =	sshll.u32 @!p0 s20, $0x7  }
0x37: {  	s21 =	simm.s32 @!p0 $0x400;
	s18 =	sand.u32 @!p0 $0xE000, s18;
	s20 =	sand.u32 @!p0 $0x1FFFFF80, s20  }
0x38: {  	s22 =	simm.s32 @!p0 $0x7A1400;
	s18 =	sor.u32 @!p0 $0x680, s18;
	s20 =	sadd.s32 @!p0 s2, s20  }
0x39: {  	[tilespmem:s18], [sflag:$0x1] =	stream.strided.gather @!p0 [hbm4b:s20+s21], $0x2000, s22, s21, $0x38;
	[tilespmem:$0x12680] =	vst v63  }
0x3a: {  	s20 =	sadd.s32 $0x1, s19  }
0x3b: {  	s18 =	sand.u32 $0x7FFFFFF8, s19;
	p0 =	sgt.s32 s20, s17  }
0x3c: {  	s21 =	ssub.s32 @!p0 s20, s18  }
0x3d: {  	p1 =	sne.s32 @!p0 s20, s18;
	s22 =	sshra.s32 @!p0 s21, $0x1F  }
0x3e: {  	s24 =	simm.s32 @!p0 $0x1;
	p1 =	por !p1, p0;
	s23 =	sshrl.u32 @!p0 s22, $0x1C  }
0x3f: {  	s24 =	simm.s32 @p1 $0x0;
	s23 =	sadd.s32 @!p0 s23, s21  }
0x40: {  	s22 =	sor.u32 @!p0 s24, s22;
	s25 =	sand.u32 @!p0 $0xFFFFFFF0, s23  }
0x41: {  	p1 =	sne.s32 @!p0 s22, $0x1;
	p2 =	sne.s32 @!p0 s21, s25  }
0x42: {  	p1 =	por @!p0 !p2, !p1  }
0x43: {  	p1 =	por @!p0 !p1, !p1  }
0x44: {  	s22 =	simm.s32 @!p0 $0x1;
	p1 =	por !p1, p0  }
0x45: {  	s23 =	sshrl.u32 @!p0 s23, $0x4;
	s22 =	simm.s32 @p1 $0x0  }
0x46: {  	s22 =	ssub.s32 @!p0 s23, s22  }
0x47: {  	s22 =	sshll.u32 @!p0 s22, $0x6  }
0x48: {  	s22 =	sshra.s32 @!p0 s22, $0x2  }
0x49: {  	v5 =	vld @!p0 [tilespmem:s22+$0x400];
	_ =	sdelay $0x1  }
0x4a: {  	s21 =	sand.u32 @!p0 $0xF, s21  }
0x4b: {  	v7 =	vlaneseq.u32 @!p0;
	v6 =	vmov @!p0 s21  }
0x4c: {  	vm2 =	veq.s32 @!p0 v6, v7  }
0x4d: {  	v5 =	vnsel @!p0 vm2, $0x0, v5  }
0x4e: {  	(xrf0) =	vadd.scan.msk.s32 @!p0 $0xffff, v5;
	_ =	sdelay $0x5  }
0x4f: {  	v5, _, _ =	vpop @!p0 (xrf0)  }
0x50: {  	(v2sf) =	vpush @!p0 v5, $0xF;
	_ =	sdelay $0xe  }
0x51: {  	s20 =	sshll.u32 @!p0 s20, $0xD;
	s21 =	spop @!p0 (v2sf)  }
0x52: {  	s20 =	sand.u32 @!p0 $0xE000, s20;
	s21 =	sshll.u32 @!p0 s21, $0x7  }
0x53: {  	s20 =	sor.u32 @!p0 $0x680, s20;
	s21 =	sand.u32 @!p0 $0x1FFFFF80, s21  }
0x54: {  	s23 =	simm.s32 @!p0 $0x7A1400;
	s22 =	simm.s32 @!p0 $0x400;
	s21 =	sadd.s32 @!p0 s2, s21  }
0x55: {  	[tilespmem:s20], [sflag:$0x1] =	stream.strided.gather @!p0 [hbm4b:s21+s22], $0x2000, s23, s22, $0x38;
	[tilespmem:$0x12680] =	vst v63  }
0x56: {  	s20 =	sadd.s32 $0x2, s19  }
0x57: {  	p0 =	sgt.s32 s20, s17  }
0x58: {  	s21 =	ssub.s32 @!p0 s20, s18  }
0x59: {  	p1 =	sne.s32 @!p0 s20, s18;
	s22 =	sshra.s32 @!p0 s21, $0x1F  }
0x5a: {  	s24 =	simm.s32 @!p0 $0x1;
	p1 =	por !p1, p0;
	s23 =	sshrl.u32 @!p0 s22, $0x1C  }
0x5b: {  	s24 =	simm.s32 @p1 $0x0;
	s23 =	sadd.s32 @!p0 s23, s21  }
0x5c: {  	s22 =	sor.u32 @!p0 s24, s22;
	s25 =	sand.u32 @!p0 $0xFFFFFFF0, s23  }
0x5d: {  	p1 =	sne.s32 @!p0 s22, $0x1;
	p2 =	sne.s32 @!p0 s21, s25  }
0x5e: {  	p1 =	por @!p0 !p2, !p1  }
0x5f: {  	p1 =	por @!p0 !p1, !p1  }
0x60: {  	s22 =	simm.s32 @!p0 $0x1;
	p1 =	por !p1, p0  }
0x61: {  	s23 =	sshrl.u32 @!p0 s23, $0x4;
	s22 =	simm.s32 @p1 $0x0  }
0x62: {  	s22 =	ssub.s32 @!p0 s23, s22  }
0x63: {  	s22 =	sshll.u32 @!p0 s22, $0x6  }
0x64: {  	s22 =	sshra.s32 @!p0 s22, $0x2  }
0x65: {  	v5 =	vld @!p0 [tilespmem:s22+$0x400];
	_ =	sdelay $0x1  }
0x66: {  	s21 =	sand.u32 @!p0 $0xF, s21  }
0x67: {  	v7 =	vlaneseq.u32 @!p0;
	v6 =	vmov @!p0 s21  }
0x68: {  	vm2 =	veq.s32 @!p0 v6, v7  }
0x69: {  	v5 =	vnsel @!p0 vm2, $0x0, v5  }
0x6a: {  	(xrf0) =	vadd.scan.msk.s32 @!p0 $0xffff, v5;
	_ =	sdelay $0x5  }
0x6b: {  	v5, _, _ =	vpop @!p0 (xrf0)  }
0x6c: {  	(v2sf) =	vpush @!p0 v5, $0xF;
	_ =	sdelay $0xe  }
0x6d: {  	s20 =	sshll.u32 @!p0 s20, $0xD;
	s21 =	spop @!p0 (v2sf)  }
0x6e: {  	s20 =	sand.u32 @!p0 $0xE000, s20;
	s21 =	sshll.u32 @!p0 s21, $0x7  }
0x6f: {  	s20 =	sor.u32 @!p0 $0x680, s20;
	s21 =	sand.u32 @!p0 $0x1FFFFF80, s21  }
0x70: {  	s23 =	simm.s32 @!p0 $0x7A1400;
	s22 =	simm.s32 @!p0 $0x400;
	s21 =	sadd.s32 @!p0 s2, s21  }
0x71: {  	[tilespmem:s20], [sflag:$0x1] =	stream.strided.gather @!p0 [hbm4b:s21+s22], $0x2000, s23, s22, $0x38;
	[tilespmem:$0x12680] =	vst v63  }
0x72: {  	s20 =	sadd.s32 $0x3, s19  }
0x73: {  	p0 =	sgt.s32 s20, s17  }
0x74: {  	s21 =	ssub.s32 @!p0 s20, s18  }
0x75: {  	p1 =	sne.s32 @!p0 s20, s18;
	s22 =	sshra.s32 @!p0 s21, $0x1F  }
0x76: {  	s24 =	simm.s32 @!p0 $0x1;
	p1 =	por !p1, p0;
	s23 =	sshrl.u32 @!p0 s22, $0x1C  }
0x77: {  	s24 =	simm.s32 @p1 $0x0;
	s23 =	sadd.s32 @!p0 s23, s21  }
0x78: {  	s22 =	sor.u32 @!p0 s24, s22;
	s25 =	sand.u32 @!p0 $0xFFFFFFF0, s23  }
0x79: {  	p1 =	sne.s32 @!p0 s22, $0x1;
	p2 =	sne.s32 @!p0 s21, s25  }
0x7a: {  	p1 =	por @!p0 !p2, !p1  }
0x7b: {  	p1 =	por @!p0 !p1, !p1  }
0x7c: {  	s22 =	simm.s32 @!p0 $0x1;
	p1 =	por !p1, p0  }
0x7d: {  	s23 =	sshrl.u32 @!p0 s23, $0x4;
	s22 =	simm.s32 @p1 $0x0  }
0x7e: {  	s22 =	ssub.s32 @!p0 s23, s22  }
0x7f: {  	s22 =	sshll.u32 @!p0 s22, $0x6  }
0x80: {  	s22 =	sshra.s32 @!p0 s22, $0x2  }
0x81: {  	v5 =	vld @!p0 [tilespmem:s22+$0x400];
	_ =	sdelay $0x1  }
0x82: {  	s21 =	sand.u32 @!p0 $0xF, s21  }
0x83: {  	v7 =	vlaneseq.u32 @!p0;
	v6 =	vmov @!p0 s21  }
0x84: {  	vm2 =	veq.s32 @!p0 v6, v7  }
0x85: {  	v5 =	vnsel @!p0 vm2, $0x0, v5  }
0x86: {  	(xrf0) =	vadd.scan.msk.s32 @!p0 $0xffff, v5;
	_ =	sdelay $0x5  }
0x87: {  	v5, _, _ =	vpop @!p0 (xrf0)  }
0x88: {  	(v2sf) =	vpush @!p0 v5, $0xF;
	_ =	sdelay $0xe  }
0x89: {  	s20 =	sshll.u32 @!p0 s20, $0xD;
	s21 =	spop @!p0 (v2sf)  }
0x8a: {  	s20 =	sand.u32 @!p0 $0xE000, s20;
	s21 =	sshll.u32 @!p0 s21, $0x7  }
0x8b: {  	s20 =	sor.u32 @!p0 $0x680, s20;
	s21 =	sand.u32 @!p0 $0x1FFFFF80, s21  }
0x8c: {  	s23 =	simm.s32 @!p0 $0x7A1400;
	s22 =	simm.s32 @!p0 $0x400;
	s21 =	sadd.s32 @!p0 s2, s21  }
0x8d: {  	[tilespmem:s20], [sflag:$0x1] =	stream.strided.gather @!p0 [hbm4b:s21+s22], $0x2000, s23, s22, $0x38;
	[tilespmem:$0x12680] =	vst v63  }
0x8e: {  	s20 =	sadd.s32 $0x4, s19  }
0x8f: {  	p0 =	sgt.s32 s20, s17  }
0x90: {  	s21 =	ssub.s32 @!p0 s20, s18  }
0x91: {  	p1 =	sne.s32 @!p0 s20, s18;
	s22 =	sshra.s32 @!p0 s21, $0x1F  }
0x92: {  	s24 =	simm.s32 @!p0 $0x1;
	p1 =	por !p1, p0;
	s23 =	sshrl.u32 @!p0 s22, $0x1C  }
0x93: {  	s24 =	simm.s32 @p1 $0x0;
	s23 =	sadd.s32 @!p0 s23, s21  }
0x94: {  	s22 =	sor.u32 @!p0 s24, s22;
	s25 =	sand.u32 @!p0 $0xFFFFFFF0, s23  }
0x95: {  	p1 =	sne.s32 @!p0 s22, $0x1;
	p2 =	sne.s32 @!p0 s21, s25  }
0x96: {  	p1 =	por @!p0 !p2, !p1  }
0x97: {  	p1 =	por @!p0 !p1, !p1  }
0x98: {  	s22 =	simm.s32 @!p0 $0x1;
	p1 =	por !p1, p0  }
0x99: {  	s23 =	sshrl.u32 @!p0 s23, $0x4;
	s22 =	simm.s32 @p1 $0x0  }
0x9a: {  	s22 =	ssub.s32 @!p0 s23, s22  }
0x9b: {  	s22 =	sshll.u32 @!p0 s22, $0x6  }
0x9c: {  	s22 =	sshra.s32 @!p0 s22, $0x2  }
0x9d: {  	v5 =	vld @!p0 [tilespmem:s22+$0x400];
	_ =	sdelay $0x1  }
0x9e: {  	s21 =	sand.u32 @!p0 $0xF, s21  }
0x9f: {  	v7 =	vlaneseq.u32 @!p0;
	v6 =	vmov @!p0 s21  }
0xa0: {  	vm2 =	veq.s32 @!p0 v6, v7  }
0xa1: {  	v5 =	vnsel @!p0 vm2, $0x0, v5  }
0xa2: {  	(xrf0) =	vadd.scan.msk.s32 @!p0 $0xffff, v5;
	_ =	sdelay $0x5  }
0xa3: {  	v5, _, _ =	vpop @!p0 (xrf0)  }
0xa4: {  	(v2sf) =	vpush @!p0 v5, $0xF;
	_ =	sdelay $0xe  }
0xa5: {  	s20 =	sshll.u32 @!p0 s20, $0xD;
	s21 =	spop @!p0 (v2sf)  }
0xa6: {  	s20 =	sand.u32 @!p0 $0xE000, s20;
	s21 =	sshll.u32 @!p0 s21, $0x7  }
0xa7: {  	s20 =	sor.u32 @!p0 $0x680, s20;
	s21 =	sand.u32 @!p0 $0x1FFFFF80, s21  }
0xa8: {  	s23 =	simm.s32 @!p0 $0x7A1400;
	s22 =	simm.s32 @!p0 $0x400;
	s21 =	sadd.s32 @!p0 s2, s21  }
0xa9: {  	[tilespmem:s20], [sflag:$0x1] =	stream.strided.gather @!p0 [hbm4b:s21+s22], $0x2000, s23, s22, $0x38;
	[tilespmem:$0x12680] =	vst v63  }
0xaa: {  	s20 =	sadd.s32 $0x5, s19  }
0xab: {  	p0 =	sgt.s32 s20, s17  }
0xac: {  	s21 =	ssub.s32 @!p0 s20, s18  }
0xad: {  	p1 =	sne.s32 @!p0 s20, s18;
	s22 =	sshra.s32 @!p0 s21, $0x1F  }
0xae: {  	s24 =	simm.s32 @!p0 $0x1;
	p1 =	por !p1, p0;
	s23 =	sshrl.u32 @!p0 s22, $0x1C  }
0xaf: {  	s24 =	simm.s32 @p1 $0x0;
	s23 =	sadd.s32 @!p0 s23, s21  }
0xb0: {  	s22 =	sor.u32 @!p0 s24, s22;
	s25 =	sand.u32 @!p0 $0xFFFFFFF0, s23  }
0xb1: {  	p1 =	sne.s32 @!p0 s22, $0x1;
	p2 =	sne.s32 @!p0 s21, s25  }
0xb2: {  	p1 =	por @!p0 !p2, !p1  }
0xb3: {  	p1 =	por @!p0 !p1, !p1  }
0xb4: {  	s22 =	simm.s32 @!p0 $0x1;
	p1 =	por !p1, p0  }
0xb5: {  	s23 =	sshrl.u32 @!p0 s23, $0x4;
	s22 =	simm.s32 @p1 $0x0  }
0xb6: {  	s22 =	ssub.s32 @!p0 s23, s22  }
0xb7: {  	s22 =	sshll.u32 @!p0 s22, $0x6  }
0xb8: {  	s22 =	sshra.s32 @!p0 s22, $0x2  }
0xb9: {  	v5 =	vld @!p0 [tilespmem:s22+$0x400];
	_ =	sdelay $0x1  }
0xba: {  	s21 =	sand.u32 @!p0 $0xF, s21  }
0xbb: {  	v7 =	vlaneseq.u32 @!p0;
	v6 =	vmov @!p0 s21  }
0xbc: {  	vm2 =	veq.s32 @!p0 v6, v7  }
0xbd: {  	v5 =	vnsel @!p0 vm2, $0x0, v5  }
0xbe: {  	(xrf0) =	vadd.scan.msk.s32 @!p0 $0xffff, v5;
	_ =	sdelay $0x5  }
0xbf: {  	v5, _, _ =	vpop @!p0 (xrf0)  }
0xc0: {  	(v2sf) =	vpush @!p0 v5, $0xF;
	_ =	sdelay $0xe  }
0xc1: {  	s20 =	sshll.u32 @!p0 s20, $0xD;
	s21 =	spop @!p0 (v2sf)  }
0xc2: {  	s20 =	sand.u32 @!p0 $0xE000, s20;
	s21 =	sshll.u32 @!p0 s21, $0x7  }
0xc3: {  	s19 =	sadd.s32 $0x6, s19;
	s20 =	sor.u32 @!p0 $0x680, s20;
	s21 =	sand.u32 @!p0 $0x1FFFFF80, s21  }
0xc4: {  	s23 =	simm.s32 @!p0 $0x7A1400;
	s22 =	simm.s32 @!p0 $0x400;
	s21 =	sadd.s32 @!p0 s2, s21  }
0xc5: {  	[tilespmem:s20], [sflag:$0x1] =	stream.strided.gather @!p0 [hbm4b:s21+s22], $0x2000, s23, s22, $0x38;
	[tilespmem:$0x12680] =	vst v63  }
0xc6: {  	p0 =	sgt.s32 s19, s17  }
0xc7: {  	s20 =	ssub.s32 @!p0 s19, s18  }
0xc8: {  	p1 =	sne.s32 @!p0 s19, s18;
	s21 =	sshra.s32 @!p0 s20, $0x1F  }
0xc9: {  	s23 =	simm.s32 @!p0 $0x1;
	p1 =	por !p1, p0;
	s22 =	sshrl.u32 @!p0 s21, $0x1C  }
0xca: {  	s23 =	simm.s32 @p1 $0x0;
	s22 =	sadd.s32 @!p0 s22, s20  }
0xcb: {  	s21 =	sor.u32 @!p0 s23, s21;
	s24 =	sand.u32 @!p0 $0xFFFFFFF0, s22  }
0xcc: {  	p1 =	sne.s32 @!p0 s21, $0x1;
	p2 =	sne.s32 @!p0 s20, s24  }
0xcd: {  	p1 =	por @!p0 !p2, !p1  }
0xce: {  	p1 =	por @!p0 !p1, !p1  }
0xcf: {  	s21 =	simm.s32 @!p0 $0x1;
	p1 =	por !p1, p0  }
0xd0: {  	s22 =	sshrl.u32 @!p0 s22, $0x4;
	s21 =	simm.s32 @p1 $0x0  }
0xd1: {  	s21 =	ssub.s32 @!p0 s22, s21  }
0xd2: {  	s21 =	sshll.u32 @!p0 s21, $0x6  }
0xd3: {  	s21 =	sshra.s32 @!p0 s21, $0x2  }
0xd4: {  	v5 =	vld @!p0 [tilespmem:s21+$0x400];
	_ =	sdelay $0x1  }
0xd5: {  	s20 =	sand.u32 @!p0 $0xF, s20  }
0xd6: {  	v7 =	vlaneseq.u32 @!p0;
	v6 =	vmov @!p0 s20  }
0xd7: {  	vm2 =	veq.s32 @!p0 v6, v7  }
0xd8: {  	v5 =	vnsel @!p0 vm2, $0x0, v5  }
0xd9: {  	(xrf0) =	vadd.scan.msk.s32 @!p0 $0xffff, v5;
	_ =	sdelay $0x5  }
0xda: {  	v5, _, _ =	vpop @!p0 (xrf0)  }
0xdb: {  	(v2sf) =	vpush @!p0 v5, $0xF;
	_ =	sdelay $0xe  }
0xdc: {  	s19 =	sshll.u32 @!p0 s19, $0xD;
	s20 =	spop @!p0 (v2sf)  }
.Ltmp2:
0xdd: {  	s19 =	sand.u32 @!p0 $0xE000, s19;
	s20 =	sshll.u32 @!p0 s20, $0x7;
	(pc) =	sbr.rel .LBB2_2-.Ltmp2, $4  }
0xde: {  	s19 =	sor.u32 @!p0 $0x680, s19;
	s20 =	sand.u32 @!p0 $0x1FFFFF80, s20  }
0xdf: {  	s22 =	simm.s32 @!p0 $0x7A1400;
	s21 =	simm.s32 @!p0 $0x400;
	s20 =	sadd.s32 @!p0 s2, s20  }
0xe0: {  	[tilespmem:s19], [sflag:$0x1] =	stream.strided.gather @!p0 [hbm4b:s20+s21], $0x2000, s22, s21, $0x38;
	[tilespmem:$0x12680] =	vst v63  }
0xe1: {  	s19 =	simm.s32 $0x0;
	s20 =	simm.s32 $0x0  }
.LBB2_8:
0xe2: {  	s20 =	sadd.s32 $0x1, s20  }
0xe3: {  	p0 =	sne.s32 s20, $0x200  }
.Ltmp3:
0xe4: {  	_ = 	snop;
	(pc) =	sbr.rel @!p0 .LBB2_9-.Ltmp3, $2  }
0xe5: {  	_ =	sdelay $0x2  }
0xe6: {  	s19 =	sadd.s32 $0x2, s19  }
.LBB2_2:
0xe7: {  	s21 =	sand.u32 $0x3F, s20;
	p0 =	slt.u32 s20, $0x80  }
0xe8: {  	p1 =	sne.s32 @!p0 s21, $0x0  }
0xe9: {  	p0 =	por p1, p0  }
0xea: {  	s22 =	simm.s32 @!p0 $0x2  }
0xeb: {  	_ =	swait.ge @!p0 [sflag:s22], $0x1000  }
0xec: {  	[sflag:s22] =	ssyncset.done @!p0 $0x0  }
0xed: {  	[sflag:s22] =	ssyncadd.s32 @!p0 $0xFFFFF000;
	s22 =	sand.u32 $0x1F0, s20  }
0xee: {  	v5 =	vld [tilespmem:s22+$0x200];
	_ =	sdelay $0x1  }
0xef: {  	s23 =	sand.u32 $0xF, s20  }
0xf0: {  	v6 =	vmov s23  }
0xf1: {  	vm2 =	veq.s32 v6, v0  }
0xf2: {  	v5 =	vnsel vm2, $0x0, v5  }
0xf3: {  	(xrf0) =	vadd.scan.msk.s32 $0xffff, v5;
	_ =	sdelay $0x5  }
0xf4: {  	v5, _, _ =	vpop (xrf0)  }
0xf5: {  	(v2sf) =	vpush v5, $0xF;
	_ =	sdelay $0xe  }
0xf6: {  	s31 =	spop (v2sf)  }
0xf7: {  	s24 =	sand.u32 $0x1, s31  }
0xf8: {  	p6 =	seq.s32 s20, $0x0;
	p5 =	seq.s32 s24, $0x1  }
0xf9: {  	p0 =	por p6, p5  }
.Ltmp4:
0xfa: {  	_ = 	snop;
	(pc) =	sbr.rel @!p0 .LBB2_4-.Ltmp4, $2  }
0xfb: {  	_ =	sdelay $0x2  }
0xfc: {  	s23 =	sshrl.u32 s31, $0x1  }
0xfd: {  	s24 =	sadd.s32 $0x7, s23  }
0xfe: {  	p0 =	sgt.s32 s24, s17  }
0xff: {  	s25 =	ssub.s32 @!p0 s24, s18  }
0x100: {  	p1 =	sne.s32 @!p0 s24, s18;
	s26 =	sshra.s32 @!p0 s25, $0x1F  }
0x101: {  	s29 =	simm.s32 @!p0 $0x1;
	p1 =	por !p1, p0;
	s28 =	sshrl.u32 @!p0 s26, $0x1C  }
0x102: {  	s29 =	simm.s32 @p1 $0x0;
	s28 =	sadd.s32 @!p0 s28, s25  }
0x103: {  	s26 =	sor.u32 @!p0 s29, s26;
	s30 =	sand.u32 @!p0 $0xFFFFFFF0, s28  }
0x104: {  	p1 =	sne.s32 @!p0 s26, $0x1;
	p2 =	sne.s32 @!p0 s25, s30  }
0x105: {  	p1 =	por @!p0 !p2, !p1  }
0x106: {  	p1 =	por @!p0 !p1, !p1  }
0x107: {  	s26 =	simm.s32 @!p0 $0x1;
	p1 =	por !p1, p0  }
0x108: {  	s28 =	sshrl.u32 @!p0 s28, $0x4;
	s26 =	simm.s32 @p1 $0x0  }
0x109: {  	_ =	swait.ge [sflag:s13], $0x2000;
	s26 =	ssub.s32 @!p0 s28, s26  }
0x10a: {  	[sflag:s13] =	ssyncset.done $0x0;
	s26 =	sshll.u32 @!p0 s26, $0x6  }
0x10b: {  	[sflag:s13] =	ssyncadd.s32 $0xFFFFE000;
	s26 =	sshra.s32 @!p0 s26, $0x2  }
0x10c: {  	v5 =	vld @!p0 [tilespmem:s26+$0x400];
	_ =	sdelay $0x1  }
0x10d: {  	s25 =	sand.u32 @!p0 $0xF, s25  }
0x10e: {  	v7 =	vlaneseq.u32 @!p0;
	v6 =	vmov @!p0 s25  }
0x10f: {  	vm3 =	veq.s32 @!p0 v6, v7  }
0x110: {  	v5 =	vnsel @!p0 vm3, $0x0, v5  }
0x111: {  	(xrf0) =	vadd.scan.msk.s32 @!p0 $0xffff, v5;
	_ =	sdelay $0x5  }
0x112: {  	v5, _, _ =	vpop @!p0 (xrf0)  }
0x113: {  	(v2sf) =	vpush @!p0 v5, $0xF;
	_ =	sdelay $0xe  }
0x114: {  	s24 =	sshll.u32 @!p0 s24, $0xD;
	s25 =	spop @!p0 (v2sf)  }
0x115: {  	s24 =	sand.u32 @!p0 $0xE000, s24;
	s25 =	sshll.u32 @!p0 s25, $0x7  }
0x116: {  	s24 =	sor.u32 @!p0 $0x680, s24;
	s25 =	sand.u32 @!p0 $0x1FFFFF80, s25  }
0x117: {  	s28 =	simm.s32 @!p0 $0x7A1400;
	s26 =	simm.s32 @!p0 $0x400;
	s25 =	sadd.s32 @!p0 s2, s25  }
0x118: {  	[tilespmem:s24], [sflag:$0x1] =	stream.strided.gather @!p0 [hbm4b:s25+s26], $0x2000, s28, s26, $0x38;
	[tilespmem:$0x12680] =	vst v63  }
.LBB2_4:
0x119: {  	v5 =	vld [tilespmem:s22+$0x0];
	_ =	sdelay $0x4  }
0x11a: {  	v5 =	vnsel vm2, $0x0, v5  }
0x11b: {  	(xrf0) =	vadd.scan.msk.s32 $0xffff, v5;
	_ =	sdelay $0x5  }
0x11c: {  	v5, _, _ =	vpop (xrf0)  }
0x11d: {  	(v2sf) =	vpush v5, $0xF;
	_ =	sdelay $0xe  }
0x11e: {  	s29 =	sand.u32 $0x7, s23;
	s30 =	spop (v2sf)  }
0x11f: {  	s22 =	sshll.u32 s29, $0xD;
	s23 =	sand.u32 $0x7F, s30  }
0x120: {  	s22 =	sor.u32 s22, s23  }
0x121: {  	v5 =	vor.u32 s22, v1;
	_ =	sdelay $0x4  }
0x122: {  	v5 =	vld.idx.msk [tilespmem:v5+s14+$0x0], $0xffff  }
0x123: {  	s31 =	sshll.u32 s20, $0x6;
	s24 =	sshll.u32 s20, $0x7;
	v6 =	vor.u32 s22, v2  }
0x124: {  	s25 =	sshll.u32 s20, $0x1;
	s24 =	sand.u32 $0x1F00, s24;
	s23 =	sand.u32 $0x40, s31  }
0x125: {  	s25 =	sand.u32 $0x80, s25;
	s23 =	sor.u32 s23, s24  }
0x126: {  	s23 =	sor.u32 s25, s23  }
0x127: {  	[tilespmem:s23+$0x10680] =	vst v5  }
0x128: {  	v5 =	vld.idx.msk [tilespmem:v6+s14+$0x0], $0xffff  }
0x129: {  	v6 =	vor.u32 s22, v3;
	_ =	sdelay $0x2  }
0x12a: {  	s23 =	sadd.s32 $0x10680, s23  }
0x12b: {  	[tilespmem:s23+$0x10] =	vst v5  }
0x12c: {  	v5 =	vld.idx.msk [tilespmem:v6+s14+$0x0], $0xffff  }
0x12d: {  	v6 =	vor.u32 s22, v4;
	_ =	sdelay $0x3  }
0x12e: {  	[tilespmem:s23+$0x20] =	vst v5  }
0x12f: {  	p0 =	sne.s32 s21, $0x3F;
	v5 =	vld.idx.msk [tilespmem:v6+s14+$0x0], $0xffff  }
.Ltmp5:
0x130: {  	_ = 	snop;
	(pc) =	sbr.rel @p0 .LBB2_8-.Ltmp5, $2  }
0x131: {  	_ =	sdelay $0x2  }
0x132: {  	[tilespmem:s23+$0x30] =	vst v5  }
0x133: {  	s21 =	sadd.s32 s4, s20  }
0x134: {  	s21 =	sshll.u32 s21, $0x6  }
0x135: {  	s21 =	sadd.s32 $0xFFFFF040, s21  }
0x136: {  	s22 =	sand.u32 $0x80, s19;
	s23 =	sshrl.u32 s21, $0x3  }
0x137: {  	s21 =	sadd.s32 $0x10680, s22;
	s22 =	sadd.s32 s6, s23  }
0x138: {  	s23 =	simm.s32 $0x10;
	s24 =	sadd.s32 $0x100, s21;
	s25 =	sadd.s32 $0x0, s22  }
.LBB2_6:
0x139: {  	[hbm4b:s25+s3] =	stream.linear.scatter [tilespmem:s21], [sflag:$0x2], $0x80, $0x38;
	[tilespmem:$0x12680] =	vst v63  }
0x13a: {  	s25 =	smov.u32 s23;
	s21 =	smov.u32 s24;
	p0 =	sne.s32 s23, $0x1F0  }
.Ltmp6:
0x13b: {  	s23 =	sadd.s32 $0x10, s23;
	(pc) =	sbr.rel @p0 .LBB2_6-.Ltmp6, $2  }
0x13c: {  	_ =	sdelay $0x2  }
0x13d: {  	s24 =	sadd.s32 $0x100, s24;
	s25 =	sadd.s32 s25, s22  }
.Ltmp7:
0x13e: {  	(pc) =	sbr.rel .LBB2_8-.Ltmp7, $2  }
0x13f: {  	_ =	sdelay $0x2  }
0x140: {  	[hbm4b:s25+s3] =	stream.linear.scatter [tilespmem:s21], [sflag:$0x2], $0x80, $0x38;
	[tilespmem:$0x12680] =	vst v63  }
.LBB2_10:
0x141: {  	_ =	sfence.sel $0x180000  }
0x142: {  	[bflag:$0x0] =	sbarrier.arrive $0xFFFF  }
0x143: {  	p0 =	sne.s32 s1, $0x0;
	_ =	strace $0x9000004A  }
0x144: {  	s0 =	sadd.s32 @!p0 $0x100000, s0;
	[bflag:$0x2] =	sbarrier.arrive $0xFFFF  }
0x145: {  	[sflag:s0] =	ssyncadd.tile.s32 @!p0 $0x1;
	_ =	shalt  }
.Lfunc_end2:
_tile_overlayer_lowered:
.L_overlay_start_2:
0x146: {  	(tag) =	ssettag $0x2  }
0x147: {  	s0 =	rddreg [dreg:$0x0];
	s2 =	stileid.u32  }
0x148: {  	s1 =	rddreg [dreg:$0x1];
	p0 =	sne.s32 s2, $0x0  }
0x149: {  	s3 =	rddreg [dreg:$0x2];
	[bflag:$0x3] =	sbarrier.arrive $0xFFFF;
	s2 =	simm.s32 @!p0 $0x1C03  }
0x14a: {  	[timem:s3], [sflag:s2] =	dma.local @!p0 [hbm:s0], s1  }
0x14b: {  	s0 =	simm.s32 @!p0 $0x3  }
0x14c: {  	_ =	swait.ge @!p0 [sflag:s0], s1  }
0x14d: {  	s1 =	ssub.s32 @!p0 $0x0, s1;
	[sflag:s0] =	ssyncset.done @!p0 $0x0  }
0x14e: {  	[sflag:s0] =	ssyncadd.s32 @!p0 s1  }
0x14f: {  	[bflag:$0x3] =	sbarrier.arrive $0xFFFF  }
0x150: {  	_ =	shalt  }

// kernel: kernel.8.cloned.1.call-start
scs
__scs_entry_jumppad:
0x0: {  	(pc) =	sbr.rel $0x88, $3  }
0x1: {  	(tag) =	ssettag $0x0;
	lr =	simm.s32 $0x1  }
0x2: {  	[smem:$0x3F9C] =	sst lr;
	_ =	strace $0xD0000000  }
0x3: {  	_ = 	snop  }
0x4: {  	_ = 	snop  }
0x5: {  	_ = 	snop  }
0x6: {  	_ = 	snop  }
0x7: {  	_ = 	snop  }
__scs_overlays_trampoline_lowered:
0x8: {  	[smem:$0x3FAB] =	sst s0  }
0x9: {  	[smem:$0x3FAC] =	sst s1  }
0xa: {  	[smem:$0x3FAD] =	sst s2  }
0xb: {  	[smem:$0x3FAE] =	sst s3  }
0xc: {  	[smem:$0x3FAF] =	sst s4  }
0xd: {  	[smem:$0x3FB0] =	sst s5  }
0xe: {  	[smem:$0x3FB1] =	sst s6  }
0xf: {  	[smem:$0x3FB2] =	sst s7  }
0x10: {  	[smem:$0x3FB3] =	sst s8  }
0x11: {  	[smem:$0x3FB4] =	sst s9;
	s0 =	simm.s32 @!p0 $0x0  }
0x12: {  	s1 =	sld [smem:$0x3F9A];
	s0 =	simm.s32 @p0 $0x1  }
0x13: {  	[smem:$0x3FB5] =	sst s0;
	s0 =	simm.s32 @!p1 $0x0  }
0x14: {  	s2 =	sld [smem:$0x3F99];
	s0 =	simm.s32 @p1 $0x1  }
0x15: {  	[smem:$0x3FB6] =	sst s0;
	s0 =	simm.s32 @!p2 $0x0  }
0x16: {  	s3 =	sld [smem:$0x3FDB];
	s0 =	simm.s32 @p2 $0x1  }
0x17: {  	s4 =	simm.s32 $0x1BF5;
	[smem:$0x3FB8] =	sst s0  }
0x18: {  	s0 =	sld [smem:$0x3F9B];
	_ =	swait.ge [sflag:s4], $0x0  }
0x19: {  	s7 =	sld [smem:$0x3F9C]  }
0x1a: {  	s8 =	sadd.s32 $0xFFFFE003, lr  }
0x1b: {  	s9 =	sadd.s32 $0xFFFFFEF7, lr;
	s5 =	simm.s32 $0xFFFFFFFF;
	p2 =	slt.u32 s8, $0xFFFFF086  }
0x1c: {  	p1 =	slt.u32 s9, $0xF7A;
	s5 =	simm.s32 @!p2 $0x0  }
0x1d: {  	s5 =	simm.s32 @p1 $0x1;
	p0 =	seq.s32 s7, s2  }
0x1e: {  	s7 =	smul.u32 @!p0 $0xF7A, s2;
	p2 =	seq.s32 @!p0 s5, $0x0  }
0x1f: {  	s9 =	smul.u32 $0xF7A, s1;
	s8 =	simm.s32 @!p0 $0x1BF5;
	p2 =	por !p2, p0  }
0x20: {  	[sflag:s8] =	ssyncset.s32 @!p0 $0xFFFFF086;
	s6 =	sadd.s32 @!p0 s3, s7;
	s7 =	simm.s32 @!p0 $0x108  }
0x21: {  	s3 =	sadd.s32 s3, s9;
	s6 =	sadd.s32 @!p0 $0x88, s6;
	s7 =	simm.s32 @p2 $0x1082  }
0x22: {  	[simem:s7], [sflag:s8] =	dma.local @!p0 [hbm:s6], $0xF7A  }
0x23: {  	s9 =	sor.u32 $0xD0000000, s2;
	s6 =	simm.s32 $0x108;
	_ =	swait.ge @!p0 [sflag:s8], $0x0  }
0x24: {  	s3 =	sadd.s32 $0x88, s3;
	s6 =	simm.s32 @!p1 $0x1082;
	[sflag:s4] =	ssyncset.s32 $0xFFFFF086  }
0x25: {  	[simem:s6], [sflag:s4] =	dma.local [hbm:s3], $0xF7A  }
0x26: {  	[smem:$0x3F9C] =	sst s1;
	(tag) =	ssettag s2;
	_ =	strace s9  }
0x27: {  	s1 =	sld [smem:$0x3FAC]  }
0x28: {  	s2 =	sld [smem:$0x3FAD]  }
0x29: {  	s4 =	sld [smem:$0x3FAF]  }
0x2a: {  	p0 =	seq.s32 s5, $0x0;
	s5 =	sld [smem:$0x3FB0]  }
0x2b: {  	s6 =	sld [smem:$0x3FB1]  }
0x2c: {  	s7 =	sld [smem:$0x3FB2]  }
0x2d: {  	s3 =	simm.s32 $0x108;
	s8 =	sld [smem:$0x3FB3]  }
0x2e: {  	s3 =	simm.s32 @!p0 $0x1082;
	s9 =	sld [smem:$0x3FB4]  }
0x2f: {  	lr =	sadd.s32 s0, s3;
	s0 =	sld [smem:$0x3FAB]  }
0x30: {  	s3 =	sld [smem:$0x3FAE]  }
0x31: {  	[smem:$0x3FB7] =	sst s10  }
0x32: {  	s10 =	sld [smem:$0x3FB5];
	_ =	sdelay $0x3  }
0x33: {  	p0 =	seq.s32 s10, $0x1;
	s10 =	sld [smem:$0x3FB7];
	_ =	sdelay $0x3  }
0x34: {  	[smem:$0x3FB7] =	sst s10  }
0x35: {  	s10 =	sld [smem:$0x3FB6];
	_ =	sdelay $0x3  }
0x36: {  	p1 =	seq.s32 s10, $0x1;
	s10 =	sld [smem:$0x3FB7];
	_ =	sdelay $0x3  }
0x37: {  	[smem:$0x3FB7] =	sst s10  }
0x38: {  	s10 =	sld [smem:$0x3FB8]  }
0x39: {  	_ = 	snop;
	(pc) =	sbr.ind lr, $3  }
0x3a: {  	_ = 	snop  }
0x3b: {  	_ = 	snop  }
0x3c: {  	p2 =	seq.s32 s10, $0x1;
	s10 =	sld [smem:$0x3FB7]  }
0x3d: {  	_ =	shalt  }
0x3e: {  	_ =	shalt  }
0x3f: {  	_ =	shalt  }
0x40: {  	_ =	shalt  }
0x41: {  	_ =	shalt  }
0x42: {  	_ =	shalt  }
0x43: {  	_ =	shalt  }
0x44: {  	_ =	shalt  }
0x45: {  	_ =	shalt  }
0x46: {  	_ =	shalt  }
0x47: {  	_ =	shalt  }
0x48: {  	_ =	shalt  }
0x49: {  	_ =	shalt  }
0x4a: {  	_ =	shalt  }
0x4b: {  	_ =	shalt  }
0x4c: {  	_ =	shalt  }
0x4d: {  	_ =	shalt  }
0x4e: {  	_ =	shalt  }
0x4f: {  	_ =	shalt  }
0x50: {  	_ =	shalt  }
0x51: {  	_ =	shalt  }
0x52: {  	_ =	shalt  }
0x53: {  	_ =	shalt  }
0x54: {  	_ =	shalt  }
0x55: {  	_ =	shalt  }
0x56: {  	_ =	shalt  }
0x57: {  	_ =	shalt  }
0x58: {  	_ =	shalt  }
0x59: {  	_ =	shalt  }
0x5a: {  	_ =	shalt  }
0x5b: {  	_ =	shalt  }
0x5c: {  	_ =	shalt  }
0x5d: {  	_ =	shalt  }
0x5e: {  	_ =	shalt  }
0x5f: {  	_ =	shalt  }
0x60: {  	_ =	shalt  }
0x61: {  	_ =	shalt  }
0x62: {  	_ =	shalt  }
0x63: {  	_ =	shalt  }
0x64: {  	_ =	shalt  }
0x65: {  	_ =	shalt  }
0x66: {  	_ =	shalt  }
0x67: {  	_ =	shalt  }
0x68: {  	_ =	shalt  }
0x69: {  	_ =	shalt  }
0x6a: {  	_ =	shalt  }
0x6b: {  	_ =	shalt  }
0x6c: {  	_ =	shalt  }
0x6d: {  	_ =	shalt  }
0x6e: {  	_ =	shalt  }
0x6f: {  	_ =	shalt  }
0x70: {  	_ =	shalt  }
0x71: {  	_ =	shalt  }
0x72: {  	_ =	shalt  }
0x73: {  	_ =	shalt  }
0x74: {  	_ =	shalt  }
0x75: {  	_ =	shalt  }
0x76: {  	_ =	shalt  }
0x77: {  	_ =	shalt  }
0x78: {  	_ =	shalt  }
0x79: {  	_ =	shalt  }
0x7a: {  	_ =	shalt  }
0x7b: {  	_ =	shalt  }
0x7c: {  	_ =	shalt  }
0x7d: {  	_ =	shalt  }
0x7e: {  	_ =	shalt  }
0x7f: {  	_ =	shalt  }
0x80: {  	_ =	shalt  }
0x81: {  	_ =	shalt  }
0x82: {  	_ =	shalt  }
0x83: {  	_ =	shalt  }
0x84: {  	_ =	shalt  }
0x85: {  	_ =	shalt  }
0x86: {  	_ =	shalt  }
0x87: {  	_ =	shalt  }
.Lfunc_end0:
.L_simem_size_0:
called_computation.1_lowered:
.L_overlay_start_0:
0x88: {  	s2 =	sld [smem:$0x3FD9]  }
0x89: {  	s3 =	sld [smem:$0x3FFE];
	_ =	sdelay $0x1  }
0x8a: {  	s1 =	srdreg.scid  }
0x8b: {  	s0 =	sand.u32 $0x1, s1  }
0x8c: {  	s17 =	sshll.u32 s0, $0xA;
	s2 =	sadd.s32 s3, s2  }
0x8d: {  	s2 =	sadd.s32 s2, s17  }
0x8e: {  	[smem:$0x3FC3] =	sst s2  }
0x8f: {  	_ = 	snop  }
0x90: {  	s2 =	sld [smem:$0x3FC5];
	(tm) =	ssettm $0x1  }
0x91: {  	s18 =	sld [smem:$0x3FFB];
	_ =	sdelay $0x3  }
0x92: {  	_ =	strace s18  }
0x93: {  	s3 =	sld [smem:$0x3FFC];
	_ =	sdelay $0x3  }
0x94: {  	_ =	strace s3  }
0x95: {  	s3 =	sld [smem:$0x3FFD];
	_ =	sdelay $0x3  }
0x96: {  	_ =	strace s3  }
0x97: {  	_ =	strace $0x8FFFFFFF  }
0x98: {  	s19 =	sld [smem:$0x3FDB];
	_ =	sdelay $0x1  }
0x99: {  	s4 =	simm.s32 $_scs_section_size  }
0x9a: {  	s5 =	simm.s32 $_size__tile_overlayer_lowered;
	s6 =	simm.s32 $_tile_overlayer_lowered  }
0x9b: {  	s22 =	simm.s32 $0x1BFF;
	s21 =	sshll.u32 s6, $0x1;
	s3 =	sadd.s32 s4, s19  }
0x9c: {  	s7 =	simm.s32 $0x0;
	s20 =	sshll.u32 s5, $0x1;
	s5 =	sadd.s32 s21, s3  }
0x9d: {  	[timem:s7], [sflag:s22] =	dma.local [hbm:s5], s20  }
0x9e: {  	_ =	swait.ge [sflag:s22], s20  }
0x9f: {  	s4 =	ssub.s32 $0x0, s20;
	[sflag:s22] =	ssyncset.done $0x0  }
0xa0: {  	[sflag:s22] =	ssyncadd.s32 s4;
	_ =	sdelay $0x1  }
0xa1: {  	s23 =	simm.s32 $0x1B8B  }
0xa2: {  	_ =	swait.ge [sflag:s23], $0x1  }
0xa3: {  	[sflag:s23] =	ssyncset.done $0x0  }
0xa4: {  	s25 =	simm.s32 $0x1B8E;
	s24 =	sld [smem:$0x3FFE];
	[sflag:s23] =	ssyncadd.s32 $0xFFFFFFFF  }
0xa5: {  	s26 =	simm.s32 $execute0_lowered;
	[smem:$0x3FD2] =	sst s25  }
0xa6: {  	s5 =	sshll.u32 s26, $0x1;
	_ =	strace $0x80000046;
	[dreg:$0x1] =	wrdreg $0xFFFFFFFF  }
0xa7: {  	s28 =	simm.s32 $_size_execute0_lowered;
	s3 =	sadd.s32 s3, s5;
	[dreg:$0x0] =	wrdreg $0x0  }
0xa8: {  	s5 =	sshll.u32 s28, $0x1;
	[dreg:$0x2] =	wrdreg s3  }
0xa9: {  	[dreg:$0x3] =	wrdreg s5  }
0xaa: {  	[dreg:$0x4] =	wrdreg $0xC0  }
0xab: {  	_ =	task [dreg:s7], $0x5FFFF  }
0xac: {  	[dreg:$0x1] =	wrdreg $0xFFFFFFFF  }
0xad: {  	[dreg:$0x0] =	wrdreg $0x60  }
0xae: {  	[dreg:$0x2] =	wrdreg s24  }
0xaf: {  	[dreg:$0x3] =	wrdreg s2  }
0xb0: {  	[dreg:$0x4] =	wrdreg $0xA  }
0xb1: {  	_ =	task.clear_ibuf [dreg:s7], $0x5FFFF;
	_ =	strace $0x90000046  }
0xb2: {  	s29 =	simm.s32 $0xA;
	_ =	strace $0x80000048  }
0xb3: {  	_ =	swait.ge [sflag:s29], $0x1  }
0xb4: {  	[sflag:s29] =	ssyncadd.s32 $0xFFFFFFFF  }
0xb5: {  	_ =	strace $0x90000048  }
0xb6: {  	_ =	sfence  }
0xb7: {  	s30 =	sld [smem:$0x0];
	_ =	sdelay $0x2  }
0xb8: {  	s31 =	sshll.u32 s1, $0xD;
	s1 =	sshrl.u32 s1, $0x2  }
0xb9: {  	s3 =	sand.u32 $0x4000, s31;
	s1 =	sadd.s32 s1, s30  }
0xba: {  	s0 =	sor.u32 s3, s0;
	s1 =	sshll.u32 s1, $0x11  }
0xbb: {  	s0 =	sor.u32 s1, s0  }
0xbc: {  	s0 =	sadd.s32 $0x8F2B, s0  }
0xbd: {  	[sflag:s0] =	ssyncadd.remote.s32 $0x1  }
0xbe: {  	_ =	sfence.sel $0xFFFF  }
0xbf: {  	[dreg:$0x0] =	wrdreg $0xFFFFFFFF;
	(pc) =	sbr.abs _section_cstart, $3  }
0xc0: {  	[dreg:$0x1] =	wrdreg $0xFFFFFFFF  }
0xc1: {  	_ =	task.clear_ibuf [dreg:s7], $0x2FFFF;
	_ =	strace $0x9FFFFFFF  }
0xc2: {  	(tm) =	ssettm $0x7FFFFFFF  }
0xc3: {  	_ =	shalt  }
tec
execute0_lowered:
.L_overlay_start_1:
0x0: {  	(tag) =	ssettag $0x1  }
0x1: {  	s6 =	rddreg [dreg:$0x0]  }
0x2: {  	s2 =	rddreg [dreg:$0x1];
	s3 =	srdreg.scid  }
0x3: {  	s0 =	rddreg [dreg:$0x2];
	s1 =	stileid.u32;
	s11 =	simm.s32 $0x400  }
0x4: {  	s12 =	simm.s32 $0x800;
	s13 =	simm.s32 $0x1;
	s14 =	simm.s32 $0xC80  }
0x5: {  	s15 =	simm.s32 $0x2;
	s16 =	simm.s32 $0x0;
	s5 =	sand.u32 $0x1, s3  }
0x6: {  	s3 =	simm.s32 $0x0;
	s4 =	sshll.u32 s1, $0xB;
	s7 =	sshll.u32 s5, $0xA  }
.Ltmp0:
0x7: {  	[smem:$0x7FF] =	sst s3;
	s4 =	sor.u32 s7, s4;
	(pc) =	sbr.rel .LBB2_1-.Ltmp0, $4  }
0x8: {  	v0 =	vlaneseq.u32;
	s8 =	ssub.s32 $0x2, s5;
	s5 =	sadd.s32 $0x3000, s6;
	s7 =	sshrl.u32 s4, $0x3  }
0x9: {  	v1 =	vmul.u32 $0x80, v0;
	_ =	strace $0x80000047;
	s31 =	sshrl.u32 s8, $0x1;
	s9 =	sadd.s32 s7, s6  }
0xa: {  	vm0 =	vmmov $0x1;
	vm1 =	vmmov $0x7fff;
	s10 =	ssub.s32 s8, s31;
	s6 =	sadd.s32 $0x4200, s6;
	s7 =	sadd.s32 $0x1000, s9  }
0xb: {  	v2 =	vor.u32 $0x800, v1;
	v3 =	vor.u32 $0x1000, v1;
	v4 =	vor.u32 $0x1800, v1;
	s8 =	sadd.s32 $0x2000, s9;
	s9 =	smax.u32 s10, $0x1;
	s10 =	simm.s32 $0x3  }
.LBB2_9:
0xc: {  	s16 =	sadd.s32 $0x1, s16  }
0xd: {  	_ =	swait.ge [sflag:s15], $0x1000;
	p0 =	sne.s32 s16, s9  }
.Ltmp1:
0xe: {  	[sflag:s15] =	ssyncset.done $0x0;
	(pc) =	sbr.rel @!p0 .LBB2_10-.Ltmp1, $4  }
0xf: {  	[sflag:s15] =	ssyncadd.s32 $0xFFFFF000  }
0x10: {  	_ =	swait.ge [sflag:s15], $0x1000  }
0x11: {  	[sflag:s15] =	ssyncset.done $0x0  }
0x12: {  	[sflag:s15] =	ssyncadd.s32 $0xFFFFF000  }
.LBB2_1:
0x13: {  	[tilespmem:s3], [sflag:$0x3] =	stream.linear.gather [hbm4b:s7+s3], $0x400, $0x38;
	[tilespmem:$0x12C80] =	vst v63  }
0x14: {  	_ =	swait.ge [sflag:s10], $0x400  }
0x15: {  	[sflag:s10] =	ssyncset.done $0x0  }
0x16: {  	[sflag:s10] =	ssyncadd.s32 $0xFFFFFC00  }
0x17: {  	[tilespmem:s11], [sflag:$0x3] =	stream.linear.gather [hbm4b:s8+s3], $0x400, $0x38;
	[tilespmem:$0x12C80] =	vst v63  }
0x18: {  	_ =	swait.ge [sflag:s10], $0x400  }
0x19: {  	[sflag:s10] =	ssyncset.done $0x0  }
0x1a: {  	[sflag:s10] =	ssyncadd.s32 $0xFFFFFC00  }
0x1b: {  	v5 =	vld [tilespmem:$0x400];
	_ =	sdelay $0x1  }
0x1c: {  	v6 =	vld [tilespmem:$0x7F0];
	_ =	sdelay $0x2  }
0x1d: {  	v5 =	vnsel vm0, $0x0, v5  }
0x1e: {  	(xrf0) =	vadd.scan.msk.s32 $0xffff, v5  }
0x1f: {  	v5 =	vsel vm1, $0x0, v6  }
0x20: {  	(xrf0) =	vadd.scan.msk.s32 $0xffff, v5;
	_ =	sdelay $0x3  }
0x21: {  	v5, _, _ =	vpop (xrf0)  }
0x22: {  	(v2sf) =	vpush v5, $0xF  }
0x23: {  	v5, _, _ =	vpop (xrf0)  }
0x24: {  	(v2sf) =	vpush v5, $0xF;
	_ =	sdelay $0xc  }
0x25: {  	s17 =	spop (v2sf)  }
0x26: {  	s18 =	sshrl.u32 s17, $0x4  }
0x27: {  	s20 =	spop (v2sf);
	s18 =	sadd.s32 s5, s18  }
0x28: {  	[tilespmem:s12], [sflag:$0x3] =	stream.linear.gather [hbm4b:s18+s3], $0x408, $0x38;
	[tilespmem:$0x12C80] =	vst v63  }
0x29: {  	_ =	swait.ge [sflag:s10], $0x408  }
0x2a: {  	s19 =	sshrl.u32 s17, $0x1;
	s17 =	sshrl.u32 s20, $0x1;
	[sflag:s10] =	ssyncset.done $0x0  }
0x2b: {  	p0 =	sgt.u32 s19, s17;
	[sflag:s10] =	ssyncadd.s32 $0xFFFFFBF8  }
0x2c: {  	v5 =	vld @!p0 [tilespmem:$0x800];
	_ =	sdelay $0x1  }
0x2d: {  	s18 =	sand.u32 @!p0 $0x7, s19  }
0x2e: {  	v7 =	vlaneseq.u32 @!p0;
	v6 =	vmov @!p0 s18  }
0x2f: {  	vm2 =	veq.s32 @!p0 v6, v7  }
0x30: {  	v5 =	vnsel @!p0 vm2, $0x0, v5  }
0x31: {  	(xrf0) =	vadd.scan.msk.s32 @!p0 $0xffff, v5;
	_ =	sdelay $0x5  }
0x32: {  	v5, _, _ =	vpop @!p0 (xrf0)  }
0x33: {  	(v2sf) =	vpush @!p0 v5, $0xF;
	_ =	sdelay $0xe  }
0x34: {  	s20 =	spop @!p0 (v2sf)  }
0x35: {  	s18 =	sshll.u32 @!p0 s19, $0xD;
	s20 =	sshll.u32 @!p0 s20, $0x7  }
0x36: {  	s21 =	simm.s32 @!p0 $0x400;
	s18 =	sand.u32 @!p0 $0xE000, s18;
	s20 =	sand.u32 @!p0 $0x1FFFFF80, s20  }
0x37: {  	s22 =	simm.s32 @!p0 $0x7A1400;
	s18 =	sor.u32 @!p0 $0xC80, s18;
	s20 =	sadd.s32 @!p0 s2, s20  }
0x38: {  	[tilespmem:s18], [sflag:$0x1] =	stream.strided.gather @!p0 [hbm4b:s20+s21], $0x2000, s22, s21, $0x38;
	[tilespmem:$0x12C80] =	vst v63  }
0x39: {  	s20 =	sadd.s32 $0x1, s19  }
0x3a: {  	s18 =	sand.u32 $0x7FFFFFF8, s19;
	p0 =	sgt.s32 s20, s17  }
0x3b: {  	s21 =	ssub.s32 @!p0 s20, s18  }
0x3c: {  	p1 =	sne.s32 @!p0 s20, s18;
	s22 =	sshra.s32 @!p0 s21, $0x1F  }
0x3d: {  	s24 =	simm.s32 @!p0 $0x1;
	p1 =	por !p1, p0;
	s23 =	sshrl.u32 @!p0 s22, $0x1C  }
0x3e: {  	s24 =	simm.s32 @p1 $0x0;
	s23 =	sadd.s32 @!p0 s23, s21  }
0x3f: {  	s22 =	sor.u32 @!p0 s24, s22;
	s25 =	sand.u32 @!p0 $0xFFFFFFF0, s23  }
0x40: {  	p1 =	sne.s32 @!p0 s22, $0x1;
	p2 =	sne.s32 @!p0 s21, s25  }
0x41: {  	p1 =	por @!p0 !p2, !p1  }
0x42: {  	p1 =	por @!p0 !p1, !p1  }
0x43: {  	s22 =	simm.s32 @!p0 $0x1;
	p1 =	por !p1, p0  }
0x44: {  	s23 =	sshrl.u32 @!p0 s23, $0x4;
	s22 =	simm.s32 @p1 $0x0  }
0x45: {  	s22 =	ssub.s32 @!p0 s23, s22  }
0x46: {  	s22 =	sshll.u32 @!p0 s22, $0x6  }
0x47: {  	s22 =	sshra.s32 @!p0 s22, $0x2  }
0x48: {  	v5 =	vld @!p0 [tilespmem:s22+$0x800];
	_ =	sdelay $0x1  }
0x49: {  	s21 =	sand.u32 @!p0 $0xF, s21  }
0x4a: {  	v7 =	vlaneseq.u32 @!p0;
	v6 =	vmov @!p0 s21  }
0x4b: {  	vm2 =	veq.s32 @!p0 v6, v7  }
0x4c: {  	v5 =	vnsel @!p0 vm2, $0x0, v5  }
0x4d: {  	(xrf0) =	vadd.scan.msk.s32 @!p0 $0xffff, v5;
	_ =	sdelay $0x5  }
0x4e: {  	v5, _, _ =	vpop @!p0 (xrf0)  }
0x4f: {  	(v2sf) =	vpush @!p0 v5, $0xF;
	_ =	sdelay $0xe  }
0x50: {  	s20 =	sshll.u32 @!p0 s20, $0xD;
	s21 =	spop @!p0 (v2sf)  }
0x51: {  	s20 =	sand.u32 @!p0 $0xE000, s20;
	s21 =	sshll.u32 @!p0 s21, $0x7  }
0x52: {  	s20 =	sor.u32 @!p0 $0xC80, s20;
	s21 =	sand.u32 @!p0 $0x1FFFFF80, s21  }
0x53: {  	s23 =	simm.s32 @!p0 $0x7A1400;
	s22 =	simm.s32 @!p0 $0x400;
	s21 =	sadd.s32 @!p0 s2, s21  }
0x54: {  	[tilespmem:s20], [sflag:$0x1] =	stream.strided.gather @!p0 [hbm4b:s21+s22], $0x2000, s23, s22, $0x38;
	[tilespmem:$0x12C80] =	vst v63  }
0x55: {  	s20 =	sadd.s32 $0x2, s19  }
0x56: {  	p0 =	sgt.s32 s20, s17  }
0x57: {  	s21 =	ssub.s32 @!p0 s20, s18  }
0x58: {  	p1 =	sne.s32 @!p0 s20, s18;
	s22 =	sshra.s32 @!p0 s21, $0x1F  }
0x59: {  	s24 =	simm.s32 @!p0 $0x1;
	p1 =	por !p1, p0;
	s23 =	sshrl.u32 @!p0 s22, $0x1C  }
0x5a: {  	s24 =	simm.s32 @p1 $0x0;
	s23 =	sadd.s32 @!p0 s23, s21  }
0x5b: {  	s22 =	sor.u32 @!p0 s24, s22;
	s25 =	sand.u32 @!p0 $0xFFFFFFF0, s23  }
0x5c: {  	p1 =	sne.s32 @!p0 s22, $0x1;
	p2 =	sne.s32 @!p0 s21, s25  }
0x5d: {  	p1 =	por @!p0 !p2, !p1  }
0x5e: {  	p1 =	por @!p0 !p1, !p1  }
0x5f: {  	s22 =	simm.s32 @!p0 $0x1;
	p1 =	por !p1, p0  }
0x60: {  	s23 =	sshrl.u32 @!p0 s23, $0x4;
	s22 =	simm.s32 @p1 $0x0  }
0x61: {  	s22 =	ssub.s32 @!p0 s23, s22  }
0x62: {  	s22 =	sshll.u32 @!p0 s22, $0x6  }
0x63: {  	s22 =	sshra.s32 @!p0 s22, $0x2  }
0x64: {  	v5 =	vld @!p0 [tilespmem:s22+$0x800];
	_ =	sdelay $0x1  }
0x65: {  	s21 =	sand.u32 @!p0 $0xF, s21  }
0x66: {  	v7 =	vlaneseq.u32 @!p0;
	v6 =	vmov @!p0 s21  }
0x67: {  	vm2 =	veq.s32 @!p0 v6, v7  }
0x68: {  	v5 =	vnsel @!p0 vm2, $0x0, v5  }
0x69: {  	(xrf0) =	vadd.scan.msk.s32 @!p0 $0xffff, v5;
	_ =	sdelay $0x5  }
0x6a: {  	v5, _, _ =	vpop @!p0 (xrf0)  }
0x6b: {  	(v2sf) =	vpush @!p0 v5, $0xF;
	_ =	sdelay $0xe  }
0x6c: {  	s20 =	sshll.u32 @!p0 s20, $0xD;
	s21 =	spop @!p0 (v2sf)  }
0x6d: {  	s20 =	sand.u32 @!p0 $0xE000, s20;
	s21 =	sshll.u32 @!p0 s21, $0x7  }
0x6e: {  	s20 =	sor.u32 @!p0 $0xC80, s20;
	s21 =	sand.u32 @!p0 $0x1FFFFF80, s21  }
0x6f: {  	s23 =	simm.s32 @!p0 $0x7A1400;
	s22 =	simm.s32 @!p0 $0x400;
	s21 =	sadd.s32 @!p0 s2, s21  }
0x70: {  	[tilespmem:s20], [sflag:$0x1] =	stream.strided.gather @!p0 [hbm4b:s21+s22], $0x2000, s23, s22, $0x38;
	[tilespmem:$0x12C80] =	vst v63  }
0x71: {  	s20 =	sadd.s32 $0x3, s19  }
0x72: {  	p0 =	sgt.s32 s20, s17  }
0x73: {  	s21 =	ssub.s32 @!p0 s20, s18  }
0x74: {  	p1 =	sne.s32 @!p0 s20, s18;
	s22 =	sshra.s32 @!p0 s21, $0x1F  }
0x75: {  	s24 =	simm.s32 @!p0 $0x1;
	p1 =	por !p1, p0;
	s23 =	sshrl.u32 @!p0 s22, $0x1C  }
0x76: {  	s24 =	simm.s32 @p1 $0x0;
	s23 =	sadd.s32 @!p0 s23, s21  }
0x77: {  	s22 =	sor.u32 @!p0 s24, s22;
	s25 =	sand.u32 @!p0 $0xFFFFFFF0, s23  }
0x78: {  	p1 =	sne.s32 @!p0 s22, $0x1;
	p2 =	sne.s32 @!p0 s21, s25  }
0x79: {  	p1 =	por @!p0 !p2, !p1  }
0x7a: {  	p1 =	por @!p0 !p1, !p1  }
0x7b: {  	s22 =	simm.s32 @!p0 $0x1;
	p1 =	por !p1, p0  }
0x7c: {  	s23 =	sshrl.u32 @!p0 s23, $0x4;
	s22 =	simm.s32 @p1 $0x0  }
0x7d: {  	s22 =	ssub.s32 @!p0 s23, s22  }
0x7e: {  	s22 =	sshll.u32 @!p0 s22, $0x6  }
0x7f: {  	s22 =	sshra.s32 @!p0 s22, $0x2  }
0x80: {  	v5 =	vld @!p0 [tilespmem:s22+$0x800];
	_ =	sdelay $0x1  }
0x81: {  	s21 =	sand.u32 @!p0 $0xF, s21  }
0x82: {  	v7 =	vlaneseq.u32 @!p0;
	v6 =	vmov @!p0 s21  }
0x83: {  	vm2 =	veq.s32 @!p0 v6, v7  }
0x84: {  	v5 =	vnsel @!p0 vm2, $0x0, v5  }
0x85: {  	(xrf0) =	vadd.scan.msk.s32 @!p0 $0xffff, v5;
	_ =	sdelay $0x5  }
0x86: {  	v5, _, _ =	vpop @!p0 (xrf0)  }
0x87: {  	(v2sf) =	vpush @!p0 v5, $0xF;
	_ =	sdelay $0xe  }
0x88: {  	s20 =	sshll.u32 @!p0 s20, $0xD;
	s21 =	spop @!p0 (v2sf)  }
0x89: {  	s20 =	sand.u32 @!p0 $0xE000, s20;
	s21 =	sshll.u32 @!p0 s21, $0x7  }
0x8a: {  	s20 =	sor.u32 @!p0 $0xC80, s20;
	s21 =	sand.u32 @!p0 $0x1FFFFF80, s21  }
0x8b: {  	s23 =	simm.s32 @!p0 $0x7A1400;
	s22 =	simm.s32 @!p0 $0x400;
	s21 =	sadd.s32 @!p0 s2, s21  }
0x8c: {  	[tilespmem:s20], [sflag:$0x1] =	stream.strided.gather @!p0 [hbm4b:s21+s22], $0x2000, s23, s22, $0x38;
	[tilespmem:$0x12C80] =	vst v63  }
0x8d: {  	s20 =	sadd.s32 $0x4, s19  }
0x8e: {  	p0 =	sgt.s32 s20, s17  }
0x8f: {  	s21 =	ssub.s32 @!p0 s20, s18  }
0x90: {  	p1 =	sne.s32 @!p0 s20, s18;
	s22 =	sshra.s32 @!p0 s21, $0x1F  }
0x91: {  	s24 =	simm.s32 @!p0 $0x1;
	p1 =	por !p1, p0;
	s23 =	sshrl.u32 @!p0 s22, $0x1C  }
0x92: {  	s24 =	simm.s32 @p1 $0x0;
	s23 =	sadd.s32 @!p0 s23, s21  }
0x93: {  	s22 =	sor.u32 @!p0 s24, s22;
	s25 =	sand.u32 @!p0 $0xFFFFFFF0, s23  }
0x94: {  	p1 =	sne.s32 @!p0 s22, $0x1;
	p2 =	sne.s32 @!p0 s21, s25  }
0x95: {  	p1 =	por @!p0 !p2, !p1  }
0x96: {  	p1 =	por @!p0 !p1, !p1  }
0x97: {  	s22 =	simm.s32 @!p0 $0x1;
	p1 =	por !p1, p0  }
0x98: {  	s23 =	sshrl.u32 @!p0 s23, $0x4;
	s22 =	simm.s32 @p1 $0x0  }
0x99: {  	s22 =	ssub.s32 @!p0 s23, s22  }
0x9a: {  	s22 =	sshll.u32 @!p0 s22, $0x6  }
0x9b: {  	s22 =	sshra.s32 @!p0 s22, $0x2  }
0x9c: {  	v5 =	vld @!p0 [tilespmem:s22+$0x800];
	_ =	sdelay $0x1  }
0x9d: {  	s21 =	sand.u32 @!p0 $0xF, s21  }
0x9e: {  	v7 =	vlaneseq.u32 @!p0;
	v6 =	vmov @!p0 s21  }
0x9f: {  	vm2 =	veq.s32 @!p0 v6, v7  }
0xa0: {  	v5 =	vnsel @!p0 vm2, $0x0, v5  }
0xa1: {  	(xrf0) =	vadd.scan.msk.s32 @!p0 $0xffff, v5;
	_ =	sdelay $0x5  }
0xa2: {  	v5, _, _ =	vpop @!p0 (xrf0)  }
0xa3: {  	(v2sf) =	vpush @!p0 v5, $0xF;
	_ =	sdelay $0xe  }
0xa4: {  	s20 =	sshll.u32 @!p0 s20, $0xD;
	s21 =	spop @!p0 (v2sf)  }
0xa5: {  	s20 =	sand.u32 @!p0 $0xE000, s20;
	s21 =	sshll.u32 @!p0 s21, $0x7  }
0xa6: {  	s20 =	sor.u32 @!p0 $0xC80, s20;
	s21 =	sand.u32 @!p0 $0x1FFFFF80, s21  }
0xa7: {  	s23 =	simm.s32 @!p0 $0x7A1400;
	s22 =	simm.s32 @!p0 $0x400;
	s21 =	sadd.s32 @!p0 s2, s21  }
0xa8: {  	[tilespmem:s20], [sflag:$0x1] =	stream.strided.gather @!p0 [hbm4b:s21+s22], $0x2000, s23, s22, $0x38;
	[tilespmem:$0x12C80] =	vst v63  }
0xa9: {  	s20 =	sadd.s32 $0x5, s19  }
0xaa: {  	p0 =	sgt.s32 s20, s17  }
0xab: {  	s21 =	ssub.s32 @!p0 s20, s18  }
0xac: {  	p1 =	sne.s32 @!p0 s20, s18;
	s22 =	sshra.s32 @!p0 s21, $0x1F  }
0xad: {  	s24 =	simm.s32 @!p0 $0x1;
	p1 =	por !p1, p0;
	s23 =	sshrl.u32 @!p0 s22, $0x1C  }
0xae: {  	s24 =	simm.s32 @p1 $0x0;
	s23 =	sadd.s32 @!p0 s23, s21  }
0xaf: {  	s22 =	sor.u32 @!p0 s24, s22;
	s25 =	sand.u32 @!p0 $0xFFFFFFF0, s23  }
0xb0: {  	p1 =	sne.s32 @!p0 s22, $0x1;
	p2 =	sne.s32 @!p0 s21, s25  }
0xb1: {  	p1 =	por @!p0 !p2, !p1  }
0xb2: {  	p1 =	por @!p0 !p1, !p1  }
0xb3: {  	s22 =	simm.s32 @!p0 $0x1;
	p1 =	por !p1, p0  }
0xb4: {  	s23 =	sshrl.u32 @!p0 s23, $0x4;
	s22 =	simm.s32 @p1 $0x0  }
0xb5: {  	s22 =	ssub.s32 @!p0 s23, s22  }
0xb6: {  	s22 =	sshll.u32 @!p0 s22, $0x6  }
0xb7: {  	s22 =	sshra.s32 @!p0 s22, $0x2  }
0xb8: {  	v5 =	vld @!p0 [tilespmem:s22+$0x800];
	_ =	sdelay $0x1  }
0xb9: {  	s21 =	sand.u32 @!p0 $0xF, s21  }
0xba: {  	v7 =	vlaneseq.u32 @!p0;
	v6 =	vmov @!p0 s21  }
0xbb: {  	vm2 =	veq.s32 @!p0 v6, v7  }
0xbc: {  	v5 =	vnsel @!p0 vm2, $0x0, v5  }
0xbd: {  	(xrf0) =	vadd.scan.msk.s32 @!p0 $0xffff, v5;
	_ =	sdelay $0x5  }
0xbe: {  	v5, _, _ =	vpop @!p0 (xrf0)  }
0xbf: {  	(v2sf) =	vpush @!p0 v5, $0xF;
	_ =	sdelay $0xe  }
0xc0: {  	s20 =	sshll.u32 @!p0 s20, $0xD;
	s21 =	spop @!p0 (v2sf)  }
0xc1: {  	s20 =	sand.u32 @!p0 $0xE000, s20;
	s21 =	sshll.u32 @!p0 s21, $0x7  }
0xc2: {  	s19 =	sadd.s32 $0x6, s19;
	s20 =	sor.u32 @!p0 $0xC80, s20;
	s21 =	sand.u32 @!p0 $0x1FFFFF80, s21  }
0xc3: {  	s23 =	simm.s32 @!p0 $0x7A1400;
	s22 =	simm.s32 @!p0 $0x400;
	s21 =	sadd.s32 @!p0 s2, s21  }
0xc4: {  	[tilespmem:s20], [sflag:$0x1] =	stream.strided.gather @!p0 [hbm4b:s21+s22], $0x2000, s23, s22, $0x38;
	[tilespmem:$0x12C80] =	vst v63  }
0xc5: {  	p0 =	sgt.s32 s19, s17  }
0xc6: {  	s20 =	ssub.s32 @!p0 s19, s18  }
0xc7: {  	p1 =	sne.s32 @!p0 s19, s18;
	s21 =	sshra.s32 @!p0 s20, $0x1F  }
0xc8: {  	s23 =	simm.s32 @!p0 $0x1;
	p1 =	por !p1, p0;
	s22 =	sshrl.u32 @!p0 s21, $0x1C  }
0xc9: {  	s23 =	simm.s32 @p1 $0x0;
	s22 =	sadd.s32 @!p0 s22, s20  }
0xca: {  	s21 =	sor.u32 @!p0 s23, s21;
	s24 =	sand.u32 @!p0 $0xFFFFFFF0, s22  }
0xcb: {  	p1 =	sne.s32 @!p0 s21, $0x1;
	p2 =	sne.s32 @!p0 s20, s24  }
0xcc: {  	p1 =	por @!p0 !p2, !p1  }
0xcd: {  	p1 =	por @!p0 !p1, !p1  }
0xce: {  	s21 =	simm.s32 @!p0 $0x1;
	p1 =	por !p1, p0  }
0xcf: {  	s22 =	sshrl.u32 @!p0 s22, $0x4;
	s21 =	simm.s32 @p1 $0x0  }
0xd0: {  	s21 =	ssub.s32 @!p0 s22, s21  }
0xd1: {  	s21 =	sshll.u32 @!p0 s21, $0x6  }
0xd2: {  	s21 =	sshra.s32 @!p0 s21, $0x2  }
0xd3: {  	v5 =	vld @!p0 [tilespmem:s21+$0x800];
	_ =	sdelay $0x1  }
0xd4: {  	s20 =	sand.u32 @!p0 $0xF, s20  }
0xd5: {  	v7 =	vlaneseq.u32 @!p0;
	v6 =	vmov @!p0 s20  }
0xd6: {  	vm2 =	veq.s32 @!p0 v6, v7  }
0xd7: {  	v5 =	vnsel @!p0 vm2, $0x0, v5  }
0xd8: {  	(xrf0) =	vadd.scan.msk.s32 @!p0 $0xffff, v5;
	_ =	sdelay $0x5  }
0xd9: {  	v5, _, _ =	vpop @!p0 (xrf0)  }
0xda: {  	(v2sf) =	vpush @!p0 v5, $0xF;
	_ =	sdelay $0xe  }
0xdb: {  	s19 =	sshll.u32 @!p0 s19, $0xD;
	s20 =	spop @!p0 (v2sf)  }
.Ltmp2:
0xdc: {  	s19 =	sand.u32 @!p0 $0xE000, s19;
	s20 =	sshll.u32 @!p0 s20, $0x7;
	(pc) =	sbr.rel .LBB2_2-.Ltmp2, $4  }
0xdd: {  	s19 =	sor.u32 @!p0 $0xC80, s19;
	s20 =	sand.u32 @!p0 $0x1FFFFF80, s20  }
0xde: {  	s22 =	simm.s32 @!p0 $0x7A1400;
	s21 =	simm.s32 @!p0 $0x400;
	s20 =	sadd.s32 @!p0 s2, s20  }
0xdf: {  	[tilespmem:s19], [sflag:$0x1] =	stream.strided.gather @!p0 [hbm4b:s20+s21], $0x2000, s22, s21, $0x38;
	[tilespmem:$0x12C80] =	vst v63  }
0xe0: {  	s19 =	simm.s32 $0x0;
	s20 =	simm.s32 $0x0  }
.LBB2_8:
0xe1: {  	s20 =	sadd.s32 $0x1, s20  }
0xe2: {  	p0 =	sne.s32 s20, $0x400  }
.Ltmp3:
0xe3: {  	_ = 	snop;
	(pc) =	sbr.rel @!p0 .LBB2_9-.Ltmp3, $2  }
0xe4: {  	_ =	sdelay $0x2  }
0xe5: {  	s19 =	sadd.s32 $0x2, s19  }
.LBB2_2:
0xe6: {  	s21 =	sand.u32 $0x3F, s20;
	p0 =	slt.u32 s20, $0x80  }
0xe7: {  	p1 =	sne.s32 @!p0 s21, $0x0  }
0xe8: {  	p0 =	por p1, p0  }
0xe9: {  	s22 =	simm.s32 @!p0 $0x2  }
0xea: {  	_ =	swait.ge @!p0 [sflag:s22], $0x1000  }
0xeb: {  	[sflag:s22] =	ssyncset.done @!p0 $0x0  }
0xec: {  	[sflag:s22] =	ssyncadd.s32 @!p0 $0xFFFFF000;
	s22 =	sand.u32 $0x3F0, s20  }
0xed: {  	v5 =	vld [tilespmem:s22+$0x400];
	_ =	sdelay $0x1  }
0xee: {  	s23 =	sand.u32 $0xF, s20  }
0xef: {  	v6 =	vmov s23  }
0xf0: {  	vm2 =	veq.s32 v6, v0  }
0xf1: {  	v5 =	vnsel vm2, $0x0, v5  }
0xf2: {  	(xrf0) =	vadd.scan.msk.s32 $0xffff, v5;
	_ =	sdelay $0x5  }
0xf3: {  	v5, _, _ =	vpop (xrf0)  }
0xf4: {  	(v2sf) =	vpush v5, $0xF;
	_ =	sdelay $0xe  }
0xf5: {  	s31 =	spop (v2sf)  }
0xf6: {  	s24 =	sand.u32 $0x1, s31  }
0xf7: {  	p6 =	seq.s32 s20, $0x0;
	p5 =	seq.s32 s24, $0x1  }
0xf8: {  	p0 =	por p6, p5  }
.Ltmp4:
0xf9: {  	_ = 	snop;
	(pc) =	sbr.rel @!p0 .LBB2_4-.Ltmp4, $2  }
0xfa: {  	_ =	sdelay $0x2  }
0xfb: {  	s23 =	sshrl.u32 s31, $0x1  }
0xfc: {  	s24 =	sadd.s32 $0x7, s23  }
0xfd: {  	p0 =	sgt.s32 s24, s17  }
0xfe: {  	s25 =	ssub.s32 @!p0 s24, s18  }
0xff: {  	p1 =	sne.s32 @!p0 s24, s18;
	s26 =	sshra.s32 @!p0 s25, $0x1F  }
0x100: {  	s29 =	simm.s32 @!p0 $0x1;
	p1 =	por !p1, p0;
	s28 =	sshrl.u32 @!p0 s26, $0x1C  }
0x101: {  	s29 =	simm.s32 @p1 $0x0;
	s28 =	sadd.s32 @!p0 s28, s25  }
0x102: {  	s26 =	sor.u32 @!p0 s29, s26;
	s30 =	sand.u32 @!p0 $0xFFFFFFF0, s28  }
0x103: {  	p1 =	sne.s32 @!p0 s26, $0x1;
	p2 =	sne.s32 @!p0 s25, s30  }
0x104: {  	p1 =	por @!p0 !p2, !p1  }
0x105: {  	p1 =	por @!p0 !p1, !p1  }
0x106: {  	s26 =	simm.s32 @!p0 $0x1;
	p1 =	por !p1, p0  }
0x107: {  	s28 =	sshrl.u32 @!p0 s28, $0x4;
	s26 =	simm.s32 @p1 $0x0  }
0x108: {  	_ =	swait.ge [sflag:s13], $0x2000;
	s26 =	ssub.s32 @!p0 s28, s26  }
0x109: {  	[sflag:s13] =	ssyncset.done $0x0;
	s26 =	sshll.u32 @!p0 s26, $0x6  }
0x10a: {  	[sflag:s13] =	ssyncadd.s32 $0xFFFFE000;
	s26 =	sshra.s32 @!p0 s26, $0x2  }
0x10b: {  	v5 =	vld @!p0 [tilespmem:s26+$0x800];
	_ =	sdelay $0x1  }
0x10c: {  	s25 =	sand.u32 @!p0 $0xF, s25  }
0x10d: {  	v7 =	vlaneseq.u32 @!p0;
	v6 =	vmov @!p0 s25  }
0x10e: {  	vm3 =	veq.s32 @!p0 v6, v7  }
0x10f: {  	v5 =	vnsel @!p0 vm3, $0x0, v5  }
0x110: {  	(xrf0) =	vadd.scan.msk.s32 @!p0 $0xffff, v5;
	_ =	sdelay $0x5  }
0x111: {  	v5, _, _ =	vpop @!p0 (xrf0)  }
0x112: {  	(v2sf) =	vpush @!p0 v5, $0xF;
	_ =	sdelay $0xe  }
0x113: {  	s24 =	sshll.u32 @!p0 s24, $0xD;
	s25 =	spop @!p0 (v2sf)  }
0x114: {  	s24 =	sand.u32 @!p0 $0xE000, s24;
	s25 =	sshll.u32 @!p0 s25, $0x7  }
0x115: {  	s24 =	sor.u32 @!p0 $0xC80, s24;
	s25 =	sand.u32 @!p0 $0x1FFFFF80, s25  }
0x116: {  	s28 =	simm.s32 @!p0 $0x7A1400;
	s26 =	simm.s32 @!p0 $0x400;
	s25 =	sadd.s32 @!p0 s2, s25  }
0x117: {  	[tilespmem:s24], [sflag:$0x1] =	stream.strided.gather @!p0 [hbm4b:s25+s26], $0x2000, s28, s26, $0x38;
	[tilespmem:$0x12C80] =	vst v63  }
.LBB2_4:
0x118: {  	v5 =	vld [tilespmem:s22+$0x0];
	_ =	sdelay $0x4  }
0x119: {  	v5 =	vnsel vm2, $0x0, v5  }
0x11a: {  	(xrf0) =	vadd.scan.msk.s32 $0xffff, v5;
	_ =	sdelay $0x5  }
0x11b: {  	v5, _, _ =	vpop (xrf0)  }
0x11c: {  	(v2sf) =	vpush v5, $0xF;
	_ =	sdelay $0xe  }
0x11d: {  	s29 =	sand.u32 $0x7, s23;
	s30 =	spop (v2sf)  }
0x11e: {  	s22 =	sshll.u32 s29, $0xD;
	s23 =	sand.u32 $0x7F, s30  }
0x11f: {  	s22 =	sor.u32 s22, s23  }
0x120: {  	v5 =	vor.u32 s22, v1;
	_ =	sdelay $0x4  }
0x121: {  	v5 =	vld.idx.msk [tilespmem:v5+s14+$0x0], $0xffff  }
0x122: {  	s31 =	sshll.u32 s20, $0x6;
	s24 =	sshll.u32 s20, $0x7;
	v6 =	vor.u32 s22, v2  }
0x123: {  	s25 =	sshll.u32 s20, $0x1;
	s24 =	sand.u32 $0x1F00, s24;
	s23 =	sand.u32 $0x40, s31  }
0x124: {  	s25 =	sand.u32 $0x80, s25;
	s23 =	sor.u32 s23, s24  }
0x125: {  	s23 =	sor.u32 s25, s23  }
0x126: {  	[tilespmem:s23+$0x10C80] =	vst v5  }
0x127: {  	v5 =	vld.idx.msk [tilespmem:v6+s14+$0x0], $0xffff  }
0x128: {  	v6 =	vor.u32 s22, v3;
	_ =	sdelay $0x2  }
0x129: {  	s23 =	sadd.s32 $0x10C80, s23  }
0x12a: {  	[tilespmem:s23+$0x10] =	vst v5  }
0x12b: {  	v5 =	vld.idx.msk [tilespmem:v6+s14+$0x0], $0xffff  }
0x12c: {  	v6 =	vor.u32 s22, v4;
	_ =	sdelay $0x3  }
0x12d: {  	[tilespmem:s23+$0x20] =	vst v5  }
0x12e: {  	p0 =	sne.s32 s21, $0x3F;
	v5 =	vld.idx.msk [tilespmem:v6+s14+$0x0], $0xffff  }
.Ltmp5:
0x12f: {  	_ = 	snop;
	(pc) =	sbr.rel @p0 .LBB2_8-.Ltmp5, $2  }
0x130: {  	_ =	sdelay $0x2  }
0x131: {  	[tilespmem:s23+$0x30] =	vst v5  }
0x132: {  	s21 =	sadd.s32 s4, s20  }
0x133: {  	s21 =	sshll.u32 s21, $0x6  }
0x134: {  	s21 =	sadd.s32 $0xFFFFF040, s21  }
0x135: {  	s22 =	sand.u32 $0x80, s19;
	s23 =	sshrl.u32 s21, $0x3  }
0x136: {  	s21 =	sadd.s32 $0x10C80, s22;
	s22 =	sadd.s32 s6, s23  }
0x137: {  	s23 =	simm.s32 $0x10;
	s24 =	sadd.s32 $0x100, s21;
	s25 =	sadd.s32 $0x0, s22  }
.LBB2_6:
0x138: {  	[hbm4b:s25+s3] =	stream.linear.scatter [tilespmem:s21], [sflag:$0x2], $0x80, $0x38;
	[tilespmem:$0x12C80] =	vst v63  }
0x139: {  	s25 =	smov.u32 s23;
	s21 =	smov.u32 s24;
	p0 =	sne.s32 s23, $0x1F0  }
.Ltmp6:
0x13a: {  	s23 =	sadd.s32 $0x10, s23;
	(pc) =	sbr.rel @p0 .LBB2_6-.Ltmp6, $2  }
0x13b: {  	_ =	sdelay $0x2  }
0x13c: {  	s24 =	sadd.s32 $0x100, s24;
	s25 =	sadd.s32 s25, s22  }
.Ltmp7:
0x13d: {  	(pc) =	sbr.rel .LBB2_8-.Ltmp7, $2  }
0x13e: {  	_ =	sdelay $0x2  }
0x13f: {  	[hbm4b:s25+s3] =	stream.linear.scatter [tilespmem:s21], [sflag:$0x2], $0x80, $0x38;
	[tilespmem:$0x12C80] =	vst v63  }
.LBB2_10:
0x140: {  	_ =	sfence.sel $0x180000  }
0x141: {  	[bflag:$0x0] =	sbarrier.arrive $0xFFFF  }
0x142: {  	p0 =	sne.s32 s1, $0x0;
	_ =	strace $0x90000047  }
0x143: {  	s0 =	sadd.s32 @!p0 $0x100000, s0;
	[bflag:$0x2] =	sbarrier.arrive $0xFFFF  }
0x144: {  	[sflag:s0] =	ssyncadd.tile.s32 @!p0 $0x1;
	_ =	shalt  }
.Lfunc_end2:
_tile_overlayer_lowered:
.L_overlay_start_2:
0x145: {  	(tag) =	ssettag $0x2  }
0x146: {  	s0 =	rddreg [dreg:$0x0];
	s2 =	stileid.u32  }
0x147: {  	s1 =	rddreg [dreg:$0x1];
	p0 =	sne.s32 s2, $0x0  }
0x148: {  	s3 =	rddreg [dreg:$0x2];
	[bflag:$0x3] =	sbarrier.arrive $0xFFFF;
	s2 =	simm.s32 @!p0 $0x1C03  }
0x149: {  	[timem:s3], [sflag:s2] =	dma.local @!p0 [hbm:s0], s1  }
0x14a: {  	s0 =	simm.s32 @!p0 $0x3  }
0x14b: {  	_ =	swait.ge @!p0 [sflag:s0], s1  }
0x14c: {  	s1 =	ssub.s32 @!p0 $0x0, s1;
	[sflag:s0] =	ssyncset.done @!p0 $0x0  }
0x14d: {  	[sflag:s0] =	ssyncadd.s32 @!p0 s1  }
0x14e: {  	[bflag:$0x3] =	sbarrier.arrive $0xFFFF  }
0x14f: {  	_ =	shalt  }

</sc_bundles>
